<compile_context>
chip_gen: v7x
topology: tpu7x:2x2x1
jax: 0.10.2.dev20260603
libtpu: 0.0.44.dev20260713+nightly
codegen_flags: <defaults>
</compile_context>

<pallas_src>
import dataclasses
import functools

import jax
import jax.numpy as jnp
from jax import lax
from jax.experimental import pallas as pl
from jax.experimental.pallas import tpu as pltpu
from jax.experimental.pallas import tpu_sc as plsc

N = 10000
NP = 10240
E = 320000
D_IN = 128
HID = 128
OUT3 = 64

NC = 2
NS = 16
NW = NC * NS
CH = 128
CPT = 80
EPAD = NW * CPT * CH
EPW = CPT * CH
RPT = NP // NS
ZB = RPT // CH

_mesh = plsc.VectorSubcoreMesh(
    core_axis_name="c", subcore_axis_name="s", num_cores=NC, num_subcores=NS
)

_sc_params = pltpu.CompilerParams()
if "needs_layout_passes" in pltpu.CompilerParams.__dataclass_fields__:
    _sc_params = dataclasses.replace(_sc_params, needs_layout_passes=False)


def _make_spmm(d):
    nseg = d // 16

    @functools.partial(
        pl.kernel,
        out_type=jax.ShapeDtypeStruct((NC, NP, d), jnp.float32),
        mesh=_mesh,
        scratch_types=[
            pltpu.VMEM((CPT, CH), jnp.int32),
            pltpu.VMEM((CPT, CH), jnp.int32),
            pltpu.VMEM((CPT, CH), jnp.float32),
            pltpu.VMEM((CH, d), jnp.float32),
            pltpu.VMEM((CH, d), jnp.float32),
            pltpu.VMEM((ZB, CH), jnp.int32),
            pltpu.VMEM_SHARED((NP, d), jnp.float32),
            pltpu.SemaphoreType.DMA,
            pltpu.SemaphoreType.DMA,
        ],
        compiler_params=_sc_params,
    )
    def spmm(y_hbm, row_hbm, col_hbm, ew_hbm, out_hbm,
             row_v, col_v, ew_v, rows_a, rows_b, zidx_v, t_sh, sem_a, sem_b):
        cid = lax.axis_index("c")
        sid = lax.axis_index("s")
        wid = cid * NS + sid
        zrow = jnp.zeros((16,), jnp.float32)

        @pl.loop(0, CH)
        def _(i):
            for g in range(nseg):
                rows_a[i, pl.ds(g * 16, 16)] = zrow

        @pl.loop(0, ZB)
        def _(b):
            for g in range(CH // 16):
                zidx_v[b, pl.ds(g * 16, 16)] = (
                    lax.iota(jnp.int32, 16) + (sid * RPT + b * CH + g * 16)
                )

        @pl.loop(0, ZB)
        def _(b):
            pltpu.sync_copy(rows_a, t_sh.at[zidx_v.at[b]])

        pltpu.sync_copy(row_hbm.at[pl.ds(wid * CPT, CPT)], row_v)
        pltpu.sync_copy(col_hbm.at[pl.ds(wid * CPT, CPT)], col_v)
        pltpu.sync_copy(ew_hbm.at[pl.ds(wid * CPT, CPT)], ew_v)
        plsc.subcore_barrier()

        def scale_and_scatter(buf, j):
            sj = jnp.full((16,), j, jnp.int32)

            @pl.loop(0, CH // 2)
            def _(rr):
                r = 2 * rr
                ewb0 = plsc.load_gather(ew_v, [sj, jnp.full((16,), r, jnp.int32)])
                ewb1 = plsc.load_gather(
                    ew_v, [sj, jnp.full((16,), r + 1, jnp.int32)]
                )
                for g in range(nseg):
                    buf[r, pl.ds(g * 16, 16)] = buf[r, pl.ds(g * 16, 16)] * ewb0
                for g in range(nseg):
                    buf[r + 1, pl.ds(g * 16, 16)] = (
                        buf[r + 1, pl.ds(g * 16, 16)] * ewb1
                    )

            pltpu.sync_copy(buf, t_sh.at[col_v.at[j]], add=True)

        @pl.loop(0, CPT)
        def _(j):
            pltpu.async_copy(y_hbm.at[row_v.at[j]], rows_a, sem_a).wait()
            scale_and_scatter(rows_a, j)

        plsc.subcore_barrier()
        pltpu.sync_copy(
            t_sh.at[pl.ds(sid * RPT, RPT)], out_hbm.at[cid, pl.ds(sid * RPT, RPT)]
        )

    return spmm


_spmm128 = _make_spmm(HID)


_RB = 2000


def _mm_body(x_ref, w_ref, o_ref):
    o_ref[...] = jnp.dot(x_ref[...], w_ref[...], preferred_element_type=jnp.float32)


def _matmul(x, w):
    m, k = x.shape
    n = w.shape[1]
    return pl.pallas_call(
        _mm_body,
        grid=(m // _RB,),
        in_specs=[
            pl.BlockSpec((_RB, k), lambda i: (i, 0)),
            pl.BlockSpec((k, n), lambda i: (0, 0)),
        ],
        out_specs=pl.BlockSpec((_RB, n), lambda i: (i, 0)),
        out_shape=jax.ShapeDtypeStruct((m, n), jnp.float32),
    )(x, w)


def _dinv_of(degp_ref):
    deg = degp_ref[0, :, 0:1] + degp_ref[1, :, 0:1] + 1.0
    return lax.rsqrt(deg)


def _scale_body(degp_ref, xw_ref, o_ref):
    o_ref[...] = _dinv_of(degp_ref) * xw_ref[...]


def _scale(degp, xw):
    return pl.pallas_call(
        _scale_body,
        grid=(N // _RB,),
        in_specs=[
            pl.BlockSpec((NC, _RB, HID), lambda i: (0, i, 0)),
            pl.BlockSpec((_RB, xw.shape[1]), lambda i: (i, 0)),
        ],
        out_specs=pl.BlockSpec((_RB, xw.shape[1]), lambda i: (i, 0)),
        out_shape=jax.ShapeDtypeStruct(xw.shape, jnp.float32),
    )(degp, xw)


def _layer_body(degp_ref, tp_ref, y_ref, b_ref, w_ref, o_ref):
    dinv = _dinv_of(degp_ref)
    h = tp_ref[0] + tp_ref[1] + y_ref[...]
    h = jax.nn.relu(dinv * h + b_ref[...][None, :])
    o_ref[...] = dinv * jnp.dot(h, w_ref[...], preferred_element_type=jnp.float32)


def _layer(degp, tp, y, b, w):
    d = y.shape[1]
    n_out = w.shape[1]
    return pl.pallas_call(
        _layer_body,
        grid=(N // _RB,),
        in_specs=[
            pl.BlockSpec((NC, _RB, HID), lambda i: (0, i, 0)),
            pl.BlockSpec((NC, _RB, d), lambda i: (0, i, 0)),
            pl.BlockSpec((_RB, d), lambda i: (i, 0)),
            pl.BlockSpec((d,), lambda i: (0,)),
            pl.BlockSpec((d, n_out), lambda i: (0, 0)),
        ],
        out_specs=pl.BlockSpec((_RB, n_out), lambda i: (i, 0)),
        out_shape=jax.ShapeDtypeStruct((N, n_out), jnp.float32),
    )(degp, tp, y, b, w)


def _head_body(degp_ref, tp_ref, y_ref, b3_ref, wv1_ref, bv1_ref, wv2_ref,
               bv2_ref, wa1_ref, ba1_ref, wa2_ref, ba2_ref, o_ref):
    dinv = _dinv_of(degp_ref)
    h = (tp_ref[0] + tp_ref[1] + y_ref[...])[:, :OUT3]
    h = jax.nn.relu(dinv * h + b3_ref[...][None, :])
    v = jax.nn.relu(
        jnp.dot(h, wv1_ref[...], preferred_element_type=jnp.float32)
        + bv1_ref[...][None, :]
    )
    value = jnp.sum(v * wv2_ref[...][None, :, 0], axis=1, keepdims=True) + bv2_ref[0]
    a = jax.nn.relu(
        jnp.dot(h, wa1_ref[...], preferred_element_type=jnp.float32)
        + ba1_ref[...][None, :]
    )
    adv = jnp.sum(a * wa2_ref[...][None, :, 0], axis=1, keepdims=True) + ba2_ref[0]
    o_ref[...] = value + adv - jnp.mean(adv)


def _head(degp, tp, y, b3, wv1, bv1, wv2, bv2, wa1, ba1, wa2, ba2):
    def full(*s):
        return pl.BlockSpec(s, lambda i: tuple(0 for _ in s))

    return pl.pallas_call(
        _head_body,
        grid=(1,),
        in_specs=[
            full(NC, N, HID),
            full(NC, N, HID),
            full(N, HID),
            full(OUT3),
            full(OUT3, 32),
            full(32),
            full(32, 1),
            full(1),
            full(OUT3, 32),
            full(32),
            full(32, 1),
            full(1),
        ],
        out_specs=full(N, 1),
        out_shape=jax.ShapeDtypeStruct((N, 1), jnp.float32),
    )(degp, tp, y, b3, wv1, bv1, wv2, bv2, wa1, ba1, wa2, ba2)


def kernel(x, edge_index, edge_weight, W1, b1, W2, b2, W3, b3,
           Wv1, bv1, Wv2, bv2, Wa1, ba1, Wa2, ba2):
    row = edge_index[0].astype(jnp.int32)
    col = edge_index[1].astype(jnp.int32)
    npad = EPAD - E
    padidx = jnp.arange(npad, dtype=jnp.int32) * 53 % N
    row_p = jnp.concatenate([row, padidx]).reshape(NW * CPT, CH)
    col_p = jnp.concatenate([col, padidx]).reshape(NW * CPT, CH)
    ew_p = jnp.concatenate(
        [edge_weight.astype(jnp.float32), jnp.zeros((npad,), jnp.float32)]
    ).reshape(NW * CPT, CH)

    W3p = jnp.pad(W3, ((0, 0), (0, HID - OUT3)))

    ones = jnp.ones((N, HID), jnp.float32)
    degp = _spmm128(ones, row_p, col_p, ew_p)
    xw1 = _matmul(x, W1)
    y1 = _scale(degp, xw1)
    t1 = _spmm128(y1, row_p, col_p, ew_p)
    y2 = _layer(degp, t1, y1, b1, W2)
    t2 = _spmm128(y2, row_p, col_p, ew_p)
    y3 = _layer(degp, t2, y2, b2, W3p)
    t3 = _spmm128(y3, row_p, col_p, ew_p)
    q = _head(degp, t3, y3, b3, Wv1, bv1, Wv2, bv2, Wa1, ba1, Wa2, ba2)
    return q[:, 0]

# --- scband reference (transcript-rebuilt; emitter-appended) ---
"""Pipeline reference for scband-gnn-dqnagent-42700564856884 (READ-ONLY COPY).

The authoritative reference and input builder live on the scoring server;
editing this copy changes nothing except your own understanding.
"""

import jax, jax.numpy as jnp
import numpy as np

N_NODES = 10000
N_EDGES = 320000
D_FEAT = 128
HIDDEN = 128
OUT3 = 64


def _init_linear(key, fan_in, fan_out):
    # torch nn.Linear default init: U(-1/sqrt(fan_in), 1/sqrt(fan_in))
    k1, k2 = jax.random.split(key)
    bound = 1.0 / np.sqrt(fan_in)
    W = jax.random.uniform(k1, (fan_in, fan_out), jnp.float32, -bound, bound)
    b = jax.random.uniform(k2, (fan_out,), jnp.float32, -bound, bound)
    return W, b


def setup_inputs(seed: int = 0) -> dict:
    key = jax.random.key(seed)
    ks = jax.random.split(key, 12)
    x = jax.random.normal(ks[0], (N_NODES, D_FEAT), jnp.float32)
    edge_index = jax.random.randint(ks[1], (2, N_EDGES), 0, N_NODES, jnp.int64)
    edge_weight = jax.random.uniform(ks[2], (N_EDGES,), jnp.float32)
    W1, b1 = _init_linear(ks[3], D_FEAT, HIDDEN)
    W2, b2 = _init_linear(ks[4], HIDDEN, HIDDEN)
    W3, b3 = _init_linear(ks[5], HIDDEN, OUT3)
    Wv1, bv1 = _init_linear(ks[6], OUT3, 32)
    Wv2, bv2 = _init_linear(ks[7], 32, 1)
    Wa1, ba1 = _init_linear(ks[8], OUT3, 32)
    Wa2, ba2 = _init_linear(ks[9], 32, 1)
    return {
        'x': x, 'edge_index': edge_index, 'edge_weight': edge_weight,
        'W1': W1, 'b1': b1, 'W2': W2, 'b2': b2, 'W3': W3, 'b3': b3,
        'Wv1': Wv1, 'bv1': bv1, 'Wv2': Wv2, 'bv2': bv2,
        'Wa1': Wa1, 'ba1': ba1, 'Wa2': Wa2, 'ba2': ba2,
    }


def _gcn_conv(x, edge_index, edge_weight, W, b):
    # PyG GCNConv with add_self_loops=True, normalize=True
    n = x.shape[0]
    row = edge_index[0]
    col = edge_index[1]
    loop = jnp.arange(n, dtype=edge_index.dtype)
    row = jnp.concatenate([row, loop])
    col = jnp.concatenate([col, loop])
    ew = jnp.concatenate([edge_weight, jnp.ones((n,), x.dtype)])
    deg = jnp.zeros((n,), x.dtype).at[col].add(ew)
    dinv = jnp.where(deg > 0, 1.0 / jnp.sqrt(deg), 0.0)
    norm = dinv[row] * ew * dinv[col]
    xw = x @ W
    msg = xw[row] * norm[:, None]
    out = jnp.zeros((n, xw.shape[1]), x.dtype).at[col].add(msg)
    return out + b


def reference(x, edge_index, edge_weight, W1, b1, W2, b2, W3, b3,
              Wv1, bv1, Wv2, bv2, Wa1, ba1, Wa2, ba2):
    # eval mode: dropout is identity
    h = jax.nn.relu(_gcn_conv(x, edge_index, edge_weight, W1, b1))
    h = jax.nn.relu(_gcn_conv(h, edge_index, edge_weight, W2, b2))
    h = jax.nn.relu(_gcn_conv(h, edge_index, edge_weight, W3, b3))
    value = (jax.nn.relu(h @ Wv1 + bv1) @ Wv2 + bv2)[:, 0]
    advantage = (jax.nn.relu(h @ Wa1 + ba1) @ Wa2 + ba2)[:, 0]
    q = value + (advantage - advantage.mean())
    return q

if __name__ == "__main__":
    import jax
    _d = setup_inputs()
    print(jax.jit(kernel)(*tuple(_d.values())))

</pallas_src>

<mosaic_0001>
#map = affine_map<(d0, d1) -> (0, 0)>
#map1 = affine_map<(d0, d1) -> (0, 0, 0)>
module attributes {stable_mosaic.version = 14 : i64} {
  func.func @spmm(%arg0: i32, %arg1: i32, %arg2: memref<10000x128xf32, #tpu.memory_space<hbm>>, %arg3: memref<2560x128xi32, #tpu.memory_space<hbm>>, %arg4: memref<2560x128xi32, #tpu.memory_space<hbm>>, %arg5: memref<2560x128xf32, #tpu.memory_space<hbm>>, %arg6: memref<2x10240x128xf32, #tpu.memory_space<hbm>>, %arg7: memref<80x128xi32, #tpu.memory_space<vmem>>, %arg8: memref<80x128xi32, #tpu.memory_space<vmem>>, %arg9: memref<80x128xf32, #tpu.memory_space<vmem>>, %arg10: memref<128x128xf32, #tpu.memory_space<vmem>>, %arg11: memref<128x128xf32, #tpu.memory_space<vmem>>, %arg12: memref<5x128xi32, #tpu.memory_space<vmem>>, %arg13: memref<10240x128xf32, #tpu.memory_space<vmem_shared>>, %arg14: memref<!tpu.dma_semaphore, #tpu.memory_space<semaphore_mem>>, %arg15: memref<!tpu.dma_semaphore, #tpu.memory_space<semaphore_mem>>) attributes {dimension_semantics = [#tpu.dimension_semantics<core_parallel>, #tpu.dimension_semantics<subcore_parallel>], iteration_bounds = array<i64: 2, 16>, scalar_prefetch = 0 : i64, scratch_operands = 9 : i64, tpu.core_type = #tpu.core_type<sc_vector_subcore>, window_params = [{transform_indices = #map}, {transform_indices = #map}, {transform_indices = #map}, {transform_indices = #map}, {transform_indices = #map1}]} {
    %mul3A = arith.constant 16 : i32
    %mul3A_0 = arith.muli %arg0, %mul3A : i32
    %add3A = arith.addi %mul3A_0, %arg1 : i32
    %broadcast_in_dim3A = arith.constant 0.000000e+00 : f32
    %broadcast_in_dim3A_1 = vector.broadcast %broadcast_in_dim3A : f32 to vector<16xf32>
    %scan3A = arith.constant 0 : i32
    %scan3A_2 = arith.constant 128 : i32
    %scan3A_3 = arith.addi %scan3A, %scan3A_2 : i32
    %scan3A_4 = arith.constant 1 : i32
    scf.for %scan3A_32 = %scan3A to %scan3A_3 step %scan3A_4  : i32 {
      %mul3A_33 = arith.constant 1 : i32
      %mul3A_34 = arith.muli %scan3A_32, %mul3A_33 : i32
      %add3A_35 = arith.constant 0 : i32
      %add3A_36 = arith.addi %add3A_35, %mul3A_34 : i32
      %swap3A = arith.index_cast %add3A_36 : i32 to index
      %swap3A_37 = arith.constant 0 : index
      %swap3A_38 = tpu.vector_load %arg10[%swap3A, %swap3A_37] {strides = array<i32>} : memref<128x128xf32, #tpu.memory_space<vmem>>, vector<16xf32>,
      tpu.vector_store %arg10[%swap3A, %swap3A_37], %broadcast_in_dim3A_1 {strides = array<i32>} : memref<128x128xf32, #tpu.memory_space<vmem>>, vector<16xf32>,
      %swap3A_39 = arith.index_cast %add3A_36 : i32 to index
      %swap3A_40 = arith.constant 16 : index
      %swap3A_41 = tpu.vector_load %arg10[%swap3A_39, %swap3A_40] {strides = array<i32>} : memref<128x128xf32, #tpu.memory_space<vmem>>, vector<16xf32>,
      tpu.vector_store %arg10[%swap3A_39, %swap3A_40], %broadcast_in_dim3A_1 {strides = array<i32>} : memref<128x128xf32, #tpu.memory_space<vmem>>, vector<16xf32>,
      %swap3A_42 = arith.index_cast %add3A_36 : i32 to index
      %swap3A_43 = arith.constant 32 : index
      %swap3A_44 = tpu.vector_load %arg10[%swap3A_42, %swap3A_43] {strides = array<i32>} : memref<128x128xf32, #tpu.memory_space<vmem>>, vector<16xf32>,
      tpu.vector_store %arg10[%swap3A_42, %swap3A_43], %broadcast_in_dim3A_1 {strides = array<i32>} : memref<128x128xf32, #tpu.memory_space<vmem>>, vector<16xf32>,
      %swap3A_45 = arith.index_cast %add3A_36 : i32 to index
      %swap3A_46 = arith.constant 48 : index
      %swap3A_47 = tpu.vector_load %arg10[%swap3A_45, %swap3A_46] {strides = array<i32>} : memref<128x128xf32, #tpu.memory_space<vmem>>, vector<16xf32>,
      tpu.vector_store %arg10[%swap3A_45, %swap3A_46], %broadcast_in_dim3A_1 {strides = array<i32>} : memref<128x128xf32, #tpu.memory_space<vmem>>, vector<16xf32>,
      %swap3A_48 = arith.index_cast %add3A_36 : i32 to index
      %swap3A_49 = arith.constant 64 : index
      %swap3A_50 = tpu.vector_load %arg10[%swap3A_48, %swap3A_49] {strides = array<i32>} : memref<128x128xf32, #tpu.memory_space<vmem>>, vector<16xf32>,
      tpu.vector_store %arg10[%swap3A_48, %swap3A_49], %broadcast_in_dim3A_1 {strides = array<i32>} : memref<128x128xf32, #tpu.memory_space<vmem>>, vector<16xf32>,
      %swap3A_51 = arith.index_cast %add3A_36 : i32 to index
      %swap3A_52 = arith.constant 80 : index
      %swap3A_53 = tpu.vector_load %arg10[%swap3A_51, %swap3A_52] {strides = array<i32>} : memref<128x128xf32, #tpu.memory_space<vmem>>, vector<16xf32>,
      tpu.vector_store %arg10[%swap3A_51, %swap3A_52], %broadcast_in_dim3A_1 {strides = array<i32>} : memref<128x128xf32, #tpu.memory_space<vmem>>, vector<16xf32>,
      %swap3A_54 = arith.index_cast %add3A_36 : i32 to index
      %swap3A_55 = arith.constant 96 : index
      %swap3A_56 = tpu.vector_load %arg10[%swap3A_54, %swap3A_55] {strides = array<i32>} : memref<128x128xf32, #tpu.memory_space<vmem>>, vector<16xf32>,
      tpu.vector_store %arg10[%swap3A_54, %swap3A_55], %broadcast_in_dim3A_1 {strides = array<i32>} : memref<128x128xf32, #tpu.memory_space<vmem>>, vector<16xf32>,
      %swap3A_57 = arith.index_cast %add3A_36 : i32 to index
      %swap3A_58 = arith.constant 112 : index
      %swap3A_59 = tpu.vector_load %arg10[%swap3A_57, %swap3A_58] {strides = array<i32>} : memref<128x128xf32, #tpu.memory_space<vmem>>, vector<16xf32>,
      tpu.vector_store %arg10[%swap3A_57, %swap3A_58], %broadcast_in_dim3A_1 {strides = array<i32>} : memref<128x128xf32, #tpu.memory_space<vmem>>, vector<16xf32>,
    }
    %scan3A_5 = arith.constant 128 : i32
    %scan3A_6 = arith.constant 0 : i32
    %scan3A_7 = arith.constant 5 : i32
    %scan3A_8 = arith.addi %scan3A_6, %scan3A_7 : i32
    %scan3A_9 = arith.constant 1 : i32
    scf.for %scan3A_32 = %scan3A_6 to %scan3A_8 step %scan3A_9  : i32 {
      %mul3A_33 = arith.constant 1 : i32
      %mul3A_34 = arith.muli %scan3A_32, %mul3A_33 : i32
      %add3A_35 = arith.constant 0 : i32
      %add3A_36 = arith.addi %add3A_35, %mul3A_34 : i32
      %iota3A = tpu.iota {dimensions = array<i32: 0>} : vector<16xi32>
      %mul3A_37 = arith.constant 640 : i32
      %mul3A_38 = arith.muli %arg1, %mul3A_37 : i32
      %mul3A_39 = arith.constant 128 : i32
      %mul3A_40 = arith.muli %add3A_36, %mul3A_39 : i32
      %add3A_41 = arith.addi %mul3A_38, %mul3A_40 : i32
      %add3A_42 = arith.constant 0 : i32
      %add3A_43 = arith.addi %add3A_41, %add3A_42 : i32
      %add3A_44 = vector.broadcast %add3A_43 : i32 to vector<16xi32>
      %add3A_45 = arith.addi %iota3A, %add3A_44 : vector<16xi32>
      %swap3A = arith.index_cast %add3A_36 : i32 to index
      %swap3A_46 = arith.constant 0 : index
      %swap3A_47 = tpu.vector_load %arg12[%swap3A, %swap3A_46] {strides = array<i32>} : memref<5x128xi32, #tpu.memory_space<vmem>>, vector<16xi32>,
      tpu.vector_store %arg12[%swap3A, %swap3A_46], %add3A_45 {strides = array<i32>} : memref<5x128xi32, #tpu.memory_space<vmem>>, vector<16xi32>,
      %iota3A_48 = tpu.iota {dimensions = array<i32: 0>} : vector<16xi32>
      %mul3A_49 = arith.constant 640 : i32
      %mul3A_50 = arith.muli %arg1, %mul3A_49 : i32
      %mul3A_51 = arith.constant 128 : i32
      %mul3A_52 = arith.muli %add3A_36, %mul3A_51 : i32
      %add3A_53 = arith.addi %mul3A_50, %mul3A_52 : i32
      %add3A_54 = arith.constant 16 : i32
      %add3A_55 = arith.addi %add3A_53, %add3A_54 : i32
      %add3A_56 = vector.broadcast %add3A_55 : i32 to vector<16xi32>
      %add3A_57 = arith.addi %iota3A_48, %add3A_56 : vector<16xi32>
      %swap3A_58 = arith.index_cast %add3A_36 : i32 to index
      %swap3A_59 = arith.constant 16 : index
      %swap3A_60 = tpu.vector_load %arg12[%swap3A_58, %swap3A_59] {strides = array<i32>} : memref<5x128xi32, #tpu.memory_space<vmem>>, vector<16xi32>,
      tpu.vector_store %arg12[%swap3A_58, %swap3A_59], %add3A_57 {strides = array<i32>} : memref<5x128xi32, #tpu.memory_space<vmem>>, vector<16xi32>,
      %iota3A_61 = tpu.iota {dimensions = array<i32: 0>} : vector<16xi32>
      %mul3A_62 = arith.constant 640 : i32
      %mul3A_63 = arith.muli %arg1, %mul3A_62 : i32
      %mul3A_64 = arith.constant 128 : i32
      %mul3A_65 = arith.muli %add3A_36, %mul3A_64 : i32
      %add3A_66 = arith.addi %mul3A_63, %mul3A_65 : i32
      %add3A_67 = arith.constant 32 : i32
      %add3A_68 = arith.addi %add3A_66, %add3A_67 : i32
      %add3A_69 = vector.broadcast %add3A_68 : i32 to vector<16xi32>
      %add3A_70 = arith.addi %iota3A_61, %add3A_69 : vector<16xi32>
      %swap3A_71 = arith.index_cast %add3A_36 : i32 to index
      %swap3A_72 = arith.constant 32 : index
      %swap3A_73 = tpu.vector_load %arg12[%swap3A_71, %swap3A_72] {strides = array<i32>} : memref<5x128xi32, #tpu.memory_space<vmem>>, vector<16xi32>,
      tpu.vector_store %arg12[%swap3A_71, %swap3A_72], %add3A_70 {strides = array<i32>} : memref<5x128xi32, #tpu.memory_space<vmem>>, vector<16xi32>,
      %iota3A_74 = tpu.iota {dimensions = array<i32: 0>} : vector<16xi32>
      %mul3A_75 = arith.constant 640 : i32
      %mul3A_76 = arith.muli %arg1, %mul3A_75 : i32
      %mul3A_77 = arith.constant 128 : i32
      %mul3A_78 = arith.muli %add3A_36, %mul3A_77 : i32
      %add3A_79 = arith.addi %mul3A_76, %mul3A_78 : i32
      %add3A_80 = arith.constant 48 : i32
      %add3A_81 = arith.addi %add3A_79, %add3A_80 : i32
      %add3A_82 = vector.broadcast %add3A_81 : i32 to vector<16xi32>
      %add3A_83 = arith.addi %iota3A_74, %add3A_82 : vector<16xi32>
      %swap3A_84 = arith.index_cast %add3A_36 : i32 to index
      %swap3A_85 = arith.constant 48 : index
      %swap3A_86 = tpu.vector_load %arg12[%swap3A_84, %swap3A_85] {strides = array<i32>} : memref<5x128xi32, #tpu.memory_space<vmem>>, vector<16xi32>,
      tpu.vector_store %arg12[%swap3A_84, %swap3A_85], %add3A_83 {strides = array<i32>} : memref<5x128xi32, #tpu.memory_space<vmem>>, vector<16xi32>,
      %iota3A_87 = tpu.iota {dimensions = array<i32: 0>} : vector<16xi32>
      %mul3A_88 = arith.constant 640 : i32
      %mul3A_89 = arith.muli %arg1, %mul3A_88 : i32
      %mul3A_90 = arith.constant 128 : i32
      %mul3A_91 = arith.muli %add3A_36, %mul3A_90 : i32
      %add3A_92 = arith.addi %mul3A_89, %mul3A_91 : i32
      %add3A_93 = arith.constant 64 : i32
      %add3A_94 = arith.addi %add3A_92, %add3A_93 : i32
      %add3A_95 = vector.broadcast %add3A_94 : i32 to vector<16xi32>
      %add3A_96 = arith.addi %iota3A_87, %add3A_95 : vector<16xi32>
      %swap3A_97 = arith.index_cast %add3A_36 : i32 to index
      %swap3A_98 = arith.constant 64 : index
      %swap3A_99 = tpu.vector_load %arg12[%swap3A_97, %swap3A_98] {strides = array<i32>} : memref<5x128xi32, #tpu.memory_space<vmem>>, vector<16xi32>,
      tpu.vector_store %arg12[%swap3A_97, %swap3A_98], %add3A_96 {strides = array<i32>} : memref<5x128xi32, #tpu.memory_space<vmem>>, vector<16xi32>,
      %iota3A_100 = tpu.iota {dimensions = array<i32: 0>} : vector<16xi32>
      %mul3A_101 = arith.constant 640 : i32
      %mul3A_102 = arith.muli %arg1, %mul3A_101 : i32
      %mul3A_103 = arith.constant 128 : i32
      %mul3A_104 = arith.muli %add3A_36, %mul3A_103 : i32
      %add3A_105 = arith.addi %mul3A_102, %mul3A_104 : i32
      %add3A_106 = arith.constant 80 : i32
      %add3A_107 = arith.addi %add3A_105, %add3A_106 : i32
      %add3A_108 = vector.broadcast %add3A_107 : i32 to vector<16xi32>
      %add3A_109 = arith.addi %iota3A_100, %add3A_108 : vector<16xi32>
      %swap3A_110 = arith.index_cast %add3A_36 : i32 to index
      %swap3A_111 = arith.constant 80 : index
      %swap3A_112 = tpu.vector_load %arg12[%swap3A_110, %swap3A_111] {strides = array<i32>} : memref<5x128xi32, #tpu.memory_space<vmem>>, vector<16xi32>,
      tpu.vector_store %arg12[%swap3A_110, %swap3A_111], %add3A_109 {strides = array<i32>} : memref<5x128xi32, #tpu.memory_space<vmem>>, vector<16xi32>,
      %iota3A_113 = tpu.iota {dimensions = array<i32: 0>} : vector<16xi32>
      %mul3A_114 = arith.constant 640 : i32
      %mul3A_115 = arith.muli %arg1, %mul3A_114 : i32
      %mul3A_116 = arith.constant 128 : i32
      %mul3A_117 = arith.muli %add3A_36, %mul3A_116 : i32
      %add3A_118 = arith.addi %mul3A_115, %mul3A_117 : i32
      %add3A_119 = arith.constant 96 : i32
      %add3A_120 = arith.addi %add3A_118, %add3A_119 : i32
      %add3A_121 = vector.broadcast %add3A_120 : i32 to vector<16xi32>
      %add3A_122 = arith.addi %iota3A_113, %add3A_121 : vector<16xi32>
      %swap3A_123 = arith.index_cast %add3A_36 : i32 to index
      %swap3A_124 = arith.constant 96 : index
      %swap3A_125 = tpu.vector_load %arg12[%swap3A_123, %swap3A_124] {strides = array<i32>} : memref<5x128xi32, #tpu.memory_space<vmem>>, vector<16xi32>,
      tpu.vector_store %arg12[%swap3A_123, %swap3A_124], %add3A_122 {strides = array<i32>} : memref<5x128xi32, #tpu.memory_space<vmem>>, vector<16xi32>,
      %iota3A_126 = tpu.iota {dimensions = array<i32: 0>} : vector<16xi32>
      %mul3A_127 = arith.constant 640 : i32
      %mul3A_128 = arith.muli %arg1, %mul3A_127 : i32
      %mul3A_129 = arith.constant 128 : i32
      %mul3A_130 = arith.muli %add3A_36, %mul3A_129 : i32
      %add3A_131 = arith.addi %mul3A_128, %mul3A_130 : i32
      %add3A_132 = arith.constant 112 : i32
      %add3A_133 = arith.addi %add3A_131, %add3A_132 : i32
      %add3A_134 = vector.broadcast %add3A_133 : i32 to vector<16xi32>
      %add3A_135 = arith.addi %iota3A_126, %add3A_134 : vector<16xi32>
      %swap3A_136 = arith.index_cast %add3A_36 : i32 to index
      %swap3A_137 = arith.constant 112 : index
      %swap3A_138 = tpu.vector_load %arg12[%swap3A_136, %swap3A_137] {strides = array<i32>} : memref<5x128xi32, #tpu.memory_space<vmem>>, vector<16xi32>,
      tpu.vector_store %arg12[%swap3A_136, %swap3A_137], %add3A_135 {strides = array<i32>} : memref<5x128xi32, #tpu.memory_space<vmem>>, vector<16xi32>,
    }
    %scan3A_10 = arith.constant 5 : i32
    %scan3A_11 = arith.constant 0 : i32
    %scan3A_12 = arith.constant 5 : i32
    %scan3A_13 = arith.addi %scan3A_11, %scan3A_12 : i32
    %scan3A_14 = arith.constant 1 : i32
    scf.for %scan3A_32 = %scan3A_11 to %scan3A_13 step %scan3A_14  : i32 {
      %mul3A_33 = arith.constant 1 : i32
      %mul3A_34 = arith.muli %scan3A_32, %mul3A_33 : i32
      %add3A_35 = arith.constant 0 : i32
      %add3A_36 = arith.addi %add3A_35, %mul3A_34 : i32
      "tpu.region"() ({
        %run_scoped3A = tpu.sem_alloc : memref<!tpu.dma_semaphore, #tpu.memory_space<semaphore_mem>>
        %dma_start3A = arith.constant 0 : i32
        %dma_start3A_37 = tpu.memref_slice %arg12[%add3A_36, %dma_start3A] : memref<5x128xi32, #tpu.memory_space<vmem>> -> memref<1x128xi32, #tpu.memory_space<vmem>>
        %dma_start3A_38 = tpu.memref_squeeze %dma_start3A_37 : memref<1x128xi32, #tpu.memory_space<vmem>> -> memref<128xi32, #tpu.memory_space<vmem>>
        %dma_start3A_39 = arith.constant 0 : i32
        %dma_start3A_40 = arith.constant 0 : i32
        %dma_start3A_41 = tpu.memref_slice %arg13[%dma_start3A_39, %dma_start3A_40] : memref<10240x128xf32, #tpu.memory_space<vmem_shared>> -> memref<10240x128xf32, #tpu.memory_space<vmem_shared>>
        tpu.enqueue_indirect_dma source(%arg10 : memref<128x128xf32, #tpu.memory_space<vmem>>) target(%dma_start3A_41 : memref<10240x128xf32, #tpu.memory_space<vmem_shared>>) offsets(%dma_start3A_38 : memref<128xi32, #tpu.memory_space<vmem>>) semaphore(%run_scoped3A : memref<!tpu.dma_semaphore, #tpu.memory_space<semaphore_mem>>)
        %dma_wait3A = arith.constant 0 : i32
        %dma_wait3A_42 = tpu.memref_slice %arg12[%add3A_36, %dma_wait3A] : memref<5x128xi32, #tpu.memory_space<vmem>> -> memref<1x128xi32, #tpu.memory_space<vmem>>
        %dma_wait3A_43 = tpu.memref_squeeze %dma_wait3A_42 : memref<1x128xi32, #tpu.memory_space<vmem>> -> memref<128xi32, #tpu.memory_space<vmem>>
        %dma_wait3A_44 = arith.constant 0 : i32
        %dma_wait3A_45 = arith.constant 0 : i32
        %dma_wait3A_46 = tpu.memref_slice %arg13[%dma_wait3A_44, %dma_wait3A_45] : memref<10240x128xf32, #tpu.memory_space<vmem_shared>> -> memref<10240x128xf32, #tpu.memory_space<vmem_shared>>
        tpu.wait_indirect_dma semaphore(%run_scoped3A : memref<!tpu.dma_semaphore, #tpu.memory_space<semaphore_mem>>) src(%arg10 : memref<128x128xf32, #tpu.memory_space<vmem>>) dst(%dma_wait3A_46 : memref<10240x128xf32, #tpu.memory_space<vmem_shared>>)
        tpu.yield
      }) : () -> ()
    }
    %scan3A_15 = arith.constant 5 : i32
    %mul3A_16 = arith.constant 80 : i32
    %mul3A_17 = arith.muli %add3A, %mul3A_16 : i32
    "tpu.region"() ({
      %run_scoped3A = tpu.sem_alloc : memref<!tpu.dma_semaphore, #tpu.memory_space<semaphore_mem>>
      %dma_start3A = arith.constant 0 : i32
      %dma_start3A_32 = tpu.memref_slice %arg3[%mul3A_17, %dma_start3A] : memref<2560x128xi32, #tpu.memory_space<hbm>> -> memref<80x128xi32, #tpu.memory_space<hbm>>
      %dma_start3A_33 = arith.constant 0 : i32
      %dma_start3A_34 = tpu.memref_slice %arg3[%mul3A_17, %dma_start3A_33] : memref<2560x128xi32, #tpu.memory_space<hbm>> -> memref<80x128xi32, #tpu.memory_space<hbm>>
      tpu.enqueue_dma source(%dma_start3A_34 : memref<80x128xi32, #tpu.memory_space<hbm>>) target(%arg7 : memref<80x128xi32, #tpu.memory_space<vmem>>) target_semaphore(%run_scoped3A : memref<!tpu.dma_semaphore, #tpu.memory_space<semaphore_mem>>)
      %dma_wait3A = arith.constant 0 : i32
      %dma_wait3A_35 = tpu.memref_slice %arg3[%mul3A_17, %dma_wait3A] : memref<2560x128xi32, #tpu.memory_space<hbm>> -> memref<80x128xi32, #tpu.memory_space<hbm>>
      %dma_wait3A_36 = arith.constant 0 : i32
      %dma_wait3A_37 = tpu.memref_slice %arg3[%mul3A_17, %dma_wait3A_36] : memref<2560x128xi32, #tpu.memory_space<hbm>> -> memref<80x128xi32, #tpu.memory_space<hbm>>
      tpu.wait_dma2 semaphore(%run_scoped3A : memref<!tpu.dma_semaphore, #tpu.memory_space<semaphore_mem>>) src(%dma_wait3A_37 : memref<80x128xi32, #tpu.memory_space<hbm>>) dst(%arg7 : memref<80x128xi32, #tpu.memory_space<vmem>>)
      tpu.yield
    }) : () -> ()
    %mul3A_18 = arith.constant 80 : i32
    %mul3A_19 = arith.muli %add3A, %mul3A_18 : i32
    "tpu.region"() ({
      %run_scoped3A = tpu.sem_alloc : memref<!tpu.dma_semaphore, #tpu.memory_space<semaphore_mem>>
      %dma_start3A = arith.constant 0 : i32
      %dma_start3A_32 = tpu.memref_slice %arg4[%mul3A_19, %dma_start3A] : memref<2560x128xi32, #tpu.memory_space<hbm>> -> memref<80x128xi32, #tpu.memory_space<hbm>>
      %dma_start3A_33 = arith.constant 0 : i32
      %dma_start3A_34 = tpu.memref_slice %arg4[%mul3A_19, %dma_start3A_33] : memref<2560x128xi32, #tpu.memory_space<hbm>> -> memref<80x128xi32, #tpu.memory_space<hbm>>
      tpu.enqueue_dma source(%dma_start3A_34 : memref<80x128xi32, #tpu.memory_space<hbm>>) target(%arg8 : memref<80x128xi32, #tpu.memory_space<vmem>>) target_semaphore(%run_scoped3A : memref<!tpu.dma_semaphore, #tpu.memory_space<semaphore_mem>>)
      %dma_wait3A = arith.constant 0 : i32
      %dma_wait3A_35 = tpu.memref_slice %arg4[%mul3A_19, %dma_wait3A] : memref<2560x128xi32, #tpu.memory_space<hbm>> -> memref<80x128xi32, #tpu.memory_space<hbm>>
      %dma_wait3A_36 = arith.constant 0 : i32
      %dma_wait3A_37 = tpu.memref_slice %arg4[%mul3A_19, %dma_wait3A_36] : memref<2560x128xi32, #tpu.memory_space<hbm>> -> memref<80x128xi32, #tpu.memory_space<hbm>>
      tpu.wait_dma2 semaphore(%run_scoped3A : memref<!tpu.dma_semaphore, #tpu.memory_space<semaphore_mem>>) src(%dma_wait3A_37 : memref<80x128xi32, #tpu.memory_space<hbm>>) dst(%arg8 : memref<80x128xi32, #tpu.memory_space<vmem>>)
      tpu.yield
    }) : () -> ()
    %mul3A_20 = arith.constant 80 : i32
    %mul3A_21 = arith.muli %add3A, %mul3A_20 : i32
    "tpu.region"() ({
      %run_scoped3A = tpu.sem_alloc : memref<!tpu.dma_semaphore, #tpu.memory_space<semaphore_mem>>
      %dma_start3A = arith.constant 0 : i32
      %dma_start3A_32 = tpu.memref_slice %arg5[%mul3A_21, %dma_start3A] : memref<2560x128xf32, #tpu.memory_space<hbm>> -> memref<80x128xf32, #tpu.memory_space<hbm>>
      %dma_start3A_33 = arith.constant 0 : i32
      %dma_start3A_34 = tpu.memref_slice %arg5[%mul3A_21, %dma_start3A_33] : memref<2560x128xf32, #tpu.memory_space<hbm>> -> memref<80x128xf32, #tpu.memory_space<hbm>>
      tpu.enqueue_dma source(%dma_start3A_34 : memref<80x128xf32, #tpu.memory_space<hbm>>) target(%arg9 : memref<80x128xf32, #tpu.memory_space<vmem>>) target_semaphore(%run_scoped3A : memref<!tpu.dma_semaphore, #tpu.memory_space<semaphore_mem>>)
      %dma_wait3A = arith.constant 0 : i32
      %dma_wait3A_35 = tpu.memref_slice %arg5[%mul3A_21, %dma_wait3A] : memref<2560x128xf32, #tpu.memory_space<hbm>> -> memref<80x128xf32, #tpu.memory_space<hbm>>
      %dma_wait3A_36 = arith.constant 0 : i32
      %dma_wait3A_37 = tpu.memref_slice %arg5[%mul3A_21, %dma_wait3A_36] : memref<2560x128xf32, #tpu.memory_space<hbm>> -> memref<80x128xf32, #tpu.memory_space<hbm>>
      tpu.wait_dma2 semaphore(%run_scoped3A : memref<!tpu.dma_semaphore, #tpu.memory_space<semaphore_mem>>) src(%dma_wait3A_37 : memref<80x128xf32, #tpu.memory_space<hbm>>) dst(%arg9 : memref<80x128xf32, #tpu.memory_space<vmem>>)
      tpu.yield
    }) : () -> ()
    %barrier3A = arith.constant 0 : index
    tpu.barrier barrier_id(%barrier3A)
    %scan3A_22 = arith.constant 0 : i32
    %scan3A_23 = arith.constant 80 : i32
    %scan3A_24 = arith.addi %scan3A_22, %scan3A_23 : i32
    %scan3A_25 = arith.constant 1 : i32
    scf.for %scan3A_32 = %scan3A_22 to %scan3A_24 step %scan3A_25  : i32 {
      %mul3A_33 = arith.constant 1 : i32
      %mul3A_34 = arith.muli %scan3A_32, %mul3A_33 : i32
      %add3A_35 = arith.constant 0 : i32
      %add3A_36 = arith.addi %add3A_35, %mul3A_34 : i32
      %dma_start3A = arith.constant 0 : i32
      %dma_start3A_37 = tpu.memref_slice %arg7[%add3A_36, %dma_start3A] : memref<80x128xi32, #tpu.memory_space<vmem>> -> memref<1x128xi32, #tpu.memory_space<vmem>>
      %dma_start3A_38 = tpu.memref_squeeze %dma_start3A_37 : memref<1x128xi32, #tpu.memory_space<vmem>> -> memref<128xi32, #tpu.memory_space<vmem>>
      %dma_start3A_39 = arith.constant 0 : i32
      %dma_start3A_40 = arith.constant 0 : i32
      %dma_start3A_41 = tpu.memref_slice %arg2[%dma_start3A_39, %dma_start3A_40] : memref<10000x128xf32, #tpu.memory_space<hbm>> -> memref<10000x128xf32, #tpu.memory_space<hbm>>
      tpu.enqueue_indirect_dma source(%dma_start3A_41 : memref<10000x128xf32, #tpu.memory_space<hbm>>) target(%arg10 : memref<128x128xf32, #tpu.memory_space<vmem>>) offsets(%dma_start3A_38 : memref<128xi32, #tpu.memory_space<vmem>>) semaphore(%arg14 : memref<!tpu.dma_semaphore, #tpu.memory_space<semaphore_mem>>)
      %dma_wait3A = arith.constant 0 : i32
      %dma_wait3A_42 = tpu.memref_slice %arg7[%add3A_36, %dma_wait3A] : memref<80x128xi32, #tpu.memory_space<vmem>> -> memref<1x128xi32, #tpu.memory_space<vmem>>
      %dma_wait3A_43 = tpu.memref_squeeze %dma_wait3A_42 : memref<1x128xi32, #tpu.memory_space<vmem>> -> memref<128xi32, #tpu.memory_space<vmem>>
      %dma_wait3A_44 = arith.constant 0 : i32
      %dma_wait3A_45 = arith.constant 0 : i32
      %dma_wait3A_46 = tpu.memref_slice %arg2[%dma_wait3A_44, %dma_wait3A_45] : memref<10000x128xf32, #tpu.memory_space<hbm>> -> memref<10000x128xf32, #tpu.memory_space<hbm>>
      tpu.wait_indirect_dma semaphore(%arg14 : memref<!tpu.dma_semaphore, #tpu.memory_space<semaphore_mem>>) src(%dma_wait3A_46 : memref<10000x128xf32, #tpu.memory_space<hbm>>) dst(%arg10 : memref<128x128xf32, #tpu.memory_space<vmem>>)
      %broadcast_in_dim3A_47 = vector.broadcast %add3A_36 : i32 to vector<16xi32>
      %scan3A_48 = arith.constant 0 : i32
      %scan3A_49 = arith.constant 64 : i32
      %scan3A_50 = arith.addi %scan3A_48, %scan3A_49 : i32
      %scan3A_51 = arith.constant 1 : i32
      scf.for %scan3A_53 = %scan3A_48 to %scan3A_50 step %scan3A_51  : i32 {
        %mul3A_54 = arith.constant 1 : i32
        %mul3A_55 = arith.muli %scan3A_53, %mul3A_54 : i32
        %add3A_56 = arith.constant 0 : i32
        %add3A_57 = arith.addi %add3A_56, %mul3A_55 : i32
        %mul3A_58 = arith.constant 2 : i32
        %mul3A_59 = arith.muli %mul3A_58, %add3A_57 : i32
        %broadcast_in_dim3A_60 = vector.broadcast %mul3A_59 : i32 to vector<16xi32>
        %gather3A = tpu.vector_load_idx %arg9[%broadcast_in_dim3A_47, %broadcast_in_dim3A_60] : memref<80x128xf32, #tpu.memory_space<vmem>>[vector<16xi32>, vector<16xi32>], vector<16xf32>,
        %add3A_61 = arith.constant 1 : i32
        %add3A_62 = arith.addi %mul3A_59, %add3A_61 : i32
        %broadcast_in_dim3A_63 = vector.broadcast %add3A_62 : i32 to vector<16xi32>
        %gather3A_64 = tpu.vector_load_idx %arg9[%broadcast_in_dim3A_47, %broadcast_in_dim3A_63] : memref<80x128xf32, #tpu.memory_space<vmem>>[vector<16xi32>, vector<16xi32>], vector<16xf32>,
        %get3A = arith.index_cast %mul3A_59 : i32 to index
        %get3A_65 = arith.constant 0 : index
        %get3A_66 = tpu.vector_load %arg10[%get3A, %get3A_65] {strides = array<i32>} : memref<128x128xf32, #tpu.memory_space<vmem>>, vector<16xf32>,
        %mul3A_67 = arith.mulf %get3A_66, %gather3A : vector<16xf32>
        %swap3A = arith.index_cast %mul3A_59 : i32 to index
        %swap3A_68 = arith.constant 0 : index
        %swap3A_69 = tpu.vector_load %arg10[%swap3A, %swap3A_68] {strides = array<i32>} : memref<128x128xf32, #tpu.memory_space<vmem>>, vector<16xf32>,
        tpu.vector_store %arg10[%swap3A, %swap3A_68], %mul3A_67 {strides = array<i32>} : memref<128x128xf32, #tpu.memory_space<vmem>>, vector<16xf32>,
        %get3A_70 = arith.index_cast %mul3A_59 : i32 to index
        %get3A_71 = arith.constant 16 : index
        %get3A_72 = tpu.vector_load %arg10[%get3A_70, %get3A_71] {strides = array<i32>} : memref<128x128xf32, #tpu.memory_space<vmem>>, vector<16xf32>,
        %mul3A_73 = arith.mulf %get3A_72, %gather3A : vector<16xf32>
        %swap3A_74 = arith.index_cast %mul3A_59 : i32 to index
        %swap3A_75 = arith.constant 16 : index
        %swap3A_76 = tpu.vector_load %arg10[%swap3A_74, %swap3A_75] {strides = array<i32>} : memref<128x128xf32, #tpu.memory_space<vmem>>, vector<16xf32>,
        tpu.vector_store %arg10[%swap3A_74, %swap3A_75], %mul3A_73 {strides = array<i32>} : memref<128x128xf32, #tpu.memory_space<vmem>>, vector<16xf32>,
        %get3A_77 = arith.index_cast %mul3A_59 : i32 to index
        %get3A_78 = arith.constant 32 : index
        %get3A_79 = tpu.vector_load %arg10[%get3A_77, %get3A_78] {strides = array<i32>} : memref<128x128xf32, #tpu.memory_space<vmem>>, vector<16xf32>,
        %mul3A_80 = arith.mulf %get3A_79, %gather3A : vector<16xf32>
        %swap3A_81 = arith.index_cast %mul3A_59 : i32 to index
        %swap3A_82 = arith.constant 32 : index
        %swap3A_83 = tpu.vector_load %arg10[%swap3A_81, %swap3A_82] {strides = array<i32>} : memref<128x128xf32, #tpu.memory_space<vmem>>, vector<16xf32>,
        tpu.vector_store %arg10[%swap3A_81, %swap3A_82], %mul3A_80 {strides = array<i32>} : memref<128x128xf32, #tpu.memory_space<vmem>>, vector<16xf32>,
        %get3A_84 = arith.index_cast %mul3A_59 : i32 to index
        %get3A_85 = arith.constant 48 : index
        %get3A_86 = tpu.vector_load %arg10[%get3A_84, %get3A_85] {strides = array<i32>} : memref<128x128xf32, #tpu.memory_space<vmem>>, vector<16xf32>,
        %mul3A_87 = arith.mulf %get3A_86, %gather3A : vector<16xf32>
        %swap3A_88 = arith.index_cast %mul3A_59 : i32 to index
        %swap3A_89 = arith.constant 48 : index
        %swap3A_90 = tpu.vector_load %arg10[%swap3A_88, %swap3A_89] {strides = array<i32>} : memref<128x128xf32, #tpu.memory_space<vmem>>, vector<16xf32>,
        tpu.vector_store %arg10[%swap3A_88, %swap3A_89], %mul3A_87 {strides = array<i32>} : memref<128x128xf32, #tpu.memory_space<vmem>>, vector<16xf32>,
        %get3A_91 = arith.index_cast %mul3A_59 : i32 to index
        %get3A_92 = arith.constant 64 : index
        %get3A_93 = tpu.vector_load %arg10[%get3A_91, %get3A_92] {strides = array<i32>} : memref<128x128xf32, #tpu.memory_space<vmem>>, vector<16xf32>,
        %mul3A_94 = arith.mulf %get3A_93, %gather3A : vector<16xf32>
        %swap3A_95 = arith.index_cast %mul3A_59 : i32 to index
        %swap3A_96 = arith.constant 64 : index
        %swap3A_97 = tpu.vector_load %arg10[%swap3A_95, %swap3A_96] {strides = array<i32>} : memref<128x128xf32, #tpu.memory_space<vmem>>, vector<16xf32>,
        tpu.vector_store %arg10[%swap3A_95, %swap3A_96], %mul3A_94 {strides = array<i32>} : memref<128x128xf32, #tpu.memory_space<vmem>>, vector<16xf32>,
        %get3A_98 = arith.index_cast %mul3A_59 : i32 to index
        %get3A_99 = arith.constant 80 : index
        %get3A_100 = tpu.vector_load %arg10[%get3A_98, %get3A_99] {strides = array<i32>} : memref<128x128xf32, #tpu.memory_space<vmem>>, vector<16xf32>,
        %mul3A_101 = arith.mulf %get3A_100, %gather3A : vector<16xf32>
        %swap3A_102 = arith.index_cast %mul3A_59 : i32 to index
        %swap3A_103 = arith.constant 80 : index
        %swap3A_104 = tpu.vector_load %arg10[%swap3A_102, %swap3A_103] {strides = array<i32>} : memref<128x128xf32, #tpu.memory_space<vmem>>, vector<16xf32>,
        tpu.vector_store %arg10[%swap3A_102, %swap3A_103], %mul3A_101 {strides = array<i32>} : memref<128x128xf32, #tpu.memory_space<vmem>>, vector<16xf32>,
        %get3A_105 = arith.index_cast %mul3A_59 : i32 to index
        %get3A_106 = arith.constant 96 : index
        %get3A_107 = tpu.vector_load %arg10[%get3A_105, %get3A_106] {strides = array<i32>} : memref<128x128xf32, #tpu.memory_space<vmem>>, vector<16xf32>,
        %mul3A_108 = arith.mulf %get3A_107, %gather3A : vector<16xf32>
        %swap3A_109 = arith.index_cast %mul3A_59 : i32 to index
        %swap3A_110 = arith.constant 96 : index
        %swap3A_111 = tpu.vector_load %arg10[%swap3A_109, %swap3A_110] {strides = array<i32>} : memref<128x128xf32, #tpu.memory_space<vmem>>, vector<16xf32>,
        tpu.vector_store %arg10[%swap3A_109, %swap3A_110], %mul3A_108 {strides = array<i32>} : memref<128x128xf32, #tpu.memory_space<vmem>>, vector<16xf32>,
        %get3A_112 = arith.index_cast %mul3A_59 : i32 to index
        %get3A_113 = arith.constant 112 : index
        %get3A_114 = tpu.vector_load %arg10[%get3A_112, %get3A_113] {strides = array<i32>} : memref<128x128xf32, #tpu.memory_space<vmem>>, vector<16xf32>,
        %mul3A_115 = arith.mulf %get3A_114, %gather3A : vector<16xf32>
        %swap3A_116 = arith.index_cast %mul3A_59 : i32 to index
        %swap3A_117 = arith.constant 112 : index
        %swap3A_118 = tpu.vector_load %arg10[%swap3A_116, %swap3A_117] {strides = array<i32>} : memref<128x128xf32, #tpu.memory_space<vmem>>, vector<16xf32>,
        tpu.vector_store %arg10[%swap3A_116, %swap3A_117], %mul3A_115 {strides = array<i32>} : memref<128x128xf32, #tpu.memory_space<vmem>>, vector<16xf32>,
        %add3A_119 = arith.constant 1 : i32
        %add3A_120 = arith.addi %mul3A_59, %add3A_119 : i32
        %get3A_121 = arith.index_cast %add3A_120 : i32 to index
        %get3A_122 = arith.constant 0 : index
        %get3A_123 = tpu.vector_load %arg10[%get3A_121, %get3A_122] {strides = array<i32>} : memref<128x128xf32, #tpu.memory_space<vmem>>, vector<16xf32>,
        %mul3A_124 = arith.mulf %get3A_123, %gather3A_64 : vector<16xf32>
        %add3A_125 = arith.constant 1 : i32
        %add3A_126 = arith.addi %mul3A_59, %add3A_125 : i32
        %swap3A_127 = arith.index_cast %add3A_126 : i32 to index
        %swap3A_128 = arith.constant 0 : index
        %swap3A_129 = tpu.vector_load %arg10[%swap3A_127, %swap3A_128] {strides = array<i32>} : memref<128x128xf32, #tpu.memory_space<vmem>>, vector<16xf32>,
        tpu.vector_store %arg10[%swap3A_127, %swap3A_128], %mul3A_124 {strides = array<i32>} : memref<128x128xf32, #tpu.memory_space<vmem>>, vector<16xf32>,
        %add3A_130 = arith.constant 1 : i32
        %add3A_131 = arith.addi %mul3A_59, %add3A_130 : i32
        %get3A_132 = arith.index_cast %add3A_131 : i32 to index
        %get3A_133 = arith.constant 16 : index
        %get3A_134 = tpu.vector_load %arg10[%get3A_132, %get3A_133] {strides = array<i32>} : memref<128x128xf32, #tpu.memory_space<vmem>>, vector<16xf32>,
        %mul3A_135 = arith.mulf %get3A_134, %gather3A_64 : vector<16xf32>
        %add3A_136 = arith.constant 1 : i32
        %add3A_137 = arith.addi %mul3A_59, %add3A_136 : i32
        %swap3A_138 = arith.index_cast %add3A_137 : i32 to index
        %swap3A_139 = arith.constant 16 : index
        %swap3A_140 = tpu.vector_load %arg10[%swap3A_138, %swap3A_139] {strides = array<i32>} : memref<128x128xf32, #tpu.memory_space<vmem>>, vector<16xf32>,
        tpu.vector_store %arg10[%swap3A_138, %swap3A_139], %mul3A_135 {strides = array<i32>} : memref<128x128xf32, #tpu.memory_space<vmem>>, vector<16xf32>,
        %add3A_141 = arith.constant 1 : i32
        %add3A_142 = arith.addi %mul3A_59, %add3A_141 : i32
        %get3A_143 = arith.index_cast %add3A_142 : i32 to index
        %get3A_144 = arith.constant 32 : index
        %get3A_145 = tpu.vector_load %arg10[%get3A_143, %get3A_144] {strides = array<i32>} : memref<128x128xf32, #tpu.memory_space<vmem>>, vector<16xf32>,
        %mul3A_146 = arith.mulf %get3A_145, %gather3A_64 : vector<16xf32>
        %add3A_147 = arith.constant 1 : i32
        %add3A_148 = arith.addi %mul3A_59, %add3A_147 : i32
        %swap3A_149 = arith.index_cast %add3A_148 : i32 to index
        %swap3A_150 = arith.constant 32 : index
        %swap3A_151 = tpu.vector_load %arg10[%swap3A_149, %swap3A_150] {strides = array<i32>} : memref<128x128xf32, #tpu.memory_space<vmem>>, vector<16xf32>,
        tpu.vector_store %arg10[%swap3A_149, %swap3A_150], %mul3A_146 {strides = array<i32>} : memref<128x128xf32, #tpu.memory_space<vmem>>, vector<16xf32>,
        %add3A_152 = arith.constant 1 : i32
        %add3A_153 = arith.addi %mul3A_59, %add3A_152 : i32
        %get3A_154 = arith.index_cast %add3A_153 : i32 to index
        %get3A_155 = arith.constant 48 : index
        %get3A_156 = tpu.vector_load %arg10[%get3A_154, %get3A_155] {strides = array<i32>} : memref<128x128xf32, #tpu.memory_space<vmem>>, vector<16xf32>,
        %mul3A_157 = arith.mulf %get3A_156, %gather3A_64 : vector<16xf32>
        %add3A_158 = arith.constant 1 : i32
        %add3A_159 = arith.addi %mul3A_59, %add3A_158 : i32
        %swap3A_160 = arith.index_cast %add3A_159 : i32 to index
        %swap3A_161 = arith.constant 48 : index
        %swap3A_162 = tpu.vector_load %arg10[%swap3A_160, %swap3A_161] {strides = array<i32>} : memref<128x128xf32, #tpu.memory_space<vmem>>, vector<16xf32>,
        tpu.vector_store %arg10[%swap3A_160, %swap3A_161], %mul3A_157 {strides = array<i32>} : memref<128x128xf32, #tpu.memory_space<vmem>>, vector<16xf32>,
        %add3A_163 = arith.constant 1 : i32
        %add3A_164 = arith.addi %mul3A_59, %add3A_163 : i32
        %get3A_165 = arith.index_cast %add3A_164 : i32 to index
        %get3A_166 = arith.constant 64 : index
        %get3A_167 = tpu.vector_load %arg10[%get3A_165, %get3A_166] {strides = array<i32>} : memref<128x128xf32, #tpu.memory_space<vmem>>, vector<16xf32>,
        %mul3A_168 = arith.mulf %get3A_167, %gather3A_64 : vector<16xf32>
        %add3A_169 = arith.constant 1 : i32
        %add3A_170 = arith.addi %mul3A_59, %add3A_169 : i32
        %swap3A_171 = arith.index_cast %add3A_170 : i32 to index
        %swap3A_172 = arith.constant 64 : index
        %swap3A_173 = tpu.vector_load %arg10[%swap3A_171, %swap3A_172] {strides = array<i32>} : memref<128x128xf32, #tpu.memory_space<vmem>>, vector<16xf32>,
        tpu.vector_store %arg10[%swap3A_171, %swap3A_172], %mul3A_168 {strides = array<i32>} : memref<128x128xf32, #tpu.memory_space<vmem>>, vector<16xf32>,
        %add3A_174 = arith.constant 1 : i32
        %add3A_175 = arith.addi %mul3A_59, %add3A_174 : i32
        %get3A_176 = arith.index_cast %add3A_175 : i32 to index
        %get3A_177 = arith.constant 80 : index
        %get3A_178 = tpu.vector_load %arg10[%get3A_176, %get3A_177] {strides = array<i32>} : memref<128x128xf32, #tpu.memory_space<vmem>>, vector<16xf32>,
        %mul3A_179 = arith.mulf %get3A_178, %gather3A_64 : vector<16xf32>
        %add3A_180 = arith.constant 1 : i32
        %add3A_181 = arith.addi %mul3A_59, %add3A_180 : i32
        %swap3A_182 = arith.index_cast %add3A_181 : i32 to index
        %swap3A_183 = arith.constant 80 : index
        %swap3A_184 = tpu.vector_load %arg10[%swap3A_182, %swap3A_183] {strides = array<i32>} : memref<128x128xf32, #tpu.memory_space<vmem>>, vector<16xf32>,
        tpu.vector_store %arg10[%swap3A_182, %swap3A_183], %mul3A_179 {strides = array<i32>} : memref<128x128xf32, #tpu.memory_space<vmem>>, vector<16xf32>,
        %add3A_185 = arith.constant 1 : i32
        %add3A_186 = arith.addi %mul3A_59, %add3A_185 : i32
        %get3A_187 = arith.index_cast %add3A_186 : i32 to index
        %get3A_188 = arith.constant 96 : index
        %get3A_189 = tpu.vector_load %arg10[%get3A_187, %get3A_188] {strides = array<i32>} : memref<128x128xf32, #tpu.memory_space<vmem>>, vector<16xf32>,
        %mul3A_190 = arith.mulf %get3A_189, %gather3A_64 : vector<16xf32>
        %add3A_191 = arith.constant 1 : i32
        %add3A_192 = arith.addi %mul3A_59, %add3A_191 : i32
        %swap3A_193 = arith.index_cast %add3A_192 : i32 to index
        %swap3A_194 = arith.constant 96 : index
        %swap3A_195 = tpu.vector_load %arg10[%swap3A_193, %swap3A_194] {strides = array<i32>} : memref<128x128xf32, #tpu.memory_space<vmem>>, vector<16xf32>,
        tpu.vector_store %arg10[%swap3A_193, %swap3A_194], %mul3A_190 {strides = array<i32>} : memref<128x128xf32, #tpu.memory_space<vmem>>, vector<16xf32>,
        %add3A_196 = arith.constant 1 : i32
        %add3A_197 = arith.addi %mul3A_59, %add3A_196 : i32
        %get3A_198 = arith.index_cast %add3A_197 : i32 to index
        %get3A_199 = arith.constant 112 : index
        %get3A_200 = tpu.vector_load %arg10[%get3A_198, %get3A_199] {strides = array<i32>} : memref<128x128xf32, #tpu.memory_space<vmem>>, vector<16xf32>,
        %mul3A_201 = arith.mulf %get3A_200, %gather3A_64 : vector<16xf32>
        %add3A_202 = arith.constant 1 : i32
        %add3A_203 = arith.addi %mul3A_59, %add3A_202 : i32
        %swap3A_204 = arith.index_cast %add3A_203 : i32 to index
        %swap3A_205 = arith.constant 112 : index
        %swap3A_206 = tpu.vector_load %arg10[%swap3A_204, %swap3A_205] {strides = array<i32>} : memref<128x128xf32, #tpu.memory_space<vmem>>, vector<16xf32>,
        tpu.vector_store %arg10[%swap3A_204, %swap3A_205], %mul3A_201 {strides = array<i32>} : memref<128x128xf32, #tpu.memory_space<vmem>>, vector<16xf32>,
      }
      %scan3A_52 = arith.constant 64 : i32
      "tpu.region"() ({
        %run_scoped3A = tpu.sem_alloc : memref<!tpu.dma_semaphore, #tpu.memory_space<semaphore_mem>>
        %dma_start3A_53 = arith.constant 0 : i32
        %dma_start3A_54 = tpu.memref_slice %arg8[%add3A_36, %dma_start3A_53] : memref<80x128xi32, #tpu.memory_space<vmem>> -> memref<1x128xi32, #tpu.memory_space<vmem>>
        %dma_start3A_55 = tpu.memref_squeeze %dma_start3A_54 : memref<1x128xi32, #tpu.memory_space<vmem>> -> memref<128xi32, #tpu.memory_space<vmem>>
        %dma_start3A_56 = arith.constant 0 : i32
        %dma_start3A_57 = arith.constant 0 : i32
        %dma_start3A_58 = tpu.memref_slice %arg13[%dma_start3A_56, %dma_start3A_57] : memref<10240x128xf32, #tpu.memory_space<vmem_shared>> -> memref<10240x128xf32, #tpu.memory_space<vmem_shared>>
        tpu.enqueue_indirect_dma source(%arg10 : memref<128x128xf32, #tpu.memory_space<vmem>>) target(%dma_start3A_58 : memref<10240x128xf32, #tpu.memory_space<vmem_shared>>) offsets(%dma_start3A_55 : memref<128xi32, #tpu.memory_space<vmem>>) semaphore(%run_scoped3A : memref<!tpu.dma_semaphore, #tpu.memory_space<semaphore_mem>>) {add = true}
        %dma_wait3A_59 = arith.constant 0 : i32
        %dma_wait3A_60 = tpu.memref_slice %arg8[%add3A_36, %dma_wait3A_59] : memref<80x128xi32, #tpu.memory_space<vmem>> -> memref<1x128xi32, #tpu.memory_space<vmem>>
        %dma_wait3A_61 = tpu.memref_squeeze %dma_wait3A_60 : memref<1x128xi32, #tpu.memory_space<vmem>> -> memref<128xi32, #tpu.memory_space<vmem>>
        %dma_wait3A_62 = arith.constant 0 : i32
        %dma_wait3A_63 = arith.constant 0 : i32
        %dma_wait3A_64 = tpu.memref_slice %arg13[%dma_wait3A_62, %dma_wait3A_63] : memref<10240x128xf32, #tpu.memory_space<vmem_shared>> -> memref<10240x128xf32, #tpu.memory_space<vmem_shared>>
        tpu.wait_indirect_dma semaphore(%run_scoped3A : memref<!tpu.dma_semaphore, #tpu.memory_space<semaphore_mem>>) src(%arg10 : memref<128x128xf32, #tpu.memory_space<vmem>>) dst(%dma_wait3A_64 : memref<10240x128xf32, #tpu.memory_space<vmem_shared>>)
        tpu.yield
      }) : () -> ()
    }
    %scan3A_26 = arith.constant 80 : i32
    %barrier3A_27 = arith.constant 0 : index
    tpu.barrier barrier_id(%barrier3A_27)
    %mul3A_28 = arith.constant 640 : i32
    %mul3A_29 = arith.muli %arg1, %mul3A_28 : i32
    %mul3A_30 = arith.constant 640 : i32
    %mul3A_31 = arith.muli %arg1, %mul3A_30 : i32
    "tpu.region"() ({
      %run_scoped3A = tpu.sem_alloc : memref<!tpu.dma_semaphore, #tpu.memory_space<semaphore_mem>>
      %dma_start3A = arith.constant 0 : i32
      %dma_start3A_32 = tpu.memref_slice %arg6[%arg0, %mul3A_31, %dma_start3A] : memref<2x10240x128xf32, #tpu.memory_space<hbm>> -> memref<1x640x128xf32, #tpu.memory_space<hbm>>
      %dma_start3A_33 = tpu.memref_squeeze %dma_start3A_32 : memref<1x640x128xf32, #tpu.memory_space<hbm>> -> memref<640x128xf32, #tpu.memory_space<hbm>>
      %dma_start3A_34 = arith.constant 0 : i32
      %dma_start3A_35 = tpu.memref_slice %arg13[%mul3A_29, %dma_start3A_34] : memref<10240x128xf32, #tpu.memory_space<vmem_shared>> -> memref<640x128xf32, #tpu.memory_space<vmem_shared>>
      tpu.enqueue_dma source(%dma_start3A_35 : memref<640x128xf32, #tpu.memory_space<vmem_shared>>) target(%dma_start3A_33 : memref<640x128xf32, #tpu.memory_space<hbm>>) target_semaphore(%run_scoped3A : memref<!tpu.dma_semaphore, #tpu.memory_space<semaphore_mem>>)
      %dma_wait3A = arith.constant 0 : i32
      %dma_wait3A_36 = tpu.memref_slice %arg6[%arg0, %mul3A_31, %dma_wait3A] : memref<2x10240x128xf32, #tpu.memory_space<hbm>> -> memref<1x640x128xf32, #tpu.memory_space<hbm>>
      %dma_wait3A_37 = tpu.memref_squeeze %dma_wait3A_36 : memref<1x640x128xf32, #tpu.memory_space<hbm>> -> memref<640x128xf32, #tpu.memory_space<hbm>>
      %dma_wait3A_38 = arith.constant 0 : i32
      %dma_wait3A_39 = tpu.memref_slice %arg13[%mul3A_29, %dma_wait3A_38] : memref<10240x128xf32, #tpu.memory_space<vmem_shared>> -> memref<640x128xf32, #tpu.memory_space<vmem_shared>>
      tpu.wait_dma2 semaphore(%run_scoped3A : memref<!tpu.dma_semaphore, #tpu.memory_space<semaphore_mem>>) src(%dma_wait3A_39 : memref<640x128xf32, #tpu.memory_space<vmem_shared>>) dst(%dma_wait3A_37 : memref<640x128xf32, #tpu.memory_space<hbm>>)
      tpu.yield
    }) : () -> ()
    return
  }
}

#map = affine_map<(d0, d1) -> (0, 0)>
#map1 = affine_map<(d0, d1) -> (0, 0, 0)>
module attributes {stable_mosaic.version = 14 : i64} {
  func.func @spmm(%arg0: i32, %arg1: i32, %arg2: memref<10000x128xf32, #tpu.memory_space<hbm>>, %arg3: memref<2560x128xi32, #tpu.memory_space<hbm>>, %arg4: memref<2560x128xi32, #tpu.memory_space<hbm>>, %arg5: memref<2560x128xf32, #tpu.memory_space<hbm>>, %arg6: memref<2x10240x128xf32, #tpu.memory_space<hbm>>, %arg7: memref<80x128xi32, #tpu.memory_space<vmem>>, %arg8: memref<80x128xi32, #tpu.memory_space<vmem>>, %arg9: memref<80x128xf32, #tpu.memory_space<vmem>>, %arg10: memref<128x128xf32, #tpu.memory_space<vmem>>, %arg11: memref<128x128xf32, #tpu.memory_space<vmem>>, %arg12: memref<5x128xi32, #tpu.memory_space<vmem>>, %arg13: memref<10240x128xf32, #tpu.memory_space<vmem_shared>>, %arg14: memref<!tpu.dma_semaphore, #tpu.memory_space<semaphore_mem>>, %arg15: memref<!tpu.dma_semaphore, #tpu.memory_space<semaphore_mem>>) attributes {dimension_semantics = [#tpu.dimension_semantics<core_parallel>, #tpu.dimension_semantics<subcore_parallel>], iteration_bounds = array<i64: 2, 16>, scalar_prefetch = 0 : i64, scratch_operands = 9 : i64, tpu.core_type = #tpu.core_type<sc_vector_subcore>, window_params = [{transform_indices = #map}, {transform_indices = #map}, {transform_indices = #map}, {transform_indices = #map}, {transform_indices = #map1}]} {
    %mul3A = arith.constant 16 : i32
    %mul3A_0 = arith.muli %arg0, %mul3A : i32
    %add3A = arith.addi %mul3A_0, %arg1 : i32
    %broadcast_in_dim3A = arith.constant 0.000000e+00 : f32
    %broadcast_in_dim3A_1 = vector.broadcast %broadcast_in_dim3A : f32 to vector<16xf32>
    %scan3A = arith.constant 0 : i32
    %scan3A_2 = arith.constant 128 : i32
    %scan3A_3 = arith.addi %scan3A, %scan3A_2 : i32
    %scan3A_4 = arith.constant 1 : i32
    scf.for %scan3A_32 = %scan3A to %scan3A_3 step %scan3A_4  : i32 {
      %mul3A_33 = arith.constant 1 : i32
      %mul3A_34 = arith.muli %scan3A_32, %mul3A_33 : i32
      %add3A_35 = arith.constant 0 : i32
      %add3A_36 = arith.addi %add3A_35, %mul3A_34 : i32
      %swap3A = arith.index_cast %add3A_36 : i32 to index
      %swap3A_37 = arith.constant 0 : index
      %swap3A_38 = tpu.vector_load %arg10[%swap3A, %swap3A_37] {strides = array<i32>} : memref<128x128xf32, #tpu.memory_space<vmem>>, vector<16xf32>,
      tpu.vector_store %arg10[%swap3A, %swap3A_37], %broadcast_in_dim3A_1 {strides = array<i32>} : memref<128x128xf32, #tpu.memory_space<vmem>>, vector<16xf32>,
      %swap3A_39 = arith.index_cast %add3A_36 : i32 to index
      %swap3A_40 = arith.constant 16 : index
      %swap3A_41 = tpu.vector_load %arg10[%swap3A_39, %swap3A_40] {strides = array<i32>} : memref<128x128xf32, #tpu.memory_space<vmem>>, vector<16xf32>,
      tpu.vector_store %arg10[%swap3A_39, %swap3A_40], %broadcast_in_dim3A_1 {strides = array<i32>} : memref<128x128xf32, #tpu.memory_space<vmem>>, vector<16xf32>,
      %swap3A_42 = arith.index_cast %add3A_36 : i32 to index
      %swap3A_43 = arith.constant 32 : index
      %swap3A_44 = tpu.vector_load %arg10[%swap3A_42, %swap3A_43] {strides = array<i32>} : memref<128x128xf32, #tpu.memory_space<vmem>>, vector<16xf32>,
      tpu.vector_store %arg10[%swap3A_42, %swap3A_43], %broadcast_in_dim3A_1 {strides = array<i32>} : memref<128x128xf32, #tpu.memory_space<vmem>>, vector<16xf32>,
      %swap3A_45 = arith.index_cast %add3A_36 : i32 to index
      %swap3A_46 = arith.constant 48 : index
      %swap3A_47 = tpu.vector_load %arg10[%swap3A_45, %swap3A_46] {strides = array<i32>} : memref<128x128xf32, #tpu.memory_space<vmem>>, vector<16xf32>,
      tpu.vector_store %arg10[%swap3A_45, %swap3A_46], %broadcast_in_dim3A_1 {strides = array<i32>} : memref<128x128xf32, #tpu.memory_space<vmem>>, vector<16xf32>,
      %swap3A_48 = arith.index_cast %add3A_36 : i32 to index
      %swap3A_49 = arith.constant 64 : index
      %swap3A_50 = tpu.vector_load %arg10[%swap3A_48, %swap3A_49] {strides = array<i32>} : memref<128x128xf32, #tpu.memory_space<vmem>>, vector<16xf32>,
      tpu.vector_store %arg10[%swap3A_48, %swap3A_49], %broadcast_in_dim3A_1 {strides = array<i32>} : memref<128x128xf32, #tpu.memory_space<vmem>>, vector<16xf32>,
      %swap3A_51 = arith.index_cast %add3A_36 : i32 to index
      %swap3A_52 = arith.constant 80 : index
      %swap3A_53 = tpu.vector_load %arg10[%swap3A_51, %swap3A_52] {strides = array<i32>} : memref<128x128xf32, #tpu.memory_space<vmem>>, vector<16xf32>,
      tpu.vector_store %arg10[%swap3A_51, %swap3A_52], %broadcast_in_dim3A_1 {strides = array<i32>} : memref<128x128xf32, #tpu.memory_space<vmem>>, vector<16xf32>,
      %swap3A_54 = arith.index_cast %add3A_36 : i32 to index
      %swap3A_55 = arith.constant 96 : index
      %swap3A_56 = tpu.vector_load %arg10[%swap3A_54, %swap3A_55] {strides = array<i32>} : memref<128x128xf32, #tpu.memory_space<vmem>>, vector<16xf32>,
      tpu.vector_store %arg10[%swap3A_54, %swap3A_55], %broadcast_in_dim3A_1 {strides = array<i32>} : memref<128x128xf32, #tpu.memory_space<vmem>>, vector<16xf32>,
      %swap3A_57 = arith.index_cast %add3A_36 : i32 to index
      %swap3A_58 = arith.constant 112 : index
      %swap3A_59 = tpu.vector_load %arg10[%swap3A_57, %swap3A_58] {strides = array<i32>} : memref<128x128xf32, #tpu.memory_space<vmem>>, vector<16xf32>,
      tpu.vector_store %arg10[%swap3A_57, %swap3A_58], %broadcast_in_dim3A_1 {strides = array<i32>} : memref<128x128xf32, #tpu.memory_space<vmem>>, vector<16xf32>,
    }
    %scan3A_5 = arith.constant 128 : i32
    %scan3A_6 = arith.constant 0 : i32
    %scan3A_7 = arith.constant 5 : i32
    %scan3A_8 = arith.addi %scan3A_6, %scan3A_7 : i32
    %scan3A_9 = arith.constant 1 : i32
    scf.for %scan3A_32 = %scan3A_6 to %scan3A_8 step %scan3A_9  : i32 {
      %mul3A_33 = arith.constant 1 : i32
      %mul3A_34 = arith.muli %scan3A_32, %mul3A_33 : i32
      %add3A_35 = arith.constant 0 : i32
      %add3A_36 = arith.addi %add3A_35, %mul3A_34 : i32
      %iota3A = tpu.iota {dimensions = array<i32: 0>} : vector<16xi32>
      %mul3A_37 = arith.constant 640 : i32
      %mul3A_38 = arith.muli %arg1, %mul3A_37 : i32
      %mul3A_39 = arith.constant 128 : i32
      %mul3A_40 = arith.muli %add3A_36, %mul3A_39 : i32
      %add3A_41 = arith.addi %mul3A_38, %mul3A_40 : i32
      %add3A_42 = arith.constant 0 : i32
      %add3A_43 = arith.addi %add3A_41, %add3A_42 : i32
      %add3A_44 = vector.broadcast %add3A_43 : i32 to vector<16xi32>
      %add3A_45 = arith.addi %iota3A, %add3A_44 : vector<16xi32>
      %swap3A = arith.index_cast %add3A_36 : i32 to index
      %swap3A_46 = arith.constant 0 : index
      %swap3A_47 = tpu.vector_load %arg12[%swap3A, %swap3A_46] {strides = array<i32>} : memref<5x128xi32, #tpu.memory_space<vmem>>, vector<16xi32>,
      tpu.vector_store %arg12[%swap3A, %swap3A_46], %add3A_45 {strides = array<i32>} : memref<5x128xi32, #tpu.memory_space<vmem>>, vector<16xi32>,
      %iota3A_48 = tpu.iota {dimensions = array<i32: 0>} : vector<16xi32>
      %mul3A_49 = arith.constant 640 : i32
      %mul3A_50 = arith.muli %arg1, %mul3A_49 : i32
      %mul3A_51 = arith.constant 128 : i32
      %mul3A_52 = arith.muli %add3A_36, %mul3A_51 : i32
      %add3A_53 = arith.addi %mul3A_50, %mul3A_52 : i32
      %add3A_54 = arith.constant 16 : i32
      %add3A_55 = arith.addi %add3A_53, %add3A_54 : i32
      %add3A_56 = vector.broadcast %add3A_55 : i32 to vector<16xi32>
      %add3A_57 = arith.addi %iota3A_48, %add3A_56 : vector<16xi32>
      %swap3A_58 = arith.index_cast %add3A_36 : i32 to index
      %swap3A_59 = arith.constant 16 : index
      %swap3A_60 = tpu.vector_load %arg12[%swap3A_58, %swap3A_59] {strides = array<i32>} : memref<5x128xi32, #tpu.memory_space<vmem>>, vector<16xi32>,
      tpu.vector_store %arg12[%swap3A_58, %swap3A_59], %add3A_57 {strides = array<i32>} : memref<5x128xi32, #tpu.memory_space<vmem>>, vector<16xi32>,
      %iota3A_61 = tpu.iota {dimensions = array<i32: 0>} : vector<16xi32>
      %mul3A_62 = arith.constant 640 : i32
      %mul3A_63 = arith.muli %arg1, %mul3A_62 : i32
      %mul3A_64 = arith.constant 128 : i32
      %mul3A_65 = arith.muli %add3A_36, %mul3A_64 : i32
      %add3A_66 = arith.addi %mul3A_63, %mul3A_65 : i32
      %add3A_67 = arith.constant 32 : i32
      %add3A_68 = arith.addi %add3A_66, %add3A_67 : i32
      %add3A_69 = vector.broadcast %add3A_68 : i32 to vector<16xi32>
      %add3A_70 = arith.addi %iota3A_61, %add3A_69 : vector<16xi32>
      %swap3A_71 = arith.index_cast %add3A_36 : i32 to index
      %swap3A_72 = arith.constant 32 : index
      %swap3A_73 = tpu.vector_load %arg12[%swap3A_71, %swap3A_72] {strides = array<i32>} : memref<5x128xi32, #tpu.memory_space<vmem>>, vector<16xi32>,
      tpu.vector_store %arg12[%swap3A_71, %swap3A_72], %add3A_70 {strides = array<i32>} : memref<5x128xi32, #tpu.memory_space<vmem>>, vector<16xi32>,
      %iota3A_74 = tpu.iota {dimensions = array<i32: 0>} : vector<16xi32>
      %mul3A_75 = arith.constant 640 : i32
      %mul3A_76 = arith.muli %arg1, %mul3A_75 : i32
      %mul3A_77 = arith.constant 128 : i32
      %mul3A_78 = arith.muli %add3A_36, %mul3A_77 : i32
      %add3A_79 = arith.addi %mul3A_76, %mul3A_78 : i32
      %add3A_80 = arith.constant 48 : i32
      %add3A_81 = arith.addi %add3A_79, %add3A_80 : i32
      %add3A_82 = vector.broadcast %add3A_81 : i32 to vector<16xi32>
      %add3A_83 = arith.addi %iota3A_74, %add3A_82 : vector<16xi32>
      %swap3A_84 = arith.index_cast %add3A_36 : i32 to index
      %swap3A_85 = arith.constant 48 : index
      %swap3A_86 = tpu.vector_load %arg12[%swap3A_84, %swap3A_85] {strides = array<i32>} : memref<5x128xi32, #tpu.memory_space<vmem>>, vector<16xi32>,
      tpu.vector_store %arg12[%swap3A_84, %swap3A_85], %add3A_83 {strides = array<i32>} : memref<5x128xi32, #tpu.memory_space<vmem>>, vector<16xi32>,
      %iota3A_87 = tpu.iota {dimensions = array<i32: 0>} : vector<16xi32>
      %mul3A_88 = arith.constant 640 : i32
      %mul3A_89 = arith.muli %arg1, %mul3A_88 : i32
      %mul3A_90 = arith.constant 128 : i32
      %mul3A_91 = arith.muli %add3A_36, %mul3A_90 : i32
      %add3A_92 = arith.addi %mul3A_89, %mul3A_91 : i32
      %add3A_93 = arith.constant 64 : i32
      %add3A_94 = arith.addi %add3A_92, %add3A_93 : i32
      %add3A_95 = vector.broadcast %add3A_94 : i32 to vector<16xi32>
      %add3A_96 = arith.addi %iota3A_87, %add3A_95 : vector<16xi32>
      %swap3A_97 = arith.index_cast %add3A_36 : i32 to index
      %swap3A_98 = arith.constant 64 : index
      %swap3A_99 = tpu.vector_load %arg12[%swap3A_97, %swap3A_98] {strides = array<i32>} : memref<5x128xi32, #tpu.memory_space<vmem>>, vector<16xi32>,
      tpu.vector_store %arg12[%swap3A_97, %swap3A_98], %add3A_96 {strides = array<i32>} : memref<5x128xi32, #tpu.memory_space<vmem>>, vector<16xi32>,
      %iota3A_100 = tpu.iota {dimensions = array<i32: 0>} : vector<16xi32>
      %mul3A_101 = arith.constant 640 : i32
      %mul3A_102 = arith.muli %arg1, %mul3A_101 : i32
      %mul3A_103 = arith.constant 128 : i32
      %mul3A_104 = arith.muli %add3A_36, %mul3A_103 : i32
      %add3A_105 = arith.addi %mul3A_102, %mul3A_104 : i32
      %add3A_106 = arith.constant 80 : i32
      %add3A_107 = arith.addi %add3A_105, %add3A_106 : i32
      %add3A_108 = vector.broadcast %add3A_107 : i32 to vector<16xi32>
      %add3A_109 = arith.addi %iota3A_100, %add3A_108 : vector<16xi32>
      %swap3A_110 = arith.index_cast %add3A_36 : i32 to index
      %swap3A_111 = arith.constant 80 : index
      %swap3A_112 = tpu.vector_load %arg12[%swap3A_110, %swap3A_111] {strides = array<i32>} : memref<5x128xi32, #tpu.memory_space<vmem>>, vector<16xi32>,
      tpu.vector_store %arg12[%swap3A_110, %swap3A_111], %add3A_109 {strides = array<i32>} : memref<5x128xi32, #tpu.memory_space<vmem>>, vector<16xi32>,
      %iota3A_113 = tpu.iota {dimensions = array<i32: 0>} : vector<16xi32>
      %mul3A_114 = arith.constant 640 : i32
      %mul3A_115 = arith.muli %arg1, %mul3A_114 : i32
      %mul3A_116 = arith.constant 128 : i32
      %mul3A_117 = arith.muli %add3A_36, %mul3A_116 : i32
      %add3A_118 = arith.addi %mul3A_115, %mul3A_117 : i32
      %add3A_119 = arith.constant 96 : i32
      %add3A_120 = arith.addi %add3A_118, %add3A_119 : i32
      %add3A_121 = vector.broadcast %add3A_120 : i32 to vector<16xi32>
      %add3A_122 = arith.addi %iota3A_113, %add3A_121 : vector<16xi32>
      %swap3A_123 = arith.index_cast %add3A_36 : i32 to index
      %swap3A_124 = arith.constant 96 : index
      %swap3A_125 = tpu.vector_load %arg12[%swap3A_123, %swap3A_124] {strides = array<i32>} : memref<5x128xi32, #tpu.memory_space<vmem>>, vector<16xi32>,
      tpu.vector_store %arg12[%swap3A_123, %swap3A_124], %add3A_122 {strides = array<i32>} : memref<5x128xi32, #tpu.memory_space<vmem>>, vector<16xi32>,
      %iota3A_126 = tpu.iota {dimensions = array<i32: 0>} : vector<16xi32>
      %mul3A_127 = arith.constant 640 : i32
      %mul3A_128 = arith.muli %arg1, %mul3A_127 : i32
      %mul3A_129 = arith.constant 128 : i32
      %mul3A_130 = arith.muli %add3A_36, %mul3A_129 : i32
      %add3A_131 = arith.addi %mul3A_128, %mul3A_130 : i32
      %add3A_132 = arith.constant 112 : i32
      %add3A_133 = arith.addi %add3A_131, %add3A_132 : i32
      %add3A_134 = vector.broadcast %add3A_133 : i32 to vector<16xi32>
      %add3A_135 = arith.addi %iota3A_126, %add3A_134 : vector<16xi32>
      %swap3A_136 = arith.index_cast %add3A_36 : i32 to index
      %swap3A_137 = arith.constant 112 : index
      %swap3A_138 = tpu.vector_load %arg12[%swap3A_136, %swap3A_137] {strides = array<i32>} : memref<5x128xi32, #tpu.memory_space<vmem>>, vector<16xi32>,
      tpu.vector_store %arg12[%swap3A_136, %swap3A_137], %add3A_135 {strides = array<i32>} : memref<5x128xi32, #tpu.memory_space<vmem>>, vector<16xi32>,
    }
    %scan3A_10 = arith.constant 5 : i32
    %scan3A_11 = arith.constant 0 : i32
    %scan3A_12 = arith.constant 5 : i32
    %scan3A_13 = arith.addi %scan3A_11, %scan3A_12 : i32
    %scan3A_14 = arith.constant 1 : i32
    scf.for %scan3A_32 = %scan3A_11 to %scan3A_13 step %scan3A_14  : i32 {
      %mul3A_33 = arith.constant 1 : i32
      %mul3A_34 = arith.muli %scan3A_32, %mul3A_33 : i32
      %add3A_35 = arith.constant 0 : i32
      %add3A_36 = arith.addi %add3A_35, %mul3A_34 : i32
      "tpu.region"() ({
        %run_scoped3A = tpu.sem_alloc : memref<!tpu.dma_semaphore, #tpu.memory_space<semaphore_mem>>
        %dma_start3A = arith.constant 0 : i32
        %dma_start3A_37 = tpu.memref_slice %arg12[%add3A_36, %dma_start3A] : memref<5x128xi32, #tpu.memory_space<vmem>> -> memref<1x128xi32, #tpu.memory_space<vmem>>
        %dma_start3A_38 = tpu.memref_squeeze %dma_start3A_37 : memref<1x128xi32, #tpu.memory_space<vmem>> -> memref<128xi32, #tpu.memory_space<vmem>>
        %dma_start3A_39 = arith.constant 0 : i32
        %dma_start3A_40 = arith.constant 0 : i32
        %dma_start3A_41 = tpu.memref_slice %arg13[%dma_start3A_39, %dma_start3A_40] : memref<10240x128xf32, #tpu.memory_space<vmem_shared>> -> memref<10240x128xf32, #tpu.memory_space<vmem_shared>>
        tpu.enqueue_indirect_dma source(%arg10 : memref<128x128xf32, #tpu.memory_space<vmem>>) target(%dma_start3A_41 : memref<10240x128xf32, #tpu.memory_space<vmem_shared>>) offsets(%dma_start3A_38 : memref<128xi32, #tpu.memory_space<vmem>>) semaphore(%run_scoped3A : memref<!tpu.dma_semaphore, #tpu.memory_space<semaphore_mem>>)
        %dma_wait3A = arith.constant 0 : i32
        %dma_wait3A_42 = tpu.memref_slice %arg12[%add3A_36, %dma_wait3A] : memref<5x128xi32, #tpu.memory_space<vmem>> -> memref<1x128xi32, #tpu.memory_space<vmem>>
        %dma_wait3A_43 = tpu.memref_squeeze %dma_wait3A_42 : memref<1x128xi32, #tpu.memory_space<vmem>> -> memref<128xi32, #tpu.memory_space<vmem>>
        %dma_wait3A_44 = arith.constant 0 : i32
        %dma_wait3A_45 = arith.constant 0 : i32
        %dma_wait3A_46 = tpu.memref_slice %arg13[%dma_wait3A_44, %dma_wait3A_45] : memref<10240x128xf32, #tpu.memory_space<vmem_shared>> -> memref<10240x128xf32, #tpu.memory_space<vmem_shared>>
        tpu.wait_indirect_dma semaphore(%run_scoped3A : memref<!tpu.dma_semaphore, #tpu.memory_space<semaphore_mem>>) src(%arg10 : memref<128x128xf32, #tpu.memory_space<vmem>>) dst(%dma_wait3A_46 : memref<10240x128xf32, #tpu.memory_space<vmem_shared>>)
        tpu.yield
      }) : () -> ()
    }
    %scan3A_15 = arith.constant 5 : i32
    %mul3A_16 = arith.constant 80 : i32
    %mul3A_17 = arith.muli %add3A, %mul3A_16 : i32
    "tpu.region"() ({
      %run_scoped3A = tpu.sem_alloc : memref<!tpu.dma_semaphore, #tpu.memory_space<semaphore_mem>>
      %dma_start3A = arith.constant 0 : i32
      %dma_start3A_32 = tpu.memref_slice %arg3[%mul3A_17, %dma_start3A] : memref<2560x128xi32, #tpu.memory_space<hbm>> -> memref<80x128xi32, #tpu.memory_space<hbm>>
      %dma_start3A_33 = arith.constant 0 : i32
      %dma_start3A_34 = tpu.memref_slice %arg3[%mul3A_17, %dma_start3A_33] : memref<2560x128xi32, #tpu.memory_space<hbm>> -> memref<80x128xi32, #tpu.memory_space<hbm>>
      tpu.enqueue_dma source(%dma_start3A_34 : memref<80x128xi32, #tpu.memory_space<hbm>>) target(%arg7 : memref<80x128xi32, #tpu.memory_space<vmem>>) target_semaphore(%run_scoped3A : memref<!tpu.dma_semaphore, #tpu.memory_space<semaphore_mem>>)
      %dma_wait3A = arith.constant 0 : i32
      %dma_wait3A_35 = tpu.memref_slice %arg3[%mul3A_17, %dma_wait3A] : memref<2560x128xi32, #tpu.memory_space<hbm>> -> memref<80x128xi32, #tpu.memory_space<hbm>>
      %dma_wait3A_36 = arith.constant 0 : i32
      %dma_wait3A_37 = tpu.memref_slice %arg3[%mul3A_17, %dma_wait3A_36] : memref<2560x128xi32, #tpu.memory_space<hbm>> -> memref<80x128xi32, #tpu.memory_space<hbm>>
      tpu.wait_dma2 semaphore(%run_scoped3A : memref<!tpu.dma_semaphore, #tpu.memory_space<semaphore_mem>>) src(%dma_wait3A_37 : memref<80x128xi32, #tpu.memory_space<hbm>>) dst(%arg7 : memref<80x128xi32, #tpu.memory_space<vmem>>)
      tpu.yield
    }) : () -> ()
    %mul3A_18 = arith.constant 80 : i32
    %mul3A_19 = arith.muli %add3A, %mul3A_18 : i32
    "tpu.region"() ({
      %run_scoped3A = tpu.sem_alloc : memref<!tpu.dma_semaphore, #tpu.memory_space<semaphore_mem>>
      %dma_start3A = arith.constant 0 : i32
      %dma_start3A_32 = tpu.memref_slice %arg4[%mul3A_19, %dma_start3A] : memref<2560x128xi32, #tpu.memory_space<hbm>> -> memref<80x128xi32, #tpu.memory_space<hbm>>
      %dma_start3A_33 = arith.constant 0 : i32
      %dma_start3A_34 = tpu.memref_slice %arg4[%mul3A_19, %dma_start3A_33] : memref<2560x128xi32, #tpu.memory_space<hbm>> -> memref<80x128xi32, #tpu.memory_space<hbm>>
      tpu.enqueue_dma source(%dma_start3A_34 : memref<80x128xi32, #tpu.memory_space<hbm>>) target(%arg8 : memref<80x128xi32, #tpu.memory_space<vmem>>) target_semaphore(%run_scoped3A : memref<!tpu.dma_semaphore, #tpu.memory_space<semaphore_mem>>)
      %dma_wait3A = arith.constant 0 : i32
      %dma_wait3A_35 = tpu.memref_slice %arg4[%mul3A_19, %dma_wait3A] : memref<2560x128xi32, #tpu.memory_space<hbm>> -> memref<80x128xi32, #tpu.memory_space<hbm>>
      %dma_wait3A_36 = arith.constant 0 : i32
      %dma_wait3A_37 = tpu.memref_slice %arg4[%mul3A_19, %dma_wait3A_36] : memref<2560x128xi32, #tpu.memory_space<hbm>> -> memref<80x128xi32, #tpu.memory_space<hbm>>
      tpu.wait_dma2 semaphore(%run_scoped3A : memref<!tpu.dma_semaphore, #tpu.memory_space<semaphore_mem>>) src(%dma_wait3A_37 : memref<80x128xi32, #tpu.memory_space<hbm>>) dst(%arg8 : memref<80x128xi32, #tpu.memory_space<vmem>>)
      tpu.yield
    }) : () -> ()
    %mul3A_20 = arith.constant 80 : i32
    %mul3A_21 = arith.muli %add3A, %mul3A_20 : i32
    "tpu.region"() ({
      %run_scoped3A = tpu.sem_alloc : memref<!tpu.dma_semaphore, #tpu.memory_space<semaphore_mem>>
      %dma_start3A = arith.constant 0 : i32
      %dma_start3A_32 = tpu.memref_slice %arg5[%mul3A_21, %dma_start3A] : memref<2560x128xf32, #tpu.memory_space<hbm>> -> memref<80x128xf32, #tpu.memory_space<hbm>>
      %dma_start3A_33 = arith.constant 0 : i32
      %dma_start3A_34 = tpu.memref_slice %arg5[%mul3A_21, %dma_start3A_33] : memref<2560x128xf32, #tpu.memory_space<hbm>> -> memref<80x128xf32, #tpu.memory_space<hbm>>
      tpu.enqueue_dma source(%dma_start3A_34 : memref<80x128xf32, #tpu.memory_space<hbm>>) target(%arg9 : memref<80x128xf32, #tpu.memory_space<vmem>>) target_semaphore(%run_scoped3A : memref<!tpu.dma_semaphore, #tpu.memory_space<semaphore_mem>>)
      %dma_wait3A = arith.constant 0 : i32
      %dma_wait3A_35 = tpu.memref_slice %arg5[%mul3A_21, %dma_wait3A] : memref<2560x128xf32, #tpu.memory_space<hbm>> -> memref<80x128xf32, #tpu.memory_space<hbm>>
      %dma_wait3A_36 = arith.constant 0 : i32
      %dma_wait3A_37 = tpu.memref_slice %arg5[%mul3A_21, %dma_wait3A_36] : memref<2560x128xf32, #tpu.memory_space<hbm>> -> memref<80x128xf32, #tpu.memory_space<hbm>>
      tpu.wait_dma2 semaphore(%run_scoped3A : memref<!tpu.dma_semaphore, #tpu.memory_space<semaphore_mem>>) src(%dma_wait3A_37 : memref<80x128xf32, #tpu.memory_space<hbm>>) dst(%arg9 : memref<80x128xf32, #tpu.memory_space<vmem>>)
      tpu.yield
    }) : () -> ()
    %barrier3A = arith.constant 0 : index
    tpu.barrier barrier_id(%barrier3A)
    %scan3A_22 = arith.constant 0 : i32
    %scan3A_23 = arith.constant 80 : i32
    %scan3A_24 = arith.addi %scan3A_22, %scan3A_23 : i32
    %scan3A_25 = arith.constant 1 : i32
    scf.for %scan3A_32 = %scan3A_22 to %scan3A_24 step %scan3A_25  : i32 {
      %mul3A_33 = arith.constant 1 : i32
      %mul3A_34 = arith.muli %scan3A_32, %mul3A_33 : i32
      %add3A_35 = arith.constant 0 : i32
      %add3A_36 = arith.addi %add3A_35, %mul3A_34 : i32
      %dma_start3A = arith.constant 0 : i32
      %dma_start3A_37 = tpu.memref_slice %arg7[%add3A_36, %dma_start3A] : memref<80x128xi32, #tpu.memory_space<vmem>> -> memref<1x128xi32, #tpu.memory_space<vmem>>
      %dma_start3A_38 = tpu.memref_squeeze %dma_start3A_37 : memref<1x128xi32, #tpu.memory_space<vmem>> -> memref<128xi32, #tpu.memory_space<vmem>>
      %dma_start3A_39 = arith.constant 0 : i32
      %dma_start3A_40 = arith.constant 0 : i32
      %dma_start3A_41 = tpu.memref_slice %arg2[%dma_start3A_39, %dma_start3A_40] : memref<10000x128xf32, #tpu.memory_space<hbm>> -> memref<10000x128xf32, #tpu.memory_space<hbm>>
      tpu.enqueue_indirect_dma source(%dma_start3A_41 : memref<10000x128xf32, #tpu.memory_space<hbm>>) target(%arg10 : memref<128x128xf32, #tpu.memory_space<vmem>>) offsets(%dma_start3A_38 : memref<128xi32, #tpu.memory_space<vmem>>) semaphore(%arg14 : memref<!tpu.dma_semaphore, #tpu.memory_space<semaphore_mem>>)
      %dma_wait3A = arith.constant 0 : i32
      %dma_wait3A_42 = tpu.memref_slice %arg7[%add3A_36, %dma_wait3A] : memref<80x128xi32, #tpu.memory_space<vmem>> -> memref<1x128xi32, #tpu.memory_space<vmem>>
      %dma_wait3A_43 = tpu.memref_squeeze %dma_wait3A_42 : memref<1x128xi32, #tpu.memory_space<vmem>> -> memref<128xi32, #tpu.memory_space<vmem>>
      %dma_wait3A_44 = arith.constant 0 : i32
      %dma_wait3A_45 = arith.constant 0 : i32
      %dma_wait3A_46 = tpu.memref_slice %arg2[%dma_wait3A_44, %dma_wait3A_45] : memref<10000x128xf32, #tpu.memory_space<hbm>> -> memref<10000x128xf32, #tpu.memory_space<hbm>>
      tpu.wait_indirect_dma semaphore(%arg14 : memref<!tpu.dma_semaphore, #tpu.memory_space<semaphore_mem>>) src(%dma_wait3A_46 : memref<10000x128xf32, #tpu.memory_space<hbm>>) dst(%arg10 : memref<128x128xf32, #tpu.memory_space<vmem>>)
      %broadcast_in_dim3A_47 = vector.broadcast %add3A_36 : i32 to vector<16xi32>
      %scan3A_48 = arith.constant 0 : i32
      %scan3A_49 = arith.constant 64 : i32
      %scan3A_50 = arith.addi %scan3A_48, %scan3A_49 : i32
      %scan3A_51 = arith.constant 1 : i32
      scf.for %scan3A_53 = %scan3A_48 to %scan3A_50 step %scan3A_51  : i32 {
        %mul3A_54 = arith.constant 1 : i32
        %mul3A_55 = arith.muli %scan3A_53, %mul3A_54 : i32
        %add3A_56 = arith.constant 0 : i32
        %add3A_57 = arith.addi %add3A_56, %mul3A_55 : i32
        %mul3A_58 = arith.constant 2 : i32
        %mul3A_59 = arith.muli %mul3A_58, %add3A_57 : i32
        %broadcast_in_dim3A_60 = vector.broadcast %mul3A_59 : i32 to vector<16xi32>
        %gather3A = tpu.vector_load_idx %arg9[%broadcast_in_dim3A_47, %broadcast_in_dim3A_60] : memref<80x128xf32, #tpu.memory_space<vmem>>[vector<16xi32>, vector<16xi32>], vector<16xf32>,
        %add3A_61 = arith.constant 1 : i32
        %add3A_62 = arith.addi %mul3A_59, %add3A_61 : i32
        %broadcast_in_dim3A_63 = vector.broadcast %add3A_62 : i32 to vector<16xi32>
        %gather3A_64 = tpu.vector_load_idx %arg9[%broadcast_in_dim3A_47, %broadcast_in_dim3A_63] : memref<80x128xf32, #tpu.memory_space<vmem>>[vector<16xi32>, vector<16xi32>], vector<16xf32>,
        %get3A = arith.index_cast %mul3A_59 : i32 to index
        %get3A_65 = arith.constant 0 : index
        %get3A_66 = tpu.vector_load %arg10[%get3A, %get3A_65] {strides = array<i32>} : memref<128x128xf32, #tpu.memory_space<vmem>>, vector<16xf32>,
        %mul3A_67 = arith.mulf %get3A_66, %gather3A : vector<16xf32>
        %swap3A = arith.index_cast %mul3A_59 : i32 to index
        %swap3A_68 = arith.constant 0 : index
        %swap3A_69 = tpu.vector_load %arg10[%swap3A, %swap3A_68] {strides = array<i32>} : memref<128x128xf32, #tpu.memory_space<vmem>>, vector<16xf32>,
        tpu.vector_store %arg10[%swap3A, %swap3A_68], %mul3A_67 {strides = array<i32>} : memref<128x128xf32, #tpu.memory_space<vmem>>, vector<16xf32>,
        %get3A_70 = arith.index_cast %mul3A_59 : i32 to index
        %get3A_71 = arith.constant 16 : index
        %get3A_72 = tpu.vector_load %arg10[%get3A_70, %get3A_71] {strides = array<i32>} : memref<128x128xf32, #tpu.memory_space<vmem>>, vector<16xf32>,
        %mul3A_73 = arith.mulf %get3A_72, %gather3A : vector<16xf32>
        %swap3A_74 = arith.index_cast %mul3A_59 : i32 to index
        %swap3A_75 = arith.constant 16 : index
        %swap3A_76 = tpu.vector_load %arg10[%swap3A_74, %swap3A_75] {strides = array<i32>} : memref<128x128xf32, #tpu.memory_space<vmem>>, vector<16xf32>,
        tpu.vector_store %arg10[%swap3A_74, %swap3A_75], %mul3A_73 {strides = array<i32>} : memref<128x128xf32, #tpu.memory_space<vmem>>, vector<16xf32>,
        %get3A_77 = arith.index_cast %mul3A_59 : i32 to index
        %get3A_78 = arith.constant 32 : index
        %get3A_79 = tpu.vector_load %arg10[%get3A_77, %get3A_78] {strides = array<i32>} : memref<128x128xf32, #tpu.memory_space<vmem>>, vector<16xf32>,
        %mul3A_80 = arith.mulf %get3A_79, %gather3A : vector<16xf32>
        %swap3A_81 = arith.index_cast %mul3A_59 : i32 to index
        %swap3A_82 = arith.constant 32 : index
        %swap3A_83 = tpu.vector_load %arg10[%swap3A_81, %swap3A_82] {strides = array<i32>} : memref<128x128xf32, #tpu.memory_space<vmem>>, vector<16xf32>,
        tpu.vector_store %arg10[%swap3A_81, %swap3A_82], %mul3A_80 {strides = array<i32>} : memref<128x128xf32, #tpu.memory_space<vmem>>, vector<16xf32>,
        %get3A_84 = arith.index_cast %mul3A_59 : i32 to index
        %get3A_85 = arith.constant 48 : index
        %get3A_86 = tpu.vector_load %arg10[%get3A_84, %get3A_85] {strides = array<i32>} : memref<128x128xf32, #tpu.memory_space<vmem>>, vector<16xf32>,
        %mul3A_87 = arith.mulf %get3A_86, %gather3A : vector<16xf32>
        %swap3A_88 = arith.index_cast %mul3A_59 : i32 to index
        %swap3A_89 = arith.constant 48 : index
        %swap3A_90 = tpu.vector_load %arg10[%swap3A_88, %swap3A_89] {strides = array<i32>} : memref<128x128xf32, #tpu.memory_space<vmem>>, vector<16xf32>,
        tpu.vector_store %arg10[%swap3A_88, %swap3A_89], %mul3A_87 {strides = array<i32>} : memref<128x128xf32, #tpu.memory_space<vmem>>, vector<16xf32>,
        %get3A_91 = arith.index_cast %mul3A_59 : i32 to index
        %get3A_92 = arith.constant 64 : index
        %get3A_93 = tpu.vector_load %arg10[%get3A_91, %get3A_92] {strides = array<i32>} : memref<128x128xf32, #tpu.memory_space<vmem>>, vector<16xf32>,
        %mul3A_94 = arith.mulf %get3A_93, %gather3A : vector<16xf32>
        %swap3A_95 = arith.index_cast %mul3A_59 : i32 to index
        %swap3A_96 = arith.constant 64 : index
        %swap3A_97 = tpu.vector_load %arg10[%swap3A_95, %swap3A_96] {strides = array<i32>} : memref<128x128xf32, #tpu.memory_space<vmem>>, vector<16xf32>,
        tpu.vector_store %arg10[%swap3A_95, %swap3A_96], %mul3A_94 {strides = array<i32>} : memref<128x128xf32, #tpu.memory_space<vmem>>, vector<16xf32>,
        %get3A_98 = arith.index_cast %mul3A_59 : i32 to index
        %get3A_99 = arith.constant 80 : index
        %get3A_100 = tpu.vector_load %arg10[%get3A_98, %get3A_99] {strides = array<i32>} : memref<128x128xf32, #tpu.memory_space<vmem>>, vector<16xf32>,
        %mul3A_101 = arith.mulf %get3A_100, %gather3A : vector<16xf32>
        %swap3A_102 = arith.index_cast %mul3A_59 : i32 to index
        %swap3A_103 = arith.constant 80 : index
        %swap3A_104 = tpu.vector_load %arg10[%swap3A_102, %swap3A_103] {strides = array<i32>} : memref<128x128xf32, #tpu.memory_space<vmem>>, vector<16xf32>,
        tpu.vector_store %arg10[%swap3A_102, %swap3A_103], %mul3A_101 {strides = array<i32>} : memref<128x128xf32, #tpu.memory_space<vmem>>, vector<16xf32>,
        %get3A_105 = arith.index_cast %mul3A_59 : i32 to index
        %get3A_106 = arith.constant 96 : index
        %get3A_107 = tpu.vector_load %arg10[%get3A_105, %get3A_106] {strides = array<i32>} : memref<128x128xf32, #tpu.memory_space<vmem>>, vector<16xf32>,
        %mul3A_108 = arith.mulf %get3A_107, %gather3A : vector<16xf32>
        %swap3A_109 = arith.index_cast %mul3A_59 : i32 to index
        %swap3A_110 = arith.constant 96 : index
        %swap3A_111 = tpu.vector_load %arg10[%swap3A_109, %swap3A_110] {strides = array<i32>} : memref<128x128xf32, #tpu.memory_space<vmem>>, vector<16xf32>,
        tpu.vector_store %arg10[%swap3A_109, %swap3A_110], %mul3A_108 {strides = array<i32>} : memref<128x128xf32, #tpu.memory_space<vmem>>, vector<16xf32>,
        %get3A_112 = arith.index_cast %mul3A_59 : i32 to index
        %get3A_113 = arith.constant 112 : index
        %get3A_114 = tpu.vector_load %arg10[%get3A_112, %get3A_113] {strides = array<i32>} : memref<128x128xf32, #tpu.memory_space<vmem>>, vector<16xf32>,
        %mul3A_115 = arith.mulf %get3A_114, %gather3A : vector<16xf32>
        %swap3A_116 = arith.index_cast %mul3A_59 : i32 to index
        %swap3A_117 = arith.constant 112 : index
        %swap3A_118 = tpu.vector_load %arg10[%swap3A_116, %swap3A_117] {strides = array<i32>} : memref<128x128xf32, #tpu.memory_space<vmem>>, vector<16xf32>,
        tpu.vector_store %arg10[%swap3A_116, %swap3A_117], %mul3A_115 {strides = array<i32>} : memref<128x128xf32, #tpu.memory_space<vmem>>, vector<16xf32>,
        %add3A_119 = arith.constant 1 : i32
        %add3A_120 = arith.addi %mul3A_59, %add3A_119 : i32
        %get3A_121 = arith.index_cast %add3A_120 : i32 to index
        %get3A_122 = arith.constant 0 : index
        %get3A_123 = tpu.vector_load %arg10[%get3A_121, %get3A_122] {strides = array<i32>} : memref<128x128xf32, #tpu.memory_space<vmem>>, vector<16xf32>,
        %mul3A_124 = arith.mulf %get3A_123, %gather3A_64 : vector<16xf32>
        %add3A_125 = arith.constant 1 : i32
        %add3A_126 = arith.addi %mul3A_59, %add3A_125 : i32
        %swap3A_127 = arith.index_cast %add3A_126 : i32 to index
        %swap3A_128 = arith.constant 0 : index
        %swap3A_129 = tpu.vector_load %arg10[%swap3A_127, %swap3A_128] {strides = array<i32>} : memref<128x128xf32, #tpu.memory_space<vmem>>, vector<16xf32>,
        tpu.vector_store %arg10[%swap3A_127, %swap3A_128], %mul3A_124 {strides = array<i32>} : memref<128x128xf32, #tpu.memory_space<vmem>>, vector<16xf32>,
        %add3A_130 = arith.constant 1 : i32
        %add3A_131 = arith.addi %mul3A_59, %add3A_130 : i32
        %get3A_132 = arith.index_cast %add3A_131 : i32 to index
        %get3A_133 = arith.constant 16 : index
        %get3A_134 = tpu.vector_load %arg10[%get3A_132, %get3A_133] {strides = array<i32>} : memref<128x128xf32, #tpu.memory_space<vmem>>, vector<16xf32>,
        %mul3A_135 = arith.mulf %get3A_134, %gather3A_64 : vector<16xf32>
        %add3A_136 = arith.constant 1 : i32
        %add3A_137 = arith.addi %mul3A_59, %add3A_136 : i32
        %swap3A_138 = arith.index_cast %add3A_137 : i32 to index
        %swap3A_139 = arith.constant 16 : index
        %swap3A_140 = tpu.vector_load %arg10[%swap3A_138, %swap3A_139] {strides = array<i32>} : memref<128x128xf32, #tpu.memory_space<vmem>>, vector<16xf32>,
        tpu.vector_store %arg10[%swap3A_138, %swap3A_139], %mul3A_135 {strides = array<i32>} : memref<128x128xf32, #tpu.memory_space<vmem>>, vector<16xf32>,
        %add3A_141 = arith.constant 1 : i32
        %add3A_142 = arith.addi %mul3A_59, %add3A_141 : i32
        %get3A_143 = arith.index_cast %add3A_142 : i32 to index
        %get3A_144 = arith.constant 32 : index
        %get3A_145 = tpu.vector_load %arg10[%get3A_143, %get3A_144] {strides = array<i32>} : memref<128x128xf32, #tpu.memory_space<vmem>>, vector<16xf32>,
        %mul3A_146 = arith.mulf %get3A_145, %gather3A_64 : vector<16xf32>
        %add3A_147 = arith.constant 1 : i32
        %add3A_148 = arith.addi %mul3A_59, %add3A_147 : i32
        %swap3A_149 = arith.index_cast %add3A_148 : i32 to index
        %swap3A_150 = arith.constant 32 : index
        %swap3A_151 = tpu.vector_load %arg10[%swap3A_149, %swap3A_150] {strides = array<i32>} : memref<128x128xf32, #tpu.memory_space<vmem>>, vector<16xf32>,
        tpu.vector_store %arg10[%swap3A_149, %swap3A_150], %mul3A_146 {strides = array<i32>} : memref<128x128xf32, #tpu.memory_space<vmem>>, vector<16xf32>,
        %add3A_152 = arith.constant 1 : i32
        %add3A_153 = arith.addi %mul3A_59, %add3A_152 : i32
        %get3A_154 = arith.index_cast %add3A_153 : i32 to index
        %get3A_155 = arith.constant 48 : index
        %get3A_156 = tpu.vector_load %arg10[%get3A_154, %get3A_155] {strides = array<i32>} : memref<128x128xf32, #tpu.memory_space<vmem>>, vector<16xf32>,
        %mul3A_157 = arith.mulf %get3A_156, %gather3A_64 : vector<16xf32>
        %add3A_158 = arith.constant 1 : i32
        %add3A_159 = arith.addi %mul3A_59, %add3A_158 : i32
        %swap3A_160 = arith.index_cast %add3A_159 : i32 to index
        %swap3A_161 = arith.constant 48 : index
        %swap3A_162 = tpu.vector_load %arg10[%swap3A_160, %swap3A_161] {strides = array<i32>} : memref<128x128xf32, #tpu.memory_space<vmem>>, vector<16xf32>,
        tpu.vector_store %arg10[%swap3A_160, %swap3A_161], %mul3A_157 {strides = array<i32>} : memref<128x128xf32, #tpu.memory_space<vmem>>, vector<16xf32>,
        %add3A_163 = arith.constant 1 : i32
        %add3A_164 = arith.addi %mul3A_59, %add3A_163 : i32
        %get3A_165 = arith.index_cast %add3A_164 : i32 to index
        %get3A_166 = arith.constant 64 : index
        %get3A_167 = tpu.vector_load %arg10[%get3A_165, %get3A_166] {strides = array<i32>} : memref<128x128xf32, #tpu.memory_space<vmem>>, vector<16xf32>,
        %mul3A_168 = arith.mulf %get3A_167, %gather3A_64 : vector<16xf32>
        %add3A_169 = arith.constant 1 : i32
        %add3A_170 = arith.addi %mul3A_59, %add3A_169 : i32
        %swap3A_171 = arith.index_cast %add3A_170 : i32 to index
        %swap3A_172 = arith.constant 64 : index
        %swap3A_173 = tpu.vector_load %arg10[%swap3A_171, %swap3A_172] {strides = array<i32>} : memref<128x128xf32, #tpu.memory_space<vmem>>, vector<16xf32>,
        tpu.vector_store %arg10[%swap3A_171, %swap3A_172], %mul3A_168 {strides = array<i32>} : memref<128x128xf32, #tpu.memory_space<vmem>>, vector<16xf32>,
        %add3A_174 = arith.constant 1 : i32
        %add3A_175 = arith.addi %mul3A_59, %add3A_174 : i32
        %get3A_176 = arith.index_cast %add3A_175 : i32 to index
        %get3A_177 = arith.constant 80 : index
        %get3A_178 = tpu.vector_load %arg10[%get3A_176, %get3A_177] {strides = array<i32>} : memref<128x128xf32, #tpu.memory_space<vmem>>, vector<16xf32>,
        %mul3A_179 = arith.mulf %get3A_178, %gather3A_64 : vector<16xf32>
        %add3A_180 = arith.constant 1 : i32
        %add3A_181 = arith.addi %mul3A_59, %add3A_180 : i32
        %swap3A_182 = arith.index_cast %add3A_181 : i32 to index
        %swap3A_183 = arith.constant 80 : index
        %swap3A_184 = tpu.vector_load %arg10[%swap3A_182, %swap3A_183] {strides = array<i32>} : memref<128x128xf32, #tpu.memory_space<vmem>>, vector<16xf32>,
        tpu.vector_store %arg10[%swap3A_182, %swap3A_183], %mul3A_179 {strides = array<i32>} : memref<128x128xf32, #tpu.memory_space<vmem>>, vector<16xf32>,
        %add3A_185 = arith.constant 1 : i32
        %add3A_186 = arith.addi %mul3A_59, %add3A_185 : i32
        %get3A_187 = arith.index_cast %add3A_186 : i32 to index
        %get3A_188 = arith.constant 96 : index
        %get3A_189 = tpu.vector_load %arg10[%get3A_187, %get3A_188] {strides = array<i32>} : memref<128x128xf32, #tpu.memory_space<vmem>>, vector<16xf32>,
        %mul3A_190 = arith.mulf %get3A_189, %gather3A_64 : vector<16xf32>
        %add3A_191 = arith.constant 1 : i32
        %add3A_192 = arith.addi %mul3A_59, %add3A_191 : i32
        %swap3A_193 = arith.index_cast %add3A_192 : i32 to index
        %swap3A_194 = arith.constant 96 : index
        %swap3A_195 = tpu.vector_load %arg10[%swap3A_193, %swap3A_194] {strides = array<i32>} : memref<128x128xf32, #tpu.memory_space<vmem>>, vector<16xf32>,
        tpu.vector_store %arg10[%swap3A_193, %swap3A_194], %mul3A_190 {strides = array<i32>} : memref<128x128xf32, #tpu.memory_space<vmem>>, vector<16xf32>,
        %add3A_196 = arith.constant 1 : i32
        %add3A_197 = arith.addi %mul3A_59, %add3A_196 : i32
        %get3A_198 = arith.index_cast %add3A_197 : i32 to index
        %get3A_199 = arith.constant 112 : index
        %get3A_200 = tpu.vector_load %arg10[%get3A_198, %get3A_199] {strides = array<i32>} : memref<128x128xf32, #tpu.memory_space<vmem>>, vector<16xf32>,
        %mul3A_201 = arith.mulf %get3A_200, %gather3A_64 : vector<16xf32>
        %add3A_202 = arith.constant 1 : i32
        %add3A_203 = arith.addi %mul3A_59, %add3A_202 : i32
        %swap3A_204 = arith.index_cast %add3A_203 : i32 to index
        %swap3A_205 = arith.constant 112 : index
        %swap3A_206 = tpu.vector_load %arg10[%swap3A_204, %swap3A_205] {strides = array<i32>} : memref<128x128xf32, #tpu.memory_space<vmem>>, vector<16xf32>,
        tpu.vector_store %arg10[%swap3A_204, %swap3A_205], %mul3A_201 {strides = array<i32>} : memref<128x128xf32, #tpu.memory_space<vmem>>, vector<16xf32>,
      }
      %scan3A_52 = arith.constant 64 : i32
      "tpu.region"() ({
        %run_scoped3A = tpu.sem_alloc : memref<!tpu.dma_semaphore, #tpu.memory_space<semaphore_mem>>
        %dma_start3A_53 = arith.constant 0 : i32
        %dma_start3A_54 = tpu.memref_slice %arg8[%add3A_36, %dma_start3A_53] : memref<80x128xi32, #tpu.memory_space<vmem>> -> memref<1x128xi32, #tpu.memory_space<vmem>>
        %dma_start3A_55 = tpu.memref_squeeze %dma_start3A_54 : memref<1x128xi32, #tpu.memory_space<vmem>> -> memref<128xi32, #tpu.memory_space<vmem>>
        %dma_start3A_56 = arith.constant 0 : i32
        %dma_start3A_57 = arith.constant 0 : i32
        %dma_start3A_58 = tpu.memref_slice %arg13[%dma_start3A_56, %dma_start3A_57] : memref<10240x128xf32, #tpu.memory_space<vmem_shared>> -> memref<10240x128xf32, #tpu.memory_space<vmem_shared>>
        tpu.enqueue_indirect_dma source(%arg10 : memref<128x128xf32, #tpu.memory_space<vmem>>) target(%dma_start3A_58 : memref<10240x128xf32, #tpu.memory_space<vmem_shared>>) offsets(%dma_start3A_55 : memref<128xi32, #tpu.memory_space<vmem>>) semaphore(%run_scoped3A : memref<!tpu.dma_semaphore, #tpu.memory_space<semaphore_mem>>) {add = true}
        %dma_wait3A_59 = arith.constant 0 : i32
        %dma_wait3A_60 = tpu.memref_slice %arg8[%add3A_36, %dma_wait3A_59] : memref<80x128xi32, #tpu.memory_space<vmem>> -> memref<1x128xi32, #tpu.memory_space<vmem>>
        %dma_wait3A_61 = tpu.memref_squeeze %dma_wait3A_60 : memref<1x128xi32, #tpu.memory_space<vmem>> -> memref<128xi32, #tpu.memory_space<vmem>>
        %dma_wait3A_62 = arith.constant 0 : i32
        %dma_wait3A_63 = arith.constant 0 : i32
        %dma_wait3A_64 = tpu.memref_slice %arg13[%dma_wait3A_62, %dma_wait3A_63] : memref<10240x128xf32, #tpu.memory_space<vmem_shared>> -> memref<10240x128xf32, #tpu.memory_space<vmem_shared>>
        tpu.wait_indirect_dma semaphore(%run_scoped3A : memref<!tpu.dma_semaphore, #tpu.memory_space<semaphore_mem>>) src(%arg10 : memref<128x128xf32, #tpu.memory_space<vmem>>) dst(%dma_wait3A_64 : memref<10240x128xf32, #tpu.memory_space<vmem_shared>>)
        tpu.yield
      }) : () -> ()
    }
    %scan3A_26 = arith.constant 80 : i32
    %barrier3A_27 = arith.constant 0 : index
    tpu.barrier barrier_id(%barrier3A_27)
    %mul3A_28 = arith.constant 640 : i32
    %mul3A_29 = arith.muli %arg1, %mul3A_28 : i32
    %mul3A_30 = arith.constant 640 : i32
    %mul3A_31 = arith.muli %arg1, %mul3A_30 : i32
    "tpu.region"() ({
      %run_scoped3A = tpu.sem_alloc : memref<!tpu.dma_semaphore, #tpu.memory_space<semaphore_mem>>
      %dma_start3A = arith.constant 0 : i32
      %dma_start3A_32 = tpu.memref_slice %arg6[%arg0, %mul3A_31, %dma_start3A] : memref<2x10240x128xf32, #tpu.memory_space<hbm>> -> memref<1x640x128xf32, #tpu.memory_space<hbm>>
      %dma_start3A_33 = tpu.memref_squeeze %dma_start3A_32 : memref<1x640x128xf32, #tpu.memory_space<hbm>> -> memref<640x128xf32, #tpu.memory_space<hbm>>
      %dma_start3A_34 = arith.constant 0 : i32
      %dma_start3A_35 = tpu.memref_slice %arg13[%mul3A_29, %dma_start3A_34] : memref<10240x128xf32, #tpu.memory_space<vmem_shared>> -> memref<640x128xf32, #tpu.memory_space<vmem_shared>>
      tpu.enqueue_dma source(%dma_start3A_35 : memref<640x128xf32, #tpu.memory_space<vmem_shared>>) target(%dma_start3A_33 : memref<640x128xf32, #tpu.memory_space<hbm>>) target_semaphore(%run_scoped3A : memref<!tpu.dma_semaphore, #tpu.memory_space<semaphore_mem>>)
      %dma_wait3A = arith.constant 0 : i32
      %dma_wait3A_36 = tpu.memref_slice %arg6[%arg0, %mul3A_31, %dma_wait3A] : memref<2x10240x128xf32, #tpu.memory_space<hbm>> -> memref<1x640x128xf32, #tpu.memory_space<hbm>>
      %dma_wait3A_37 = tpu.memref_squeeze %dma_wait3A_36 : memref<1x640x128xf32, #tpu.memory_space<hbm>> -> memref<640x128xf32, #tpu.memory_space<hbm>>
      %dma_wait3A_38 = arith.constant 0 : i32
      %dma_wait3A_39 = tpu.memref_slice %arg13[%mul3A_29, %dma_wait3A_38] : memref<10240x128xf32, #tpu.memory_space<vmem_shared>> -> memref<640x128xf32, #tpu.memory_space<vmem_shared>>
      tpu.wait_dma2 semaphore(%run_scoped3A : memref<!tpu.dma_semaphore, #tpu.memory_space<semaphore_mem>>) src(%dma_wait3A_39 : memref<640x128xf32, #tpu.memory_space<vmem_shared>>) dst(%dma_wait3A_37 : memref<640x128xf32, #tpu.memory_space<hbm>>)
      tpu.yield
    }) : () -> ()
    return
  }
}

#map = affine_map<(d0, d1) -> (0, 0)>
#map1 = affine_map<(d0, d1) -> (0, 0, 0)>
module attributes {stable_mosaic.version = 14 : i64} {
  func.func @spmm(%arg0: i32, %arg1: i32, %arg2: memref<10000x128xf32, #tpu.memory_space<hbm>>, %arg3: memref<2560x128xi32, #tpu.memory_space<hbm>>, %arg4: memref<2560x128xi32, #tpu.memory_space<hbm>>, %arg5: memref<2560x128xf32, #tpu.memory_space<hbm>>, %arg6: memref<2x10240x128xf32, #tpu.memory_space<hbm>>, %arg7: memref<80x128xi32, #tpu.memory_space<vmem>>, %arg8: memref<80x128xi32, #tpu.memory_space<vmem>>, %arg9: memref<80x128xf32, #tpu.memory_space<vmem>>, %arg10: memref<128x128xf32, #tpu.memory_space<vmem>>, %arg11: memref<128x128xf32, #tpu.memory_space<vmem>>, %arg12: memref<5x128xi32, #tpu.memory_space<vmem>>, %arg13: memref<10240x128xf32, #tpu.memory_space<vmem_shared>>, %arg14: memref<!tpu.dma_semaphore, #tpu.memory_space<semaphore_mem>>, %arg15: memref<!tpu.dma_semaphore, #tpu.memory_space<semaphore_mem>>) attributes {dimension_semantics = [#tpu.dimension_semantics<core_parallel>, #tpu.dimension_semantics<subcore_parallel>], iteration_bounds = array<i64: 2, 16>, scalar_prefetch = 0 : i64, scratch_operands = 9 : i64, tpu.core_type = #tpu.core_type<sc_vector_subcore>, window_params = [{transform_indices = #map}, {transform_indices = #map}, {transform_indices = #map}, {transform_indices = #map}, {transform_indices = #map1}]} {
    %mul3A = arith.constant 16 : i32
    %mul3A_0 = arith.muli %arg0, %mul3A : i32
    %add3A = arith.addi %mul3A_0, %arg1 : i32
    %broadcast_in_dim3A = arith.constant 0.000000e+00 : f32
    %broadcast_in_dim3A_1 = vector.broadcast %broadcast_in_dim3A : f32 to vector<16xf32>
    %scan3A = arith.constant 0 : i32
    %scan3A_2 = arith.constant 128 : i32
    %scan3A_3 = arith.addi %scan3A, %scan3A_2 : i32
    %scan3A_4 = arith.constant 1 : i32
    scf.for %scan3A_32 = %scan3A to %scan3A_3 step %scan3A_4  : i32 {
      %mul3A_33 = arith.constant 1 : i32
      %mul3A_34 = arith.muli %scan3A_32, %mul3A_33 : i32
      %add3A_35 = arith.constant 0 : i32
      %add3A_36 = arith.addi %add3A_35, %mul3A_34 : i32
      %swap3A = arith.index_cast %add3A_36 : i32 to index
      %swap3A_37 = arith.constant 0 : index
      %swap3A_38 = tpu.vector_load %arg10[%swap3A, %swap3A_37] {strides = array<i32>} : memref<128x128xf32, #tpu.memory_space<vmem>>, vector<16xf32>,
      tpu.vector_store %arg10[%swap3A, %swap3A_37], %broadcast_in_dim3A_1 {strides = array<i32>} : memref<128x128xf32, #tpu.memory_space<vmem>>, vector<16xf32>,
      %swap3A_39 = arith.index_cast %add3A_36 : i32 to index
      %swap3A_40 = arith.constant 16 : index
      %swap3A_41 = tpu.vector_load %arg10[%swap3A_39, %swap3A_40] {strides = array<i32>} : memref<128x128xf32, #tpu.memory_space<vmem>>, vector<16xf32>,
      tpu.vector_store %arg10[%swap3A_39, %swap3A_40], %broadcast_in_dim3A_1 {strides = array<i32>} : memref<128x128xf32, #tpu.memory_space<vmem>>, vector<16xf32>,
      %swap3A_42 = arith.index_cast %add3A_36 : i32 to index
      %swap3A_43 = arith.constant 32 : index
      %swap3A_44 = tpu.vector_load %arg10[%swap3A_42, %swap3A_43] {strides = array<i32>} : memref<128x128xf32, #tpu.memory_space<vmem>>, vector<16xf32>,
      tpu.vector_store %arg10[%swap3A_42, %swap3A_43], %broadcast_in_dim3A_1 {strides = array<i32>} : memref<128x128xf32, #tpu.memory_space<vmem>>, vector<16xf32>,
      %swap3A_45 = arith.index_cast %add3A_36 : i32 to index
      %swap3A_46 = arith.constant 48 : index
      %swap3A_47 = tpu.vector_load %arg10[%swap3A_45, %swap3A_46] {strides = array<i32>} : memref<128x128xf32, #tpu.memory_space<vmem>>, vector<16xf32>,
      tpu.vector_store %arg10[%swap3A_45, %swap3A_46], %broadcast_in_dim3A_1 {strides = array<i32>} : memref<128x128xf32, #tpu.memory_space<vmem>>, vector<16xf32>,
      %swap3A_48 = arith.index_cast %add3A_36 : i32 to index
      %swap3A_49 = arith.constant 64 : index
      %swap3A_50 = tpu.vector_load %arg10[%swap3A_48, %swap3A_49] {strides = array<i32>} : memref<128x128xf32, #tpu.memory_space<vmem>>, vector<16xf32>,
      tpu.vector_store %arg10[%swap3A_48, %swap3A_49], %broadcast_in_dim3A_1 {strides = array<i32>} : memref<128x128xf32, #tpu.memory_space<vmem>>, vector<16xf32>,
      %swap3A_51 = arith.index_cast %add3A_36 : i32 to index
      %swap3A_52 = arith.constant 80 : index
      %swap3A_53 = tpu.vector_load %arg10[%swap3A_51, %swap3A_52] {strides = array<i32>} : memref<128x128xf32, #tpu.memory_space<vmem>>, vector<16xf32>,
      tpu.vector_store %arg10[%swap3A_51, %swap3A_52], %broadcast_in_dim3A_1 {strides = array<i32>} : memref<128x128xf32, #tpu.memory_space<vmem>>, vector<16xf32>,
      %swap3A_54 = arith.index_cast %add3A_36 : i32 to index
      %swap3A_55 = arith.constant 96 : index
      %swap3A_56 = tpu.vector_load %arg10[%swap3A_54, %swap3A_55] {strides = array<i32>} : memref<128x128xf32, #tpu.memory_space<vmem>>, vector<16xf32>,
      tpu.vector_store %arg10[%swap3A_54, %swap3A_55], %broadcast_in_dim3A_1 {strides = array<i32>} : memref<128x128xf32, #tpu.memory_space<vmem>>, vector<16xf32>,
      %swap3A_57 = arith.index_cast %add3A_36 : i32 to index
      %swap3A_58 = arith.constant 112 : index
      %swap3A_59 = tpu.vector_load %arg10[%swap3A_57, %swap3A_58] {strides = array<i32>} : memref<128x128xf32, #tpu.memory_space<vmem>>, vector<16xf32>,
      tpu.vector_store %arg10[%swap3A_57, %swap3A_58], %broadcast_in_dim3A_1 {strides = array<i32>} : memref<128x128xf32, #tpu.memory_space<vmem>>, vector<16xf32>,
    }
    %scan3A_5 = arith.constant 128 : i32
    %scan3A_6 = arith.constant 0 : i32
    %scan3A_7 = arith.constant 5 : i32
    %scan3A_8 = arith.addi %scan3A_6, %scan3A_7 : i32
    %scan3A_9 = arith.constant 1 : i32
    scf.for %scan3A_32 = %scan3A_6 to %scan3A_8 step %scan3A_9  : i32 {
      %mul3A_33 = arith.constant 1 : i32
      %mul3A_34 = arith.muli %scan3A_32, %mul3A_33 : i32
      %add3A_35 = arith.constant 0 : i32
      %add3A_36 = arith.addi %add3A_35, %mul3A_34 : i32
      %iota3A = tpu.iota {dimensions = array<i32: 0>} : vector<16xi32>
      %mul3A_37 = arith.constant 640 : i32
      %mul3A_38 = arith.muli %arg1, %mul3A_37 : i32
      %mul3A_39 = arith.constant 128 : i32
      %mul3A_40 = arith.muli %add3A_36, %mul3A_39 : i32
      %add3A_41 = arith.addi %mul3A_38, %mul3A_40 : i32
      %add3A_42 = arith.constant 0 : i32
      %add3A_43 = arith.addi %add3A_41, %add3A_42 : i32
      %add3A_44 = vector.broadcast %add3A_43 : i32 to vector<16xi32>
      %add3A_45 = arith.addi %iota3A, %add3A_44 : vector<16xi32>
      %swap3A = arith.index_cast %add3A_36 : i32 to index
      %swap3A_46 = arith.constant 0 : index
      %swap3A_47 = tpu.vector_load %arg12[%swap3A, %swap3A_46] {strides = array<i32>} : memref<5x128xi32, #tpu.memory_space<vmem>>, vector<16xi32>,
      tpu.vector_store %arg12[%swap3A, %swap3A_46], %add3A_45 {strides = array<i32>} : memref<5x128xi32, #tpu.memory_space<vmem>>, vector<16xi32>,
      %iota3A_48 = tpu.iota {dimensions = array<i32: 0>} : vector<16xi32>
      %mul3A_49 = arith.constant 640 : i32
      %mul3A_50 = arith.muli %arg1, %mul3A_49 : i32
      %mul3A_51 = arith.constant 128 : i32
      %mul3A_52 = arith.muli %add3A_36, %mul3A_51 : i32
      %add3A_53 = arith.addi %mul3A_50, %mul3A_52 : i32
      %add3A_54 = arith.constant 16 : i32
      %add3A_55 = arith.addi %add3A_53, %add3A_54 : i32
      %add3A_56 = vector.broadcast %add3A_55 : i32 to vector<16xi32>
      %add3A_57 = arith.addi %iota3A_48, %add3A_56 : vector<16xi32>
      %swap3A_58 = arith.index_cast %add3A_36 : i32 to index
      %swap3A_59 = arith.constant 16 : index
      %swap3A_60 = tpu.vector_load %arg12[%swap3A_58, %swap3A_59] {strides = array<i32>} : memref<5x128xi32, #tpu.memory_space<vmem>>, vector<16xi32>,
      tpu.vector_store %arg12[%swap3A_58, %swap3A_59], %add3A_57 {strides = array<i32>} : memref<5x128xi32, #tpu.memory_space<vmem>>, vector<16xi32>,
      %iota3A_61 = tpu.iota {dimensions = array<i32: 0>} : vector<16xi32>
      %mul3A_62 = arith.constant 640 : i32
      %mul3A_63 = arith.muli %arg1, %mul3A_62 : i32
      %mul3A_64 = arith.constant 128 : i32
      %mul3A_65 = arith.muli %add3A_36, %mul3A_64 : i32
      %add3A_66 = arith.addi %mul3A_63, %mul3A_65 : i32
      %add3A_67 = arith.constant 32 : i32
      %add3A_68 = arith.addi %add3A_66, %add3A_67 : i32
      %add3A_69 = vector.broadcast %add3A_68 : i32 to vector<16xi32>
      %add3A_70 = arith.addi %iota3A_61, %add3A_69 : vector<16xi32>
      %swap3A_71 = arith.index_cast %add3A_36 : i32 to index
      %swap3A_72 = arith.constant 32 : index
      %swap3A_73 = tpu.vector_load %arg12[%swap3A_71, %swap3A_72] {strides = array<i32>} : memref<5x128xi32, #tpu.memory_space<vmem>>, vector<16xi32>,
      tpu.vector_store %arg12[%swap3A_71, %swap3A_72], %add3A_70 {strides = array<i32>} : memref<5x128xi32, #tpu.memory_space<vmem>>, vector<16xi32>,
      %iota3A_74 = tpu.iota {dimensions = array<i32: 0>} : vector<16xi32>
      %mul3A_75 = arith.constant 640 : i32
      %mul3A_76 = arith.muli %arg1, %mul3A_75 : i32
      %mul3A_77 = arith.constant 128 : i32
      %mul3A_78 = arith.muli %add3A_36, %mul3A_77 : i32
      %add3A_79 = arith.addi %mul3A_76, %mul3A_78 : i32
      %add3A_80 = arith.constant 48 : i32
      %add3A_81 = arith.addi %add3A_79, %add3A_80 : i32
      %add3A_82 = vector.broadcast %add3A_81 : i32 to vector<16xi32>
      %add3A_83 = arith.addi %iota3A_74, %add3A_82 : vector<16xi32>
      %swap3A_84 = arith.index_cast %add3A_36 : i32 to index
      %swap3A_85 = arith.constant 48 : index
      %swap3A_86 = tpu.vector_load %arg12[%swap3A_84, %swap3A_85] {strides = array<i32>} : memref<5x128xi32, #tpu.memory_space<vmem>>, vector<16xi32>,
      tpu.vector_store %arg12[%swap3A_84, %swap3A_85], %add3A_83 {strides = array<i32>} : memref<5x128xi32, #tpu.memory_space<vmem>>, vector<16xi32>,
      %iota3A_87 = tpu.iota {dimensions = array<i32: 0>} : vector<16xi32>
      %mul3A_88 = arith.constant 640 : i32
      %mul3A_89 = arith.muli %arg1, %mul3A_88 : i32
      %mul3A_90 = arith.constant 128 : i32
      %mul3A_91 = arith.muli %add3A_36, %mul3A_90 : i32
      %add3A_92 = arith.addi %mul3A_89, %mul3A_91 : i32
      %add3A_93 = arith.constant 64 : i32
      %add3A_94 = arith.addi %add3A_92, %add3A_93 : i32
      %add3A_95 = vector.broadcast %add3A_94 : i32 to vector<16xi32>
      %add3A_96 = arith.addi %iota3A_87, %add3A_95 : vector<16xi32>
      %swap3A_97 = arith.index_cast %add3A_36 : i32 to index
      %swap3A_98 = arith.constant 64 : index
      %swap3A_99 = tpu.vector_load %arg12[%swap3A_97, %swap3A_98] {strides = array<i32>} : memref<5x128xi32, #tpu.memory_space<vmem>>, vector<16xi32>,
      tpu.vector_store %arg12[%swap3A_97, %swap3A_98], %add3A_96 {strides = array<i32>} : memref<5x128xi32, #tpu.memory_space<vmem>>, vector<16xi32>,
      %iota3A_100 = tpu.iota {dimensions = array<i32: 0>} : vector<16xi32>
      %mul3A_101 = arith.constant 640 : i32
      %mul3A_102 = arith.muli %arg1, %mul3A_101 : i32
      %mul3A_103 = arith.constant 128 : i32
      %mul3A_104 = arith.muli %add3A_36, %mul3A_103 : i32
      %add3A_105 = arith.addi %mul3A_102, %mul3A_104 : i32
      %add3A_106 = arith.constant 80 : i32
      %add3A_107 = arith.addi %add3A_105, %add3A_106 : i32
      %add3A_108 = vector.broadcast %add3A_107 : i32 to vector<16xi32>
      %add3A_109 = arith.addi %iota3A_100, %add3A_108 : vector<16xi32>
      %swap3A_110 = arith.index_cast %add3A_36 : i32 to index
      %swap3A_111 = arith.constant 80 : index
      %swap3A_112 = tpu.vector_load %arg12[%swap3A_110, %swap3A_111] {strides = array<i32>} : memref<5x128xi32, #tpu.memory_space<vmem>>, vector<16xi32>,
      tpu.vector_store %arg12[%swap3A_110, %swap3A_111], %add3A_109 {strides = array<i32>} : memref<5x128xi32, #tpu.memory_space<vmem>>, vector<16xi32>,
      %iota3A_113 = tpu.iota {dimensions = array<i32: 0>} : vector<16xi32>
      %mul3A_114 = arith.constant 640 : i32
      %mul3A_115 = arith.muli %arg1, %mul3A_114 : i32
      %mul3A_116 = arith.constant 128 : i32
      %mul3A_117 = arith.muli %add3A_36, %mul3A_116 : i32
      %add3A_118 = arith.addi %mul3A_115, %mul3A_117 : i32
      %add3A_119 = arith.constant 96 : i32
      %add3A_120 = arith.addi %add3A_118, %add3A_119 : i32
      %add3A_121 = vector.broadcast %add3A_120 : i32 to vector<16xi32>
      %add3A_122 = arith.addi %iota3A_113, %add3A_121 : vector<16xi32>
      %swap3A_123 = arith.index_cast %add3A_36 : i32 to index
      %swap3A_124 = arith.constant 96 : index
      %swap3A_125 = tpu.vector_load %arg12[%swap3A_123, %swap3A_124] {strides = array<i32>} : memref<5x128xi32, #tpu.memory_space<vmem>>, vector<16xi32>,
      tpu.vector_store %arg12[%swap3A_123, %swap3A_124], %add3A_122 {strides = array<i32>} : memref<5x128xi32, #tpu.memory_space<vmem>>, vector<16xi32>,
      %iota3A_126 = tpu.iota {dimensions = array<i32: 0>} : vector<16xi32>
      %mul3A_127 = arith.constant 640 : i32
      %mul3A_128 = arith.muli %arg1, %mul3A_127 : i32
      %mul3A_129 = arith.constant 128 : i32
      %mul3A_130 = arith.muli %add3A_36, %mul3A_129 : i32
      %add3A_131 = arith.addi %mul3A_128, %mul3A_130 : i32
      %add3A_132 = arith.constant 112 : i32
      %add3A_133 = arith.addi %add3A_131, %add3A_132 : i32
      %add3A_134 = vector.broadcast %add3A_133 : i32 to vector<16xi32>
      %add3A_135 = arith.addi %iota3A_126, %add3A_134 : vector<16xi32>
      %swap3A_136 = arith.index_cast %add3A_36 : i32 to index
      %swap3A_137 = arith.constant 112 : index
      %swap3A_138 = tpu.vector_load %arg12[%swap3A_136, %swap3A_137] {strides = array<i32>} : memref<5x128xi32, #tpu.memory_space<vmem>>, vector<16xi32>,
      tpu.vector_store %arg12[%swap3A_136, %swap3A_137], %add3A_135 {strides = array<i32>} : memref<5x128xi32, #tpu.memory_space<vmem>>, vector<16xi32>,
    }
    %scan3A_10 = arith.constant 5 : i32
    %scan3A_11 = arith.constant 0 : i32
    %scan3A_12 = arith.constant 5 : i32
    %scan3A_13 = arith.addi %scan3A_11, %scan3A_12 : i32
    %scan3A_14 = arith.constant 1 : i32
    scf.for %scan3A_32 = %scan3A_11 to %scan3A_13 step %scan3A_14  : i32 {
      %mul3A_33 = arith.constant 1 : i32
      %mul3A_34 = arith.muli %scan3A_32, %mul3A_33 : i32
      %add3A_35 = arith.constant 0 : i32
      %add3A_36 = arith.addi %add3A_35, %mul3A_34 : i32
      "tpu.region"() ({
        %run_scoped3A = tpu.sem_alloc : memref<!tpu.dma_semaphore, #tpu.memory_space<semaphore_mem>>
        %dma_start3A = arith.constant 0 : i32
        %dma_start3A_37 = tpu.memref_slice %arg12[%add3A_36, %dma_start3A] : memref<5x128xi32, #tpu.memory_space<vmem>> -> memref<1x128xi32, #tpu.memory_space<vmem>>
        %dma_start3A_38 = tpu.memref_squeeze %dma_start3A_37 : memref<1x128xi32, #tpu.memory_space<vmem>> -> memref<128xi32, #tpu.memory_space<vmem>>
        %dma_start3A_39 = arith.constant 0 : i32
        %dma_start3A_40 = arith.constant 0 : i32
        %dma_start3A_41 = tpu.memref_slice %arg13[%dma_start3A_39, %dma_start3A_40] : memref<10240x128xf32, #tpu.memory_space<vmem_shared>> -> memref<10240x128xf32, #tpu.memory_space<vmem_shared>>
        tpu.enqueue_indirect_dma source(%arg10 : memref<128x128xf32, #tpu.memory_space<vmem>>) target(%dma_start3A_41 : memref<10240x128xf32, #tpu.memory_space<vmem_shared>>) offsets(%dma_start3A_38 : memref<128xi32, #tpu.memory_space<vmem>>) semaphore(%run_scoped3A : memref<!tpu.dma_semaphore, #tpu.memory_space<semaphore_mem>>)
        %dma_wait3A = arith.constant 0 : i32
        %dma_wait3A_42 = tpu.memref_slice %arg12[%add3A_36, %dma_wait3A] : memref<5x128xi32, #tpu.memory_space<vmem>> -> memref<1x128xi32, #tpu.memory_space<vmem>>
        %dma_wait3A_43 = tpu.memref_squeeze %dma_wait3A_42 : memref<1x128xi32, #tpu.memory_space<vmem>> -> memref<128xi32, #tpu.memory_space<vmem>>
        %dma_wait3A_44 = arith.constant 0 : i32
        %dma_wait3A_45 = arith.constant 0 : i32
        %dma_wait3A_46 = tpu.memref_slice %arg13[%dma_wait3A_44, %dma_wait3A_45] : memref<10240x128xf32, #tpu.memory_space<vmem_shared>> -> memref<10240x128xf32, #tpu.memory_space<vmem_shared>>
        tpu.wait_indirect_dma semaphore(%run_scoped3A : memref<!tpu.dma_semaphore, #tpu.memory_space<semaphore_mem>>) src(%arg10 : memref<128x128xf32, #tpu.memory_space<vmem>>) dst(%dma_wait3A_46 : memref<10240x128xf32, #tpu.memory_space<vmem_shared>>)
        tpu.yield
      }) : () -> ()
    }
    %scan3A_15 = arith.constant 5 : i32
    %mul3A_16 = arith.constant 80 : i32
    %mul3A_17 = arith.muli %add3A, %mul3A_16 : i32
    "tpu.region"() ({
      %run_scoped3A = tpu.sem_alloc : memref<!tpu.dma_semaphore, #tpu.memory_space<semaphore_mem>>
      %dma_start3A = arith.constant 0 : i32
      %dma_start3A_32 = tpu.memref_slice %arg3[%mul3A_17, %dma_start3A] : memref<2560x128xi32, #tpu.memory_space<hbm>> -> memref<80x128xi32, #tpu.memory_space<hbm>>
      %dma_start3A_33 = arith.constant 0 : i32
      %dma_start3A_34 = tpu.memref_slice %arg3[%mul3A_17, %dma_start3A_33] : memref<2560x128xi32, #tpu.memory_space<hbm>> -> memref<80x128xi32, #tpu.memory_space<hbm>>
      tpu.enqueue_dma source(%dma_start3A_34 : memref<80x128xi32, #tpu.memory_space<hbm>>) target(%arg7 : memref<80x128xi32, #tpu.memory_space<vmem>>) target_semaphore(%run_scoped3A : memref<!tpu.dma_semaphore, #tpu.memory_space<semaphore_mem>>)
      %dma_wait3A = arith.constant 0 : i32
      %dma_wait3A_35 = tpu.memref_slice %arg3[%mul3A_17, %dma_wait3A] : memref<2560x128xi32, #tpu.memory_space<hbm>> -> memref<80x128xi32, #tpu.memory_space<hbm>>
      %dma_wait3A_36 = arith.constant 0 : i32
      %dma_wait3A_37 = tpu.memref_slice %arg3[%mul3A_17, %dma_wait3A_36] : memref<2560x128xi32, #tpu.memory_space<hbm>> -> memref<80x128xi32, #tpu.memory_space<hbm>>
      tpu.wait_dma2 semaphore(%run_scoped3A : memref<!tpu.dma_semaphore, #tpu.memory_space<semaphore_mem>>) src(%dma_wait3A_37 : memref<80x128xi32, #tpu.memory_space<hbm>>) dst(%arg7 : memref<80x128xi32, #tpu.memory_space<vmem>>)
      tpu.yield
    }) : () -> ()
    %mul3A_18 = arith.constant 80 : i32
    %mul3A_19 = arith.muli %add3A, %mul3A_18 : i32
    "tpu.region"() ({
      %run_scoped3A = tpu.sem_alloc : memref<!tpu.dma_semaphore, #tpu.memory_space<semaphore_mem>>
      %dma_start3A = arith.constant 0 : i32
      %dma_start3A_32 = tpu.memref_slice %arg4[%mul3A_19, %dma_start3A] : memref<2560x128xi32, #tpu.memory_space<hbm>> -> memref<80x128xi32, #tpu.memory_space<hbm>>
      %dma_start3A_33 = arith.constant 0 : i32
      %dma_start3A_34 = tpu.memref_slice %arg4[%mul3A_19, %dma_start3A_33] : memref<2560x128xi32, #tpu.memory_space<hbm>> -> memref<80x128xi32, #tpu.memory_space<hbm>>
      tpu.enqueue_dma source(%dma_start3A_34 : memref<80x128xi32, #tpu.memory_space<hbm>>) target(%arg8 : memref<80x128xi32, #tpu.memory_space<vmem>>) target_semaphore(%run_scoped3A : memref<!tpu.dma_semaphore, #tpu.memory_space<semaphore_mem>>)
      %dma_wait3A = arith.constant 0 : i32
      %dma_wait3A_35 = tpu.memref_slice %arg4[%mul3A_19, %dma_wait3A] : memref<2560x128xi32, #tpu.memory_space<hbm>> -> memref<80x128xi32, #tpu.memory_space<hbm>>
      %dma_wait3A_36 = arith.constant 0 : i32
      %dma_wait3A_37 = tpu.memref_slice %arg4[%mul3A_19, %dma_wait3A_36] : memref<2560x128xi32, #tpu.memory_space<hbm>> -> memref<80x128xi32, #tpu.memory_space<hbm>>
      tpu.wait_dma2 semaphore(%run_scoped3A : memref<!tpu.dma_semaphore, #tpu.memory_space<semaphore_mem>>) src(%dma_wait3A_37 : memref<80x128xi32, #tpu.memory_space<hbm>>) dst(%arg8 : memref<80x128xi32, #tpu.memory_space<vmem>>)
      tpu.yield
    }) : () -> ()
    %mul3A_20 = arith.constant 80 : i32
    %mul3A_21 = arith.muli %add3A, %mul3A_20 : i32
    "tpu.region"() ({
      %run_scoped3A = tpu.sem_alloc : memref<!tpu.dma_semaphore, #tpu.memory_space<semaphore_mem>>
      %dma_start3A = arith.constant 0 : i32
      %dma_start3A_32 = tpu.memref_slice %arg5[%mul3A_21, %dma_start3A] : memref<2560x128xf32, #tpu.memory_space<hbm>> -> memref<80x128xf32, #tpu.memory_space<hbm>>
      %dma_start3A_33 = arith.constant 0 : i32
      %dma_start3A_34 = tpu.memref_slice %arg5[%mul3A_21, %dma_start3A_33] : memref<2560x128xf32, #tpu.memory_space<hbm>> -> memref<80x128xf32, #tpu.memory_space<hbm>>
      tpu.enqueue_dma source(%dma_start3A_34 : memref<80x128xf32, #tpu.memory_space<hbm>>) target(%arg9 : memref<80x128xf32, #tpu.memory_space<vmem>>) target_semaphore(%run_scoped3A : memref<!tpu.dma_semaphore, #tpu.memory_space<semaphore_mem>>)
      %dma_wait3A = arith.constant 0 : i32
      %dma_wait3A_35 = tpu.memref_slice %arg5[%mul3A_21, %dma_wait3A] : memref<2560x128xf32, #tpu.memory_space<hbm>> -> memref<80x128xf32, #tpu.memory_space<hbm>>
      %dma_wait3A_36 = arith.constant 0 : i32
      %dma_wait3A_37 = tpu.memref_slice %arg5[%mul3A_21, %dma_wait3A_36] : memref<2560x128xf32, #tpu.memory_space<hbm>> -> memref<80x128xf32, #tpu.memory_space<hbm>>
      tpu.wait_dma2 semaphore(%run_scoped3A : memref<!tpu.dma_semaphore, #tpu.memory_space<semaphore_mem>>) src(%dma_wait3A_37 : memref<80x128xf32, #tpu.memory_space<hbm>>) dst(%arg9 : memref<80x128xf32, #tpu.memory_space<vmem>>)
      tpu.yield
    }) : () -> ()
    %barrier3A = arith.constant 0 : index
    tpu.barrier barrier_id(%barrier3A)
    %scan3A_22 = arith.constant 0 : i32
    %scan3A_23 = arith.constant 80 : i32
    %scan3A_24 = arith.addi %scan3A_22, %scan3A_23 : i32
    %scan3A_25 = arith.constant 1 : i32
    scf.for %scan3A_32 = %scan3A_22 to %scan3A_24 step %scan3A_25  : i32 {
      %mul3A_33 = arith.constant 1 : i32
      %mul3A_34 = arith.muli %scan3A_32, %mul3A_33 : i32
      %add3A_35 = arith.constant 0 : i32
      %add3A_36 = arith.addi %add3A_35, %mul3A_34 : i32
      %dma_start3A = arith.constant 0 : i32
      %dma_start3A_37 = tpu.memref_slice %arg7[%add3A_36, %dma_start3A] : memref<80x128xi32, #tpu.memory_space<vmem>> -> memref<1x128xi32, #tpu.memory_space<vmem>>
      %dma_start3A_38 = tpu.memref_squeeze %dma_start3A_37 : memref<1x128xi32, #tpu.memory_space<vmem>> -> memref<128xi32, #tpu.memory_space<vmem>>
      %dma_start3A_39 = arith.constant 0 : i32
      %dma_start3A_40 = arith.constant 0 : i32
      %dma_start3A_41 = tpu.memref_slice %arg2[%dma_start3A_39, %dma_start3A_40] : memref<10000x128xf32, #tpu.memory_space<hbm>> -> memref<10000x128xf32, #tpu.memory_space<hbm>>
      tpu.enqueue_indirect_dma source(%dma_start3A_41 : memref<10000x128xf32, #tpu.memory_space<hbm>>) target(%arg10 : memref<128x128xf32, #tpu.memory_space<vmem>>) offsets(%dma_start3A_38 : memref<128xi32, #tpu.memory_space<vmem>>) semaphore(%arg14 : memref<!tpu.dma_semaphore, #tpu.memory_space<semaphore_mem>>)
      %dma_wait3A = arith.constant 0 : i32
      %dma_wait3A_42 = tpu.memref_slice %arg7[%add3A_36, %dma_wait3A] : memref<80x128xi32, #tpu.memory_space<vmem>> -> memref<1x128xi32, #tpu.memory_space<vmem>>
      %dma_wait3A_43 = tpu.memref_squeeze %dma_wait3A_42 : memref<1x128xi32, #tpu.memory_space<vmem>> -> memref<128xi32, #tpu.memory_space<vmem>>
      %dma_wait3A_44 = arith.constant 0 : i32
      %dma_wait3A_45 = arith.constant 0 : i32
      %dma_wait3A_46 = tpu.memref_slice %arg2[%dma_wait3A_44, %dma_wait3A_45] : memref<10000x128xf32, #tpu.memory_space<hbm>> -> memref<10000x128xf32, #tpu.memory_space<hbm>>
      tpu.wait_indirect_dma semaphore(%arg14 : memref<!tpu.dma_semaphore, #tpu.memory_space<semaphore_mem>>) src(%dma_wait3A_46 : memref<10000x128xf32, #tpu.memory_space<hbm>>) dst(%arg10 : memref<128x128xf32, #tpu.memory_space<vmem>>)
      %broadcast_in_dim3A_47 = vector.broadcast %add3A_36 : i32 to vector<16xi32>
      %scan3A_48 = arith.constant 0 : i32
      %scan3A_49 = arith.constant 64 : i32
      %scan3A_50 = arith.addi %scan3A_48, %scan3A_49 : i32
      %scan3A_51 = arith.constant 1 : i32
      scf.for %scan3A_53 = %scan3A_48 to %scan3A_50 step %scan3A_51  : i32 {
        %mul3A_54 = arith.constant 1 : i32
        %mul3A_55 = arith.muli %scan3A_53, %mul3A_54 : i32
        %add3A_56 = arith.constant 0 : i32
        %add3A_57 = arith.addi %add3A_56, %mul3A_55 : i32
        %mul3A_58 = arith.constant 2 : i32
        %mul3A_59 = arith.muli %mul3A_58, %add3A_57 : i32
        %broadcast_in_dim3A_60 = vector.broadcast %mul3A_59 : i32 to vector<16xi32>
        %gather3A = tpu.vector_load_idx %arg9[%broadcast_in_dim3A_47, %broadcast_in_dim3A_60] : memref<80x128xf32, #tpu.memory_space<vmem>>[vector<16xi32>, vector<16xi32>], vector<16xf32>,
        %add3A_61 = arith.constant 1 : i32
        %add3A_62 = arith.addi %mul3A_59, %add3A_61 : i32
        %broadcast_in_dim3A_63 = vector.broadcast %add3A_62 : i32 to vector<16xi32>
        %gather3A_64 = tpu.vector_load_idx %arg9[%broadcast_in_dim3A_47, %broadcast_in_dim3A_63] : memref<80x128xf32, #tpu.memory_space<vmem>>[vector<16xi32>, vector<16xi32>], vector<16xf32>,
        %get3A = arith.index_cast %mul3A_59 : i32 to index
        %get3A_65 = arith.constant 0 : index
        %get3A_66 = tpu.vector_load %arg10[%get3A, %get3A_65] {strides = array<i32>} : memref<128x128xf32, #tpu.memory_space<vmem>>, vector<16xf32>,
        %mul3A_67 = arith.mulf %get3A_66, %gather3A : vector<16xf32>
        %swap3A = arith.index_cast %mul3A_59 : i32 to index
        %swap3A_68 = arith.constant 0 : index
        %swap3A_69 = tpu.vector_load %arg10[%swap3A, %swap3A_68] {strides = array<i32>} : memref<128x128xf32, #tpu.memory_space<vmem>>, vector<16xf32>,
        tpu.vector_store %arg10[%swap3A, %swap3A_68], %mul3A_67 {strides = array<i32>} : memref<128x128xf32, #tpu.memory_space<vmem>>, vector<16xf32>,
        %get3A_70 = arith.index_cast %mul3A_59 : i32 to index
        %get3A_71 = arith.constant 16 : index
        %get3A_72 = tpu.vector_load %arg10[%get3A_70, %get3A_71] {strides = array<i32>} : memref<128x128xf32, #tpu.memory_space<vmem>>, vector<16xf32>,
        %mul3A_73 = arith.mulf %get3A_72, %gather3A : vector<16xf32>
        %swap3A_74 = arith.index_cast %mul3A_59 : i32 to index
        %swap3A_75 = arith.constant 16 : index
        %swap3A_76 = tpu.vector_load %arg10[%swap3A_74, %swap3A_75] {strides = array<i32>} : memref<128x128xf32, #tpu.memory_space<vmem>>, vector<16xf32>,
        tpu.vector_store %arg10[%swap3A_74, %swap3A_75], %mul3A_73 {strides = array<i32>} : memref<128x128xf32, #tpu.memory_space<vmem>>, vector<16xf32>,
        %get3A_77 = arith.index_cast %mul3A_59 : i32 to index
        %get3A_78 = arith.constant 32 : index
        %get3A_79 = tpu.vector_load %arg10[%get3A_77, %get3A_78] {strides = array<i32>} : memref<128x128xf32, #tpu.memory_space<vmem>>, vector<16xf32>,
        %mul3A_80 = arith.mulf %get3A_79, %gather3A : vector<16xf32>
        %swap3A_81 = arith.index_cast %mul3A_59 : i32 to index
        %swap3A_82 = arith.constant 32 : index
        %swap3A_83 = tpu.vector_load %arg10[%swap3A_81, %swap3A_82] {strides = array<i32>} : memref<128x128xf32, #tpu.memory_space<vmem>>, vector<16xf32>,
        tpu.vector_store %arg10[%swap3A_81, %swap3A_82], %mul3A_80 {strides = array<i32>} : memref<128x128xf32, #tpu.memory_space<vmem>>, vector<16xf32>,
        %get3A_84 = arith.index_cast %mul3A_59 : i32 to index
        %get3A_85 = arith.constant 48 : index
        %get3A_86 = tpu.vector_load %arg10[%get3A_84, %get3A_85] {strides = array<i32>} : memref<128x128xf32, #tpu.memory_space<vmem>>, vector<16xf32>,
        %mul3A_87 = arith.mulf %get3A_86, %gather3A : vector<16xf32>
        %swap3A_88 = arith.index_cast %mul3A_59 : i32 to index
        %swap3A_89 = arith.constant 48 : index
        %swap3A_90 = tpu.vector_load %arg10[%swap3A_88, %swap3A_89] {strides = array<i32>} : memref<128x128xf32, #tpu.memory_space<vmem>>, vector<16xf32>,
        tpu.vector_store %arg10[%swap3A_88, %swap3A_89], %mul3A_87 {strides = array<i32>} : memref<128x128xf32, #tpu.memory_space<vmem>>, vector<16xf32>,
        %get3A_91 = arith.index_cast %mul3A_59 : i32 to index
        %get3A_92 = arith.constant 64 : index
        %get3A_93 = tpu.vector_load %arg10[%get3A_91, %get3A_92] {strides = array<i32>} : memref<128x128xf32, #tpu.memory_space<vmem>>, vector<16xf32>,
        %mul3A_94 = arith.mulf %get3A_93, %gather3A : vector<16xf32>
        %swap3A_95 = arith.index_cast %mul3A_59 : i32 to index
        %swap3A_96 = arith.constant 64 : index
        %swap3A_97 = tpu.vector_load %arg10[%swap3A_95, %swap3A_96] {strides = array<i32>} : memref<128x128xf32, #tpu.memory_space<vmem>>, vector<16xf32>,
        tpu.vector_store %arg10[%swap3A_95, %swap3A_96], %mul3A_94 {strides = array<i32>} : memref<128x128xf32, #tpu.memory_space<vmem>>, vector<16xf32>,
        %get3A_98 = arith.index_cast %mul3A_59 : i32 to index
        %get3A_99 = arith.constant 80 : index
        %get3A_100 = tpu.vector_load %arg10[%get3A_98, %get3A_99] {strides = array<i32>} : memref<128x128xf32, #tpu.memory_space<vmem>>, vector<16xf32>,
        %mul3A_101 = arith.mulf %get3A_100, %gather3A : vector<16xf32>
        %swap3A_102 = arith.index_cast %mul3A_59 : i32 to index
        %swap3A_103 = arith.constant 80 : index
        %swap3A_104 = tpu.vector_load %arg10[%swap3A_102, %swap3A_103] {strides = array<i32>} : memref<128x128xf32, #tpu.memory_space<vmem>>, vector<16xf32>,
        tpu.vector_store %arg10[%swap3A_102, %swap3A_103], %mul3A_101 {strides = array<i32>} : memref<128x128xf32, #tpu.memory_space<vmem>>, vector<16xf32>,
        %get3A_105 = arith.index_cast %mul3A_59 : i32 to index
        %get3A_106 = arith.constant 96 : index
        %get3A_107 = tpu.vector_load %arg10[%get3A_105, %get3A_106] {strides = array<i32>} : memref<128x128xf32, #tpu.memory_space<vmem>>, vector<16xf32>,
        %mul3A_108 = arith.mulf %get3A_107, %gather3A : vector<16xf32>
        %swap3A_109 = arith.index_cast %mul3A_59 : i32 to index
        %swap3A_110 = arith.constant 96 : index
        %swap3A_111 = tpu.vector_load %arg10[%swap3A_109, %swap3A_110] {strides = array<i32>} : memref<128x128xf32, #tpu.memory_space<vmem>>, vector<16xf32>,
        tpu.vector_store %arg10[%swap3A_109, %swap3A_110], %mul3A_108 {strides = array<i32>} : memref<128x128xf32, #tpu.memory_space<vmem>>, vector<16xf32>,
        %get3A_112 = arith.index_cast %mul3A_59 : i32 to index
        %get3A_113 = arith.constant 112 : index
        %get3A_114 = tpu.vector_load %arg10[%get3A_112, %get3A_113] {strides = array<i32>} : memref<128x128xf32, #tpu.memory_space<vmem>>, vector<16xf32>,
        %mul3A_115 = arith.mulf %get3A_114, %gather3A : vector<16xf32>
        %swap3A_116 = arith.index_cast %mul3A_59 : i32 to index
        %swap3A_117 = arith.constant 112 : index
        %swap3A_118 = tpu.vector_load %arg10[%swap3A_116, %swap3A_117] {strides = array<i32>} : memref<128x128xf32, #tpu.memory_space<vmem>>, vector<16xf32>,
        tpu.vector_store %arg10[%swap3A_116, %swap3A_117], %mul3A_115 {strides = array<i32>} : memref<128x128xf32, #tpu.memory_space<vmem>>, vector<16xf32>,
        %add3A_119 = arith.constant 1 : i32
        %add3A_120 = arith.addi %mul3A_59, %add3A_119 : i32
        %get3A_121 = arith.index_cast %add3A_120 : i32 to index
        %get3A_122 = arith.constant 0 : index
        %get3A_123 = tpu.vector_load %arg10[%get3A_121, %get3A_122] {strides = array<i32>} : memref<128x128xf32, #tpu.memory_space<vmem>>, vector<16xf32>,
        %mul3A_124 = arith.mulf %get3A_123, %gather3A_64 : vector<16xf32>
        %add3A_125 = arith.constant 1 : i32
        %add3A_126 = arith.addi %mul3A_59, %add3A_125 : i32
        %swap3A_127 = arith.index_cast %add3A_126 : i32 to index
        %swap3A_128 = arith.constant 0 : index
        %swap3A_129 = tpu.vector_load %arg10[%swap3A_127, %swap3A_128] {strides = array<i32>} : memref<128x128xf32, #tpu.memory_space<vmem>>, vector<16xf32>,
        tpu.vector_store %arg10[%swap3A_127, %swap3A_128], %mul3A_124 {strides = array<i32>} : memref<128x128xf32, #tpu.memory_space<vmem>>, vector<16xf32>,
        %add3A_130 = arith.constant 1 : i32
        %add3A_131 = arith.addi %mul3A_59, %add3A_130 : i32
        %get3A_132 = arith.index_cast %add3A_131 : i32 to index
        %get3A_133 = arith.constant 16 : index
        %get3A_134 = tpu.vector_load %arg10[%get3A_132, %get3A_133] {strides = array<i32>} : memref<128x128xf32, #tpu.memory_space<vmem>>, vector<16xf32>,
        %mul3A_135 = arith.mulf %get3A_134, %gather3A_64 : vector<16xf32>
        %add3A_136 = arith.constant 1 : i32
        %add3A_137 = arith.addi %mul3A_59, %add3A_136 : i32
        %swap3A_138 = arith.index_cast %add3A_137 : i32 to index
        %swap3A_139 = arith.constant 16 : index
        %swap3A_140 = tpu.vector_load %arg10[%swap3A_138, %swap3A_139] {strides = array<i32>} : memref<128x128xf32, #tpu.memory_space<vmem>>, vector<16xf32>,
        tpu.vector_store %arg10[%swap3A_138, %swap3A_139], %mul3A_135 {strides = array<i32>} : memref<128x128xf32, #tpu.memory_space<vmem>>, vector<16xf32>,
        %add3A_141 = arith.constant 1 : i32
        %add3A_142 = arith.addi %mul3A_59, %add3A_141 : i32
        %get3A_143 = arith.index_cast %add3A_142 : i32 to index
        %get3A_144 = arith.constant 32 : index
        %get3A_145 = tpu.vector_load %arg10[%get3A_143, %get3A_144] {strides = array<i32>} : memref<128x128xf32, #tpu.memory_space<vmem>>, vector<16xf32>,
        %mul3A_146 = arith.mulf %get3A_145, %gather3A_64 : vector<16xf32>
        %add3A_147 = arith.constant 1 : i32
        %add3A_148 = arith.addi %mul3A_59, %add3A_147 : i32
        %swap3A_149 = arith.index_cast %add3A_148 : i32 to index
        %swap3A_150 = arith.constant 32 : index
        %swap3A_151 = tpu.vector_load %arg10[%swap3A_149, %swap3A_150] {strides = array<i32>} : memref<128x128xf32, #tpu.memory_space<vmem>>, vector<16xf32>,
        tpu.vector_store %arg10[%swap3A_149, %swap3A_150], %mul3A_146 {strides = array<i32>} : memref<128x128xf32, #tpu.memory_space<vmem>>, vector<16xf32>,
        %add3A_152 = arith.constant 1 : i32
        %add3A_153 = arith.addi %mul3A_59, %add3A_152 : i32
        %get3A_154 = arith.index_cast %add3A_153 : i32 to index
        %get3A_155 = arith.constant 48 : index
        %get3A_156 = tpu.vector_load %arg10[%get3A_154, %get3A_155] {strides = array<i32>} : memref<128x128xf32, #tpu.memory_space<vmem>>, vector<16xf32>,
        %mul3A_157 = arith.mulf %get3A_156, %gather3A_64 : vector<16xf32>
        %add3A_158 = arith.constant 1 : i32
        %add3A_159 = arith.addi %mul3A_59, %add3A_158 : i32
        %swap3A_160 = arith.index_cast %add3A_159 : i32 to index
        %swap3A_161 = arith.constant 48 : index
        %swap3A_162 = tpu.vector_load %arg10[%swap3A_160, %swap3A_161] {strides = array<i32>} : memref<128x128xf32, #tpu.memory_space<vmem>>, vector<16xf32>,
        tpu.vector_store %arg10[%swap3A_160, %swap3A_161], %mul3A_157 {strides = array<i32>} : memref<128x128xf32, #tpu.memory_space<vmem>>, vector<16xf32>,
        %add3A_163 = arith.constant 1 : i32
        %add3A_164 = arith.addi %mul3A_59, %add3A_163 : i32
        %get3A_165 = arith.index_cast %add3A_164 : i32 to index
        %get3A_166 = arith.constant 64 : index
        %get3A_167 = tpu.vector_load %arg10[%get3A_165, %get3A_166] {strides = array<i32>} : memref<128x128xf32, #tpu.memory_space<vmem>>, vector<16xf32>,
        %mul3A_168 = arith.mulf %get3A_167, %gather3A_64 : vector<16xf32>
        %add3A_169 = arith.constant 1 : i32
        %add3A_170 = arith.addi %mul3A_59, %add3A_169 : i32
        %swap3A_171 = arith.index_cast %add3A_170 : i32 to index
        %swap3A_172 = arith.constant 64 : index
        %swap3A_173 = tpu.vector_load %arg10[%swap3A_171, %swap3A_172] {strides = array<i32>} : memref<128x128xf32, #tpu.memory_space<vmem>>, vector<16xf32>,
        tpu.vector_store %arg10[%swap3A_171, %swap3A_172], %mul3A_168 {strides = array<i32>} : memref<128x128xf32, #tpu.memory_space<vmem>>, vector<16xf32>,
        %add3A_174 = arith.constant 1 : i32
        %add3A_175 = arith.addi %mul3A_59, %add3A_174 : i32
        %get3A_176 = arith.index_cast %add3A_175 : i32 to index
        %get3A_177 = arith.constant 80 : index
        %get3A_178 = tpu.vector_load %arg10[%get3A_176, %get3A_177] {strides = array<i32>} : memref<128x128xf32, #tpu.memory_space<vmem>>, vector<16xf32>,
        %mul3A_179 = arith.mulf %get3A_178, %gather3A_64 : vector<16xf32>
        %add3A_180 = arith.constant 1 : i32
        %add3A_181 = arith.addi %mul3A_59, %add3A_180 : i32
        %swap3A_182 = arith.index_cast %add3A_181 : i32 to index
        %swap3A_183 = arith.constant 80 : index
        %swap3A_184 = tpu.vector_load %arg10[%swap3A_182, %swap3A_183] {strides = array<i32>} : memref<128x128xf32, #tpu.memory_space<vmem>>, vector<16xf32>,
        tpu.vector_store %arg10[%swap3A_182, %swap3A_183], %mul3A_179 {strides = array<i32>} : memref<128x128xf32, #tpu.memory_space<vmem>>, vector<16xf32>,
        %add3A_185 = arith.constant 1 : i32
        %add3A_186 = arith.addi %mul3A_59, %add3A_185 : i32
        %get3A_187 = arith.index_cast %add3A_186 : i32 to index
        %get3A_188 = arith.constant 96 : index
        %get3A_189 = tpu.vector_load %arg10[%get3A_187, %get3A_188] {strides = array<i32>} : memref<128x128xf32, #tpu.memory_space<vmem>>, vector<16xf32>,
        %mul3A_190 = arith.mulf %get3A_189, %gather3A_64 : vector<16xf32>
        %add3A_191 = arith.constant 1 : i32
        %add3A_192 = arith.addi %mul3A_59, %add3A_191 : i32
        %swap3A_193 = arith.index_cast %add3A_192 : i32 to index
        %swap3A_194 = arith.constant 96 : index
        %swap3A_195 = tpu.vector_load %arg10[%swap3A_193, %swap3A_194] {strides = array<i32>} : memref<128x128xf32, #tpu.memory_space<vmem>>, vector<16xf32>,
        tpu.vector_store %arg10[%swap3A_193, %swap3A_194], %mul3A_190 {strides = array<i32>} : memref<128x128xf32, #tpu.memory_space<vmem>>, vector<16xf32>,
        %add3A_196 = arith.constant 1 : i32
        %add3A_197 = arith.addi %mul3A_59, %add3A_196 : i32
        %get3A_198 = arith.index_cast %add3A_197 : i32 to index
        %get3A_199 = arith.constant 112 : index
        %get3A_200 = tpu.vector_load %arg10[%get3A_198, %get3A_199] {strides = array<i32>} : memref<128x128xf32, #tpu.memory_space<vmem>>, vector<16xf32>,
        %mul3A_201 = arith.mulf %get3A_200, %gather3A_64 : vector<16xf32>
        %add3A_202 = arith.constant 1 : i32
        %add3A_203 = arith.addi %mul3A_59, %add3A_202 : i32
        %swap3A_204 = arith.index_cast %add3A_203 : i32 to index
        %swap3A_205 = arith.constant 112 : index
        %swap3A_206 = tpu.vector_load %arg10[%swap3A_204, %swap3A_205] {strides = array<i32>} : memref<128x128xf32, #tpu.memory_space<vmem>>, vector<16xf32>,
        tpu.vector_store %arg10[%swap3A_204, %swap3A_205], %mul3A_201 {strides = array<i32>} : memref<128x128xf32, #tpu.memory_space<vmem>>, vector<16xf32>,
      }
      %scan3A_52 = arith.constant 64 : i32
      "tpu.region"() ({
        %run_scoped3A = tpu.sem_alloc : memref<!tpu.dma_semaphore, #tpu.memory_space<semaphore_mem>>
        %dma_start3A_53 = arith.constant 0 : i32
        %dma_start3A_54 = tpu.memref_slice %arg8[%add3A_36, %dma_start3A_53] : memref<80x128xi32, #tpu.memory_space<vmem>> -> memref<1x128xi32, #tpu.memory_space<vmem>>
        %dma_start3A_55 = tpu.memref_squeeze %dma_start3A_54 : memref<1x128xi32, #tpu.memory_space<vmem>> -> memref<128xi32, #tpu.memory_space<vmem>>
        %dma_start3A_56 = arith.constant 0 : i32
        %dma_start3A_57 = arith.constant 0 : i32
        %dma_start3A_58 = tpu.memref_slice %arg13[%dma_start3A_56, %dma_start3A_57] : memref<10240x128xf32, #tpu.memory_space<vmem_shared>> -> memref<10240x128xf32, #tpu.memory_space<vmem_shared>>
        tpu.enqueue_indirect_dma source(%arg10 : memref<128x128xf32, #tpu.memory_space<vmem>>) target(%dma_start3A_58 : memref<10240x128xf32, #tpu.memory_space<vmem_shared>>) offsets(%dma_start3A_55 : memref<128xi32, #tpu.memory_space<vmem>>) semaphore(%run_scoped3A : memref<!tpu.dma_semaphore, #tpu.memory_space<semaphore_mem>>) {add = true}
        %dma_wait3A_59 = arith.constant 0 : i32
        %dma_wait3A_60 = tpu.memref_slice %arg8[%add3A_36, %dma_wait3A_59] : memref<80x128xi32, #tpu.memory_space<vmem>> -> memref<1x128xi32, #tpu.memory_space<vmem>>
        %dma_wait3A_61 = tpu.memref_squeeze %dma_wait3A_60 : memref<1x128xi32, #tpu.memory_space<vmem>> -> memref<128xi32, #tpu.memory_space<vmem>>
        %dma_wait3A_62 = arith.constant 0 : i32
        %dma_wait3A_63 = arith.constant 0 : i32
        %dma_wait3A_64 = tpu.memref_slice %arg13[%dma_wait3A_62, %dma_wait3A_63] : memref<10240x128xf32, #tpu.memory_space<vmem_shared>> -> memref<10240x128xf32, #tpu.memory_space<vmem_shared>>
        tpu.wait_indirect_dma semaphore(%run_scoped3A : memref<!tpu.dma_semaphore, #tpu.memory_space<semaphore_mem>>) src(%arg10 : memref<128x128xf32, #tpu.memory_space<vmem>>) dst(%dma_wait3A_64 : memref<10240x128xf32, #tpu.memory_space<vmem_shared>>)
        tpu.yield
      }) : () -> ()
    }
    %scan3A_26 = arith.constant 80 : i32
    %barrier3A_27 = arith.constant 0 : index
    tpu.barrier barrier_id(%barrier3A_27)
    %mul3A_28 = arith.constant 640 : i32
    %mul3A_29 = arith.muli %arg1, %mul3A_28 : i32
    %mul3A_30 = arith.constant 640 : i32
    %mul3A_31 = arith.muli %arg1, %mul3A_30 : i32
    "tpu.region"() ({
      %run_scoped3A = tpu.sem_alloc : memref<!tpu.dma_semaphore, #tpu.memory_space<semaphore_mem>>
      %dma_start3A = arith.constant 0 : i32
      %dma_start3A_32 = tpu.memref_slice %arg6[%arg0, %mul3A_31, %dma_start3A] : memref<2x10240x128xf32, #tpu.memory_space<hbm>> -> memref<1x640x128xf32, #tpu.memory_space<hbm>>
      %dma_start3A_33 = tpu.memref_squeeze %dma_start3A_32 : memref<1x640x128xf32, #tpu.memory_space<hbm>> -> memref<640x128xf32, #tpu.memory_space<hbm>>
      %dma_start3A_34 = arith.constant 0 : i32
      %dma_start3A_35 = tpu.memref_slice %arg13[%mul3A_29, %dma_start3A_34] : memref<10240x128xf32, #tpu.memory_space<vmem_shared>> -> memref<640x128xf32, #tpu.memory_space<vmem_shared>>
      tpu.enqueue_dma source(%dma_start3A_35 : memref<640x128xf32, #tpu.memory_space<vmem_shared>>) target(%dma_start3A_33 : memref<640x128xf32, #tpu.memory_space<hbm>>) target_semaphore(%run_scoped3A : memref<!tpu.dma_semaphore, #tpu.memory_space<semaphore_mem>>)
      %dma_wait3A = arith.constant 0 : i32
      %dma_wait3A_36 = tpu.memref_slice %arg6[%arg0, %mul3A_31, %dma_wait3A] : memref<2x10240x128xf32, #tpu.memory_space<hbm>> -> memref<1x640x128xf32, #tpu.memory_space<hbm>>
      %dma_wait3A_37 = tpu.memref_squeeze %dma_wait3A_36 : memref<1x640x128xf32, #tpu.memory_space<hbm>> -> memref<640x128xf32, #tpu.memory_space<hbm>>
      %dma_wait3A_38 = arith.constant 0 : i32
      %dma_wait3A_39 = tpu.memref_slice %arg13[%mul3A_29, %dma_wait3A_38] : memref<10240x128xf32, #tpu.memory_space<vmem_shared>> -> memref<640x128xf32, #tpu.memory_space<vmem_shared>>
      tpu.wait_dma2 semaphore(%run_scoped3A : memref<!tpu.dma_semaphore, #tpu.memory_space<semaphore_mem>>) src(%dma_wait3A_39 : memref<640x128xf32, #tpu.memory_space<vmem_shared>>) dst(%dma_wait3A_37 : memref<640x128xf32, #tpu.memory_space<hbm>>)
      tpu.yield
    }) : () -> ()
    return
  }
}

#map = affine_map<(d0, d1) -> (0, 0)>
#map1 = affine_map<(d0, d1) -> (0, 0, 0)>
module attributes {stable_mosaic.version = 14 : i64} {
  func.func @spmm(%arg0: i32, %arg1: i32, %arg2: memref<10000x128xf32, #tpu.memory_space<hbm>>, %arg3: memref<2560x128xi32, #tpu.memory_space<hbm>>, %arg4: memref<2560x128xi32, #tpu.memory_space<hbm>>, %arg5: memref<2560x128xf32, #tpu.memory_space<hbm>>, %arg6: memref<2x10240x128xf32, #tpu.memory_space<hbm>>, %arg7: memref<80x128xi32, #tpu.memory_space<vmem>>, %arg8: memref<80x128xi32, #tpu.memory_space<vmem>>, %arg9: memref<80x128xf32, #tpu.memory_space<vmem>>, %arg10: memref<128x128xf32, #tpu.memory_space<vmem>>, %arg11: memref<128x128xf32, #tpu.memory_space<vmem>>, %arg12: memref<5x128xi32, #tpu.memory_space<vmem>>, %arg13: memref<10240x128xf32, #tpu.memory_space<vmem_shared>>, %arg14: memref<!tpu.dma_semaphore, #tpu.memory_space<semaphore_mem>>, %arg15: memref<!tpu.dma_semaphore, #tpu.memory_space<semaphore_mem>>) attributes {dimension_semantics = [#tpu.dimension_semantics<core_parallel>, #tpu.dimension_semantics<subcore_parallel>], iteration_bounds = array<i64: 2, 16>, scalar_prefetch = 0 : i64, scratch_operands = 9 : i64, tpu.core_type = #tpu.core_type<sc_vector_subcore>, window_params = [{transform_indices = #map}, {transform_indices = #map}, {transform_indices = #map}, {transform_indices = #map}, {transform_indices = #map1}]} {
    %mul3A = arith.constant 16 : i32
    %mul3A_0 = arith.muli %arg0, %mul3A : i32
    %add3A = arith.addi %mul3A_0, %arg1 : i32
    %broadcast_in_dim3A = arith.constant 0.000000e+00 : f32
    %broadcast_in_dim3A_1 = vector.broadcast %broadcast_in_dim3A : f32 to vector<16xf32>
    %scan3A = arith.constant 0 : i32
    %scan3A_2 = arith.constant 128 : i32
    %scan3A_3 = arith.addi %scan3A, %scan3A_2 : i32
    %scan3A_4 = arith.constant 1 : i32
    scf.for %scan3A_32 = %scan3A to %scan3A_3 step %scan3A_4  : i32 {
      %mul3A_33 = arith.constant 1 : i32
      %mul3A_34 = arith.muli %scan3A_32, %mul3A_33 : i32
      %add3A_35 = arith.constant 0 : i32
      %add3A_36 = arith.addi %add3A_35, %mul3A_34 : i32
      %swap3A = arith.index_cast %add3A_36 : i32 to index
      %swap3A_37 = arith.constant 0 : index
      %swap3A_38 = tpu.vector_load %arg10[%swap3A, %swap3A_37] {strides = array<i32>} : memref<128x128xf32, #tpu.memory_space<vmem>>, vector<16xf32>,
      tpu.vector_store %arg10[%swap3A, %swap3A_37], %broadcast_in_dim3A_1 {strides = array<i32>} : memref<128x128xf32, #tpu.memory_space<vmem>>, vector<16xf32>,
      %swap3A_39 = arith.index_cast %add3A_36 : i32 to index
      %swap3A_40 = arith.constant 16 : index
      %swap3A_41 = tpu.vector_load %arg10[%swap3A_39, %swap3A_40] {strides = array<i32>} : memref<128x128xf32, #tpu.memory_space<vmem>>, vector<16xf32>,
      tpu.vector_store %arg10[%swap3A_39, %swap3A_40], %broadcast_in_dim3A_1 {strides = array<i32>} : memref<128x128xf32, #tpu.memory_space<vmem>>, vector<16xf32>,
      %swap3A_42 = arith.index_cast %add3A_36 : i32 to index
      %swap3A_43 = arith.constant 32 : index
      %swap3A_44 = tpu.vector_load %arg10[%swap3A_42, %swap3A_43] {strides = array<i32>} : memref<128x128xf32, #tpu.memory_space<vmem>>, vector<16xf32>,
      tpu.vector_store %arg10[%swap3A_42, %swap3A_43], %broadcast_in_dim3A_1 {strides = array<i32>} : memref<128x128xf32, #tpu.memory_space<vmem>>, vector<16xf32>,
      %swap3A_45 = arith.index_cast %add3A_36 : i32 to index
      %swap3A_46 = arith.constant 48 : index
      %swap3A_47 = tpu.vector_load %arg10[%swap3A_45, %swap3A_46] {strides = array<i32>} : memref<128x128xf32, #tpu.memory_space<vmem>>, vector<16xf32>,
      tpu.vector_store %arg10[%swap3A_45, %swap3A_46], %broadcast_in_dim3A_1 {strides = array<i32>} : memref<128x128xf32, #tpu.memory_space<vmem>>, vector<16xf32>,
      %swap3A_48 = arith.index_cast %add3A_36 : i32 to index
      %swap3A_49 = arith.constant 64 : index
      %swap3A_50 = tpu.vector_load %arg10[%swap3A_48, %swap3A_49] {strides = array<i32>} : memref<128x128xf32, #tpu.memory_space<vmem>>, vector<16xf32>,
      tpu.vector_store %arg10[%swap3A_48, %swap3A_49], %broadcast_in_dim3A_1 {strides = array<i32>} : memref<128x128xf32, #tpu.memory_space<vmem>>, vector<16xf32>,
      %swap3A_51 = arith.index_cast %add3A_36 : i32 to index
      %swap3A_52 = arith.constant 80 : index
      %swap3A_53 = tpu.vector_load %arg10[%swap3A_51, %swap3A_52] {strides = array<i32>} : memref<128x128xf32, #tpu.memory_space<vmem>>, vector<16xf32>,
      tpu.vector_store %arg10[%swap3A_51, %swap3A_52], %broadcast_in_dim3A_1 {strides = array<i32>} : memref<128x128xf32, #tpu.memory_space<vmem>>, vector<16xf32>,
      %swap3A_54 = arith.index_cast %add3A_36 : i32 to index
      %swap3A_55 = arith.constant 96 : index
      %swap3A_56 = tpu.vector_load %arg10[%swap3A_54, %swap3A_55] {strides = array<i32>} : memref<128x128xf32, #tpu.memory_space<vmem>>, vector<16xf32>,
      tpu.vector_store %arg10[%swap3A_54, %swap3A_55], %broadcast_in_dim3A_1 {strides = array<i32>} : memref<128x128xf32, #tpu.memory_space<vmem>>, vector<16xf32>,
      %swap3A_57 = arith.index_cast %add3A_36 : i32 to index
      %swap3A_58 = arith.constant 112 : index
      %swap3A_59 = tpu.vector_load %arg10[%swap3A_57, %swap3A_58] {strides = array<i32>} : memref<128x128xf32, #tpu.memory_space<vmem>>, vector<16xf32>,
      tpu.vector_store %arg10[%swap3A_57, %swap3A_58], %broadcast_in_dim3A_1 {strides = array<i32>} : memref<128x128xf32, #tpu.memory_space<vmem>>, vector<16xf32>,
    }
    %scan3A_5 = arith.constant 128 : i32
    %scan3A_6 = arith.constant 0 : i32
    %scan3A_7 = arith.constant 5 : i32
    %scan3A_8 = arith.addi %scan3A_6, %scan3A_7 : i32
    %scan3A_9 = arith.constant 1 : i32
    scf.for %scan3A_32 = %scan3A_6 to %scan3A_8 step %scan3A_9  : i32 {
      %mul3A_33 = arith.constant 1 : i32
      %mul3A_34 = arith.muli %scan3A_32, %mul3A_33 : i32
      %add3A_35 = arith.constant 0 : i32
      %add3A_36 = arith.addi %add3A_35, %mul3A_34 : i32
      %iota3A = tpu.iota {dimensions = array<i32: 0>} : vector<16xi32>
      %mul3A_37 = arith.constant 640 : i32
      %mul3A_38 = arith.muli %arg1, %mul3A_37 : i32
      %mul3A_39 = arith.constant 128 : i32
      %mul3A_40 = arith.muli %add3A_36, %mul3A_39 : i32
      %add3A_41 = arith.addi %mul3A_38, %mul3A_40 : i32
      %add3A_42 = arith.constant 0 : i32
      %add3A_43 = arith.addi %add3A_41, %add3A_42 : i32
      %add3A_44 = vector.broadcast %add3A_43 : i32 to vector<16xi32>
      %add3A_45 = arith.addi %iota3A, %add3A_44 : vector<16xi32>
      %swap3A = arith.index_cast %add3A_36 : i32 to index
      %swap3A_46 = arith.constant 0 : index
      %swap3A_47 = tpu.vector_load %arg12[%swap3A, %swap3A_46] {strides = array<i32>} : memref<5x128xi32, #tpu.memory_space<vmem>>, vector<16xi32>,
      tpu.vector_store %arg12[%swap3A, %swap3A_46], %add3A_45 {strides = array<i32>} : memref<5x128xi32, #tpu.memory_space<vmem>>, vector<16xi32>,
      %iota3A_48 = tpu.iota {dimensions = array<i32: 0>} : vector<16xi32>
      %mul3A_49 = arith.constant 640 : i32
      %mul3A_50 = arith.muli %arg1, %mul3A_49 : i32
      %mul3A_51 = arith.constant 128 : i32
      %mul3A_52 = arith.muli %add3A_36, %mul3A_51 : i32
      %add3A_53 = arith.addi %mul3A_50, %mul3A_52 : i32
      %add3A_54 = arith.constant 16 : i32
      %add3A_55 = arith.addi %add3A_53, %add3A_54 : i32
      %add3A_56 = vector.broadcast %add3A_55 : i32 to vector<16xi32>
      %add3A_57 = arith.addi %iota3A_48, %add3A_56 : vector<16xi32>
      %swap3A_58 = arith.index_cast %add3A_36 : i32 to index
      %swap3A_59 = arith.constant 16 : index
      %swap3A_60 = tpu.vector_load %arg12[%swap3A_58, %swap3A_59] {strides = array<i32>} : memref<5x128xi32, #tpu.memory_space<vmem>>, vector<16xi32>,
      tpu.vector_store %arg12[%swap3A_58, %swap3A_59], %add3A_57 {strides = array<i32>} : memref<5x128xi32, #tpu.memory_space<vmem>>, vector<16xi32>,
      %iota3A_61 = tpu.iota {dimensions = array<i32: 0>} : vector<16xi32>
      %mul3A_62 = arith.constant 640 : i32
      %mul3A_63 = arith.muli %arg1, %mul3A_62 : i32
      %mul3A_64 = arith.constant 128 : i32
      %mul3A_65 = arith.muli %add3A_36, %mul3A_64 : i32
      %add3A_66 = arith.addi %mul3A_63, %mul3A_65 : i32
      %add3A_67 = arith.constant 32 : i32
      %add3A_68 = arith.addi %add3A_66, %add3A_67 : i32
      %add3A_69 = vector.broadcast %add3A_68 : i32 to vector<16xi32>
      %add3A_70 = arith.addi %iota3A_61, %add3A_69 : vector<16xi32>
      %swap3A_71 = arith.index_cast %add3A_36 : i32 to index
      %swap3A_72 = arith.constant 32 : index
      %swap3A_73 = tpu.vector_load %arg12[%swap3A_71, %swap3A_72] {strides = array<i32>} : memref<5x128xi32, #tpu.memory_space<vmem>>, vector<16xi32>,
      tpu.vector_store %arg12[%swap3A_71, %swap3A_72], %add3A_70 {strides = array<i32>} : memref<5x128xi32, #tpu.memory_space<vmem>>, vector<16xi32>,
      %iota3A_74 = tpu.iota {dimensions = array<i32: 0>} : vector<16xi32>
      %mul3A_75 = arith.constant 640 : i32
      %mul3A_76 = arith.muli %arg1, %mul3A_75 : i32
      %mul3A_77 = arith.constant 128 : i32
      %mul3A_78 = arith.muli %add3A_36, %mul3A_77 : i32
      %add3A_79 = arith.addi %mul3A_76, %mul3A_78 : i32
      %add3A_80 = arith.constant 48 : i32
      %add3A_81 = arith.addi %add3A_79, %add3A_80 : i32
      %add3A_82 = vector.broadcast %add3A_81 : i32 to vector<16xi32>
      %add3A_83 = arith.addi %iota3A_74, %add3A_82 : vector<16xi32>
      %swap3A_84 = arith.index_cast %add3A_36 : i32 to index
      %swap3A_85 = arith.constant 48 : index
      %swap3A_86 = tpu.vector_load %arg12[%swap3A_84, %swap3A_85] {strides = array<i32>} : memref<5x128xi32, #tpu.memory_space<vmem>>, vector<16xi32>,
      tpu.vector_store %arg12[%swap3A_84, %swap3A_85], %add3A_83 {strides = array<i32>} : memref<5x128xi32, #tpu.memory_space<vmem>>, vector<16xi32>,
      %iota3A_87 = tpu.iota {dimensions = array<i32: 0>} : vector<16xi32>
      %mul3A_88 = arith.constant 640 : i32
      %mul3A_89 = arith.muli %arg1, %mul3A_88 : i32
      %mul3A_90 = arith.constant 128 : i32
      %mul3A_91 = arith.muli %add3A_36, %mul3A_90 : i32
      %add3A_92 = arith.addi %mul3A_89, %mul3A_91 : i32
      %add3A_93 = arith.constant 64 : i32
      %add3A_94 = arith.addi %add3A_92, %add3A_93 : i32
      %add3A_95 = vector.broadcast %add3A_94 : i32 to vector<16xi32>
      %add3A_96 = arith.addi %iota3A_87, %add3A_95 : vector<16xi32>
      %swap3A_97 = arith.index_cast %add3A_36 : i32 to index
      %swap3A_98 = arith.constant 64 : index
      %swap3A_99 = tpu.vector_load %arg12[%swap3A_97, %swap3A_98] {strides = array<i32>} : memref<5x128xi32, #tpu.memory_space<vmem>>, vector<16xi32>,
      tpu.vector_store %arg12[%swap3A_97, %swap3A_98], %add3A_96 {strides = array<i32>} : memref<5x128xi32, #tpu.memory_space<vmem>>, vector<16xi32>,
      %iota3A_100 = tpu.iota {dimensions = array<i32: 0>} : vector<16xi32>
      %mul3A_101 = arith.constant 640 : i32
      %mul3A_102 = arith.muli %arg1, %mul3A_101 : i32
      %mul3A_103 = arith.constant 128 : i32
      %mul3A_104 = arith.muli %add3A_36, %mul3A_103 : i32
      %add3A_105 = arith.addi %mul3A_102, %mul3A_104 : i32
      %add3A_106 = arith.constant 80 : i32
      %add3A_107 = arith.addi %add3A_105, %add3A_106 : i32
      %add3A_108 = vector.broadcast %add3A_107 : i32 to vector<16xi32>
      %add3A_109 = arith.addi %iota3A_100, %add3A_108 : vector<16xi32>
      %swap3A_110 = arith.index_cast %add3A_36 : i32 to index
      %swap3A_111 = arith.constant 80 : index
      %swap3A_112 = tpu.vector_load %arg12[%swap3A_110, %swap3A_111] {strides = array<i32>} : memref<5x128xi32, #tpu.memory_space<vmem>>, vector<16xi32>,
      tpu.vector_store %arg12[%swap3A_110, %swap3A_111], %add3A_109 {strides = array<i32>} : memref<5x128xi32, #tpu.memory_space<vmem>>, vector<16xi32>,
      %iota3A_113 = tpu.iota {dimensions = array<i32: 0>} : vector<16xi32>
      %mul3A_114 = arith.constant 640 : i32
      %mul3A_115 = arith.muli %arg1, %mul3A_114 : i32
      %mul3A_116 = arith.constant 128 : i32
      %mul3A_117 = arith.muli %add3A_36, %mul3A_116 : i32
      %add3A_118 = arith.addi %mul3A_115, %mul3A_117 : i32
      %add3A_119 = arith.constant 96 : i32
      %add3A_120 = arith.addi %add3A_118, %add3A_119 : i32
      %add3A_121 = vector.broadcast %add3A_120 : i32 to vector<16xi32>
      %add3A_122 = arith.addi %iota3A_113, %add3A_121 : vector<16xi32>
      %swap3A_123 = arith.index_cast %add3A_36 : i32 to index
      %swap3A_124 = arith.constant 96 : index
      %swap3A_125 = tpu.vector_load %arg12[%swap3A_123, %swap3A_124] {strides = array<i32>} : memref<5x128xi32, #tpu.memory_space<vmem>>, vector<16xi32>,
      tpu.vector_store %arg12[%swap3A_123, %swap3A_124], %add3A_122 {strides = array<i32>} : memref<5x128xi32, #tpu.memory_space<vmem>>, vector<16xi32>,
      %iota3A_126 = tpu.iota {dimensions = array<i32: 0>} : vector<16xi32>
      %mul3A_127 = arith.constant 640 : i32
      %mul3A_128 = arith.muli %arg1, %mul3A_127 : i32
      %mul3A_129 = arith.constant 128 : i32
      %mul3A_130 = arith.muli %add3A_36, %mul3A_129 : i32
      %add3A_131 = arith.addi %mul3A_128, %mul3A_130 : i32
      %add3A_132 = arith.constant 112 : i32
      %add3A_133 = arith.addi %add3A_131, %add3A_132 : i32
      %add3A_134 = vector.broadcast %add3A_133 : i32 to vector<16xi32>
      %add3A_135 = arith.addi %iota3A_126, %add3A_134 : vector<16xi32>
      %swap3A_136 = arith.index_cast %add3A_36 : i32 to index
      %swap3A_137 = arith.constant 112 : index
      %swap3A_138 = tpu.vector_load %arg12[%swap3A_136, %swap3A_137] {strides = array<i32>} : memref<5x128xi32, #tpu.memory_space<vmem>>, vector<16xi32>,
      tpu.vector_store %arg12[%swap3A_136, %swap3A_137], %add3A_135 {strides = array<i32>} : memref<5x128xi32, #tpu.memory_space<vmem>>, vector<16xi32>,
    }
    %scan3A_10 = arith.constant 5 : i32
    %scan3A_11 = arith.constant 0 : i32
    %scan3A_12 = arith.constant 5 : i32
    %scan3A_13 = arith.addi %scan3A_11, %scan3A_12 : i32
    %scan3A_14 = arith.constant 1 : i32
    scf.for %scan3A_32 = %scan3A_11 to %scan3A_13 step %scan3A_14  : i32 {
      %mul3A_33 = arith.constant 1 : i32
      %mul3A_34 = arith.muli %scan3A_32, %mul3A_33 : i32
      %add3A_35 = arith.constant 0 : i32
      %add3A_36 = arith.addi %add3A_35, %mul3A_34 : i32
      "tpu.region"() ({
        %run_scoped3A = tpu.sem_alloc : memref<!tpu.dma_semaphore, #tpu.memory_space<semaphore_mem>>
        %dma_start3A = arith.constant 0 : i32
        %dma_start3A_37 = tpu.memref_slice %arg12[%add3A_36, %dma_start3A] : memref<5x128xi32, #tpu.memory_space<vmem>> -> memref<1x128xi32, #tpu.memory_space<vmem>>
        %dma_start3A_38 = tpu.memref_squeeze %dma_start3A_37 : memref<1x128xi32, #tpu.memory_space<vmem>> -> memref<128xi32, #tpu.memory_space<vmem>>
        %dma_start3A_39 = arith.constant 0 : i32
        %dma_start3A_40 = arith.constant 0 : i32
        %dma_start3A_41 = tpu.memref_slice %arg13[%dma_start3A_39, %dma_start3A_40] : memref<10240x128xf32, #tpu.memory_space<vmem_shared>> -> memref<10240x128xf32, #tpu.memory_space<vmem_shared>>
        tpu.enqueue_indirect_dma source(%arg10 : memref<128x128xf32, #tpu.memory_space<vmem>>) target(%dma_start3A_41 : memref<10240x128xf32, #tpu.memory_space<vmem_shared>>) offsets(%dma_start3A_38 : memref<128xi32, #tpu.memory_space<vmem>>) semaphore(%run_scoped3A : memref<!tpu.dma_semaphore, #tpu.memory_space<semaphore_mem>>)
        %dma_wait3A = arith.constant 0 : i32
        %dma_wait3A_42 = tpu.memref_slice %arg12[%add3A_36, %dma_wait3A] : memref<5x128xi32, #tpu.memory_space<vmem>> -> memref<1x128xi32, #tpu.memory_space<vmem>>
        %dma_wait3A_43 = tpu.memref_squeeze %dma_wait3A_42 : memref<1x128xi32, #tpu.memory_space<vmem>> -> memref<128xi32, #tpu.memory_space<vmem>>
        %dma_wait3A_44 = arith.constant 0 : i32
        %dma_wait3A_45 = arith.constant 0 : i32
        %dma_wait3A_46 = tpu.memref_slice %arg13[%dma_wait3A_44, %dma_wait3A_45] : memref<10240x128xf32, #tpu.memory_space<vmem_shared>> -> memref<10240x128xf32, #tpu.memory_space<vmem_shared>>
        tpu.wait_indirect_dma semaphore(%run_scoped3A : memref<!tpu.dma_semaphore, #tpu.memory_space<semaphore_mem>>) src(%arg10 : memref<128x128xf32, #tpu.memory_space<vmem>>) dst(%dma_wait3A_46 : memref<10240x128xf32, #tpu.memory_space<vmem_shared>>)
        tpu.yield
      }) : () -> ()
    }
    %scan3A_15 = arith.constant 5 : i32
    %mul3A_16 = arith.constant 80 : i32
    %mul3A_17 = arith.muli %add3A, %mul3A_16 : i32
    "tpu.region"() ({
      %run_scoped3A = tpu.sem_alloc : memref<!tpu.dma_semaphore, #tpu.memory_space<semaphore_mem>>
      %dma_start3A = arith.constant 0 : i32
      %dma_start3A_32 = tpu.memref_slice %arg3[%mul3A_17, %dma_start3A] : memref<2560x128xi32, #tpu.memory_space<hbm>> -> memref<80x128xi32, #tpu.memory_space<hbm>>
      %dma_start3A_33 = arith.constant 0 : i32
      %dma_start3A_34 = tpu.memref_slice %arg3[%mul3A_17, %dma_start3A_33] : memref<2560x128xi32, #tpu.memory_space<hbm>> -> memref<80x128xi32, #tpu.memory_space<hbm>>
      tpu.enqueue_dma source(%dma_start3A_34 : memref<80x128xi32, #tpu.memory_space<hbm>>) target(%arg7 : memref<80x128xi32, #tpu.memory_space<vmem>>) target_semaphore(%run_scoped3A : memref<!tpu.dma_semaphore, #tpu.memory_space<semaphore_mem>>)
      %dma_wait3A = arith.constant 0 : i32
      %dma_wait3A_35 = tpu.memref_slice %arg3[%mul3A_17, %dma_wait3A] : memref<2560x128xi32, #tpu.memory_space<hbm>> -> memref<80x128xi32, #tpu.memory_space<hbm>>
      %dma_wait3A_36 = arith.constant 0 : i32
      %dma_wait3A_37 = tpu.memref_slice %arg3[%mul3A_17, %dma_wait3A_36] : memref<2560x128xi32, #tpu.memory_space<hbm>> -> memref<80x128xi32, #tpu.memory_space<hbm>>
      tpu.wait_dma2 semaphore(%run_scoped3A : memref<!tpu.dma_semaphore, #tpu.memory_space<semaphore_mem>>) src(%dma_wait3A_37 : memref<80x128xi32, #tpu.memory_space<hbm>>) dst(%arg7 : memref<80x128xi32, #tpu.memory_space<vmem>>)
      tpu.yield
    }) : () -> ()
    %mul3A_18 = arith.constant 80 : i32
    %mul3A_19 = arith.muli %add3A, %mul3A_18 : i32
    "tpu.region"() ({
      %run_scoped3A = tpu.sem_alloc : memref<!tpu.dma_semaphore, #tpu.memory_space<semaphore_mem>>
      %dma_start3A = arith.constant 0 : i32
      %dma_start3A_32 = tpu.memref_slice %arg4[%mul3A_19, %dma_start3A] : memref<2560x128xi32, #tpu.memory_space<hbm>> -> memref<80x128xi32, #tpu.memory_space<hbm>>
      %dma_start3A_33 = arith.constant 0 : i32
      %dma_start3A_34 = tpu.memref_slice %arg4[%mul3A_19, %dma_start3A_33] : memref<2560x128xi32, #tpu.memory_space<hbm>> -> memref<80x128xi32, #tpu.memory_space<hbm>>
      tpu.enqueue_dma source(%dma_start3A_34 : memref<80x128xi32, #tpu.memory_space<hbm>>) target(%arg8 : memref<80x128xi32, #tpu.memory_space<vmem>>) target_semaphore(%run_scoped3A : memref<!tpu.dma_semaphore, #tpu.memory_space<semaphore_mem>>)
      %dma_wait3A = arith.constant 0 : i32
      %dma_wait3A_35 = tpu.memref_slice %arg4[%mul3A_19, %dma_wait3A] : memref<2560x128xi32, #tpu.memory_space<hbm>> -> memref<80x128xi32, #tpu.memory_space<hbm>>
      %dma_wait3A_36 = arith.constant 0 : i32
      %dma_wait3A_37 = tpu.memref_slice %arg4[%mul3A_19, %dma_wait3A_36] : memref<2560x128xi32, #tpu.memory_space<hbm>> -> memref<80x128xi32, #tpu.memory_space<hbm>>
      tpu.wait_dma2 semaphore(%run_scoped3A : memref<!tpu.dma_semaphore, #tpu.memory_space<semaphore_mem>>) src(%dma_wait3A_37 : memref<80x128xi32, #tpu.memory_space<hbm>>) dst(%arg8 : memref<80x128xi32, #tpu.memory_space<vmem>>)
      tpu.yield
    }) : () -> ()
    %mul3A_20 = arith.constant 80 : i32
    %mul3A_21 = arith.muli %add3A, %mul3A_20 : i32
    "tpu.region"() ({
      %run_scoped3A = tpu.sem_alloc : memref<!tpu.dma_semaphore, #tpu.memory_space<semaphore_mem>>
      %dma_start3A = arith.constant 0 : i32
      %dma_start3A_32 = tpu.memref_slice %arg5[%mul3A_21, %dma_start3A] : memref<2560x128xf32, #tpu.memory_space<hbm>> -> memref<80x128xf32, #tpu.memory_space<hbm>>
      %dma_start3A_33 = arith.constant 0 : i32
      %dma_start3A_34 = tpu.memref_slice %arg5[%mul3A_21, %dma_start3A_33] : memref<2560x128xf32, #tpu.memory_space<hbm>> -> memref<80x128xf32, #tpu.memory_space<hbm>>
      tpu.enqueue_dma source(%dma_start3A_34 : memref<80x128xf32, #tpu.memory_space<hbm>>) target(%arg9 : memref<80x128xf32, #tpu.memory_space<vmem>>) target_semaphore(%run_scoped3A : memref<!tpu.dma_semaphore, #tpu.memory_space<semaphore_mem>>)
      %dma_wait3A = arith.constant 0 : i32
      %dma_wait3A_35 = tpu.memref_slice %arg5[%mul3A_21, %dma_wait3A] : memref<2560x128xf32, #tpu.memory_space<hbm>> -> memref<80x128xf32, #tpu.memory_space<hbm>>
      %dma_wait3A_36 = arith.constant 0 : i32
      %dma_wait3A_37 = tpu.memref_slice %arg5[%mul3A_21, %dma_wait3A_36] : memref<2560x128xf32, #tpu.memory_space<hbm>> -> memref<80x128xf32, #tpu.memory_space<hbm>>
      tpu.wait_dma2 semaphore(%run_scoped3A : memref<!tpu.dma_semaphore, #tpu.memory_space<semaphore_mem>>) src(%dma_wait3A_37 : memref<80x128xf32, #tpu.memory_space<hbm>>) dst(%arg9 : memref<80x128xf32, #tpu.memory_space<vmem>>)
      tpu.yield
    }) : () -> ()
    %barrier3A = arith.constant 0 : index
    tpu.barrier barrier_id(%barrier3A)
    %scan3A_22 = arith.constant 0 : i32
    %scan3A_23 = arith.constant 80 : i32
    %scan3A_24 = arith.addi %scan3A_22, %scan3A_23 : i32
    %scan3A_25 = arith.constant 1 : i32
    scf.for %scan3A_32 = %scan3A_22 to %scan3A_24 step %scan3A_25  : i32 {
      %mul3A_33 = arith.constant 1 : i32
      %mul3A_34 = arith.muli %scan3A_32, %mul3A_33 : i32
      %add3A_35 = arith.constant 0 : i32
      %add3A_36 = arith.addi %add3A_35, %mul3A_34 : i32
      %dma_start3A = arith.constant 0 : i32
      %dma_start3A_37 = tpu.memref_slice %arg7[%add3A_36, %dma_start3A] : memref<80x128xi32, #tpu.memory_space<vmem>> -> memref<1x128xi32, #tpu.memory_space<vmem>>
      %dma_start3A_38 = tpu.memref_squeeze %dma_start3A_37 : memref<1x128xi32, #tpu.memory_space<vmem>> -> memref<128xi32, #tpu.memory_space<vmem>>
      %dma_start3A_39 = arith.constant 0 : i32
      %dma_start3A_40 = arith.constant 0 : i32
      %dma_start3A_41 = tpu.memref_slice %arg2[%dma_start3A_39, %dma_start3A_40] : memref<10000x128xf32, #tpu.memory_space<hbm>> -> memref<10000x128xf32, #tpu.memory_space<hbm>>
      tpu.enqueue_indirect_dma source(%dma_start3A_41 : memref<10000x128xf32, #tpu.memory_space<hbm>>) target(%arg10 : memref<128x128xf32, #tpu.memory_space<vmem>>) offsets(%dma_start3A_38 : memref<128xi32, #tpu.memory_space<vmem>>) semaphore(%arg14 : memref<!tpu.dma_semaphore, #tpu.memory_space<semaphore_mem>>)
      %dma_wait3A = arith.constant 0 : i32
      %dma_wait3A_42 = tpu.memref_slice %arg7[%add3A_36, %dma_wait3A] : memref<80x128xi32, #tpu.memory_space<vmem>> -> memref<1x128xi32, #tpu.memory_space<vmem>>
      %dma_wait3A_43 = tpu.memref_squeeze %dma_wait3A_42 : memref<1x128xi32, #tpu.memory_space<vmem>> -> memref<128xi32, #tpu.memory_space<vmem>>
      %dma_wait3A_44 = arith.constant 0 : i32
      %dma_wait3A_45 = arith.constant 0 : i32
      %dma_wait3A_46 = tpu.memref_slice %arg2[%dma_wait3A_44, %dma_wait3A_45] : memref<10000x128xf32, #tpu.memory_space<hbm>> -> memref<10000x128xf32, #tpu.memory_space<hbm>>
      tpu.wait_indirect_dma semaphore(%arg14 : memref<!tpu.dma_semaphore, #tpu.memory_space<semaphore_mem>>) src(%dma_wait3A_46 : memref<10000x128xf32, #tpu.memory_space<hbm>>) dst(%arg10 : memref<128x128xf32, #tpu.memory_space<vmem>>)
      %broadcast_in_dim3A_47 = vector.broadcast %add3A_36 : i32 to vector<16xi32>
      %scan3A_48 = arith.constant 0 : i32
      %scan3A_49 = arith.constant 64 : i32
      %scan3A_50 = arith.addi %scan3A_48, %scan3A_49 : i32
      %scan3A_51 = arith.constant 1 : i32
      scf.for %scan3A_53 = %scan3A_48 to %scan3A_50 step %scan3A_51  : i32 {
        %mul3A_54 = arith.constant 1 : i32
        %mul3A_55 = arith.muli %scan3A_53, %mul3A_54 : i32
        %add3A_56 = arith.constant 0 : i32
        %add3A_57 = arith.addi %add3A_56, %mul3A_55 : i32
        %mul3A_58 = arith.constant 2 : i32
        %mul3A_59 = arith.muli %mul3A_58, %add3A_57 : i32
        %broadcast_in_dim3A_60 = vector.broadcast %mul3A_59 : i32 to vector<16xi32>
        %gather3A = tpu.vector_load_idx %arg9[%broadcast_in_dim3A_47, %broadcast_in_dim3A_60] : memref<80x128xf32, #tpu.memory_space<vmem>>[vector<16xi32>, vector<16xi32>], vector<16xf32>,
        %add3A_61 = arith.constant 1 : i32
        %add3A_62 = arith.addi %mul3A_59, %add3A_61 : i32
        %broadcast_in_dim3A_63 = vector.broadcast %add3A_62 : i32 to vector<16xi32>
        %gather3A_64 = tpu.vector_load_idx %arg9[%broadcast_in_dim3A_47, %broadcast_in_dim3A_63] : memref<80x128xf32, #tpu.memory_space<vmem>>[vector<16xi32>, vector<16xi32>], vector<16xf32>,
        %get3A = arith.index_cast %mul3A_59 : i32 to index
        %get3A_65 = arith.constant 0 : index
        %get3A_66 = tpu.vector_load %arg10[%get3A, %get3A_65] {strides = array<i32>} : memref<128x128xf32, #tpu.memory_space<vmem>>, vector<16xf32>,
        %mul3A_67 = arith.mulf %get3A_66, %gather3A : vector<16xf32>
        %swap3A = arith.index_cast %mul3A_59 : i32 to index
        %swap3A_68 = arith.constant 0 : index
        %swap3A_69 = tpu.vector_load %arg10[%swap3A, %swap3A_68] {strides = array<i32>} : memref<128x128xf32, #tpu.memory_space<vmem>>, vector<16xf32>,
        tpu.vector_store %arg10[%swap3A, %swap3A_68], %mul3A_67 {strides = array<i32>} : memref<128x128xf32, #tpu.memory_space<vmem>>, vector<16xf32>,
        %get3A_70 = arith.index_cast %mul3A_59 : i32 to index
        %get3A_71 = arith.constant 16 : index
        %get3A_72 = tpu.vector_load %arg10[%get3A_70, %get3A_71] {strides = array<i32>} : memref<128x128xf32, #tpu.memory_space<vmem>>, vector<16xf32>,
        %mul3A_73 = arith.mulf %get3A_72, %gather3A : vector<16xf32>
        %swap3A_74 = arith.index_cast %mul3A_59 : i32 to index
        %swap3A_75 = arith.constant 16 : index
        %swap3A_76 = tpu.vector_load %arg10[%swap3A_74, %swap3A_75] {strides = array<i32>} : memref<128x128xf32, #tpu.memory_space<vmem>>, vector<16xf32>,
        tpu.vector_store %arg10[%swap3A_74, %swap3A_75], %mul3A_73 {strides = array<i32>} : memref<128x128xf32, #tpu.memory_space<vmem>>, vector<16xf32>,
        %get3A_77 = arith.index_cast %mul3A_59 : i32 to index
        %get3A_78 = arith.constant 32 : index
        %get3A_79 = tpu.vector_load %arg10[%get3A_77, %get3A_78] {strides = array<i32>} : memref<128x128xf32, #tpu.memory_space<vmem>>, vector<16xf32>,
        %mul3A_80 = arith.mulf %get3A_79, %gather3A : vector<16xf32>
        %swap3A_81 = arith.index_cast %mul3A_59 : i32 to index
        %swap3A_82 = arith.constant 32 : index
        %swap3A_83 = tpu.vector_load %arg10[%swap3A_81, %swap3A_82] {strides = array<i32>} : memref<128x128xf32, #tpu.memory_space<vmem>>, vector<16xf32>,
        tpu.vector_store %arg10[%swap3A_81, %swap3A_82], %mul3A_80 {strides = array<i32>} : memref<128x128xf32, #tpu.memory_space<vmem>>, vector<16xf32>,
        %get3A_84 = arith.index_cast %mul3A_59 : i32 to index
        %get3A_85 = arith.constant 48 : index
        %get3A_86 = tpu.vector_load %arg10[%get3A_84, %get3A_85] {strides = array<i32>} : memref<128x128xf32, #tpu.memory_space<vmem>>, vector<16xf32>,
        %mul3A_87 = arith.mulf %get3A_86, %gather3A : vector<16xf32>
        %swap3A_88 = arith.index_cast %mul3A_59 : i32 to index
        %swap3A_89 = arith.constant 48 : index
        %swap3A_90 = tpu.vector_load %arg10[%swap3A_88, %swap3A_89] {strides = array<i32>} : memref<128x128xf32, #tpu.memory_space<vmem>>, vector<16xf32>,
        tpu.vector_store %arg10[%swap3A_88, %swap3A_89], %mul3A_87 {strides = array<i32>} : memref<128x128xf32, #tpu.memory_space<vmem>>, vector<16xf32>,
        %get3A_91 = arith.index_cast %mul3A_59 : i32 to index
        %get3A_92 = arith.constant 64 : index
        %get3A_93 = tpu.vector_load %arg10[%get3A_91, %get3A_92] {strides = array<i32>} : memref<128x128xf32, #tpu.memory_space<vmem>>, vector<16xf32>,
        %mul3A_94 = arith.mulf %get3A_93, %gather3A : vector<16xf32>
        %swap3A_95 = arith.index_cast %mul3A_59 : i32 to index
        %swap3A_96 = arith.constant 64 : index
        %swap3A_97 = tpu.vector_load %arg10[%swap3A_95, %swap3A_96] {strides = array<i32>} : memref<128x128xf32, #tpu.memory_space<vmem>>, vector<16xf32>,
        tpu.vector_store %arg10[%swap3A_95, %swap3A_96], %mul3A_94 {strides = array<i32>} : memref<128x128xf32, #tpu.memory_space<vmem>>, vector<16xf32>,
        %get3A_98 = arith.index_cast %mul3A_59 : i32 to index
        %get3A_99 = arith.constant 80 : index
        %get3A_100 = tpu.vector_load %arg10[%get3A_98, %get3A_99] {strides = array<i32>} : memref<128x128xf32, #tpu.memory_space<vmem>>, vector<16xf32>,
        %mul3A_101 = arith.mulf %get3A_100, %gather3A : vector<16xf32>
        %swap3A_102 = arith.index_cast %mul3A_59 : i32 to index
        %swap3A_103 = arith.constant 80 : index
        %swap3A_104 = tpu.vector_load %arg10[%swap3A_102, %swap3A_103] {strides = array<i32>} : memref<128x128xf32, #tpu.memory_space<vmem>>, vector<16xf32>,
        tpu.vector_store %arg10[%swap3A_102, %swap3A_103], %mul3A_101 {strides = array<i32>} : memref<128x128xf32, #tpu.memory_space<vmem>>, vector<16xf32>,
        %get3A_105 = arith.index_cast %mul3A_59 : i32 to index
        %get3A_106 = arith.constant 96 : index
        %get3A_107 = tpu.vector_load %arg10[%get3A_105, %get3A_106] {strides = array<i32>} : memref<128x128xf32, #tpu.memory_space<vmem>>, vector<16xf32>,
        %mul3A_108 = arith.mulf %get3A_107, %gather3A : vector<16xf32>
        %swap3A_109 = arith.index_cast %mul3A_59 : i32 to index
        %swap3A_110 = arith.constant 96 : index
        %swap3A_111 = tpu.vector_load %arg10[%swap3A_109, %swap3A_110] {strides = array<i32>} : memref<128x128xf32, #tpu.memory_space<vmem>>, vector<16xf32>,
        tpu.vector_store %arg10[%swap3A_109, %swap3A_110], %mul3A_108 {strides = array<i32>} : memref<128x128xf32, #tpu.memory_space<vmem>>, vector<16xf32>,
        %get3A_112 = arith.index_cast %mul3A_59 : i32 to index
        %get3A_113 = arith.constant 112 : index
        %get3A_114 = tpu.vector_load %arg10[%get3A_112, %get3A_113] {strides = array<i32>} : memref<128x128xf32, #tpu.memory_space<vmem>>, vector<16xf32>,
        %mul3A_115 = arith.mulf %get3A_114, %gather3A : vector<16xf32>
        %swap3A_116 = arith.index_cast %mul3A_59 : i32 to index
        %swap3A_117 = arith.constant 112 : index
        %swap3A_118 = tpu.vector_load %arg10[%swap3A_116, %swap3A_117] {strides = array<i32>} : memref<128x128xf32, #tpu.memory_space<vmem>>, vector<16xf32>,
        tpu.vector_store %arg10[%swap3A_116, %swap3A_117], %mul3A_115 {strides = array<i32>} : memref<128x128xf32, #tpu.memory_space<vmem>>, vector<16xf32>,
        %add3A_119 = arith.constant 1 : i32
        %add3A_120 = arith.addi %mul3A_59, %add3A_119 : i32
        %get3A_121 = arith.index_cast %add3A_120 : i32 to index
        %get3A_122 = arith.constant 0 : index
        %get3A_123 = tpu.vector_load %arg10[%get3A_121, %get3A_122] {strides = array<i32>} : memref<128x128xf32, #tpu.memory_space<vmem>>, vector<16xf32>,
        %mul3A_124 = arith.mulf %get3A_123, %gather3A_64 : vector<16xf32>
        %add3A_125 = arith.constant 1 : i32
        %add3A_126 = arith.addi %mul3A_59, %add3A_125 : i32
        %swap3A_127 = arith.index_cast %add3A_126 : i32 to index
        %swap3A_128 = arith.constant 0 : index
        %swap3A_129 = tpu.vector_load %arg10[%swap3A_127, %swap3A_128] {strides = array<i32>} : memref<128x128xf32, #tpu.memory_space<vmem>>, vector<16xf32>,
        tpu.vector_store %arg10[%swap3A_127, %swap3A_128], %mul3A_124 {strides = array<i32>} : memref<128x128xf32, #tpu.memory_space<vmem>>, vector<16xf32>,
        %add3A_130 = arith.constant 1 : i32
        %add3A_131 = arith.addi %mul3A_59, %add3A_130 : i32
        %get3A_132 = arith.index_cast %add3A_131 : i32 to index
        %get3A_133 = arith.constant 16 : index
        %get3A_134 = tpu.vector_load %arg10[%get3A_132, %get3A_133] {strides = array<i32>} : memref<128x128xf32, #tpu.memory_space<vmem>>, vector<16xf32>,
        %mul3A_135 = arith.mulf %get3A_134, %gather3A_64 : vector<16xf32>
        %add3A_136 = arith.constant 1 : i32
        %add3A_137 = arith.addi %mul3A_59, %add3A_136 : i32
        %swap3A_138 = arith.index_cast %add3A_137 : i32 to index
        %swap3A_139 = arith.constant 16 : index
        %swap3A_140 = tpu.vector_load %arg10[%swap3A_138, %swap3A_139] {strides = array<i32>} : memref<128x128xf32, #tpu.memory_space<vmem>>, vector<16xf32>,
        tpu.vector_store %arg10[%swap3A_138, %swap3A_139], %mul3A_135 {strides = array<i32>} : memref<128x128xf32, #tpu.memory_space<vmem>>, vector<16xf32>,
        %add3A_141 = arith.constant 1 : i32
        %add3A_142 = arith.addi %mul3A_59, %add3A_141 : i32
        %get3A_143 = arith.index_cast %add3A_142 : i32 to index
        %get3A_144 = arith.constant 32 : index
        %get3A_145 = tpu.vector_load %arg10[%get3A_143, %get3A_144] {strides = array<i32>} : memref<128x128xf32, #tpu.memory_space<vmem>>, vector<16xf32>,
        %mul3A_146 = arith.mulf %get3A_145, %gather3A_64 : vector<16xf32>
        %add3A_147 = arith.constant 1 : i32
        %add3A_148 = arith.addi %mul3A_59, %add3A_147 : i32
        %swap3A_149 = arith.index_cast %add3A_148 : i32 to index
        %swap3A_150 = arith.constant 32 : index
        %swap3A_151 = tpu.vector_load %arg10[%swap3A_149, %swap3A_150] {strides = array<i32>} : memref<128x128xf32, #tpu.memory_space<vmem>>, vector<16xf32>,
        tpu.vector_store %arg10[%swap3A_149, %swap3A_150], %mul3A_146 {strides = array<i32>} : memref<128x128xf32, #tpu.memory_space<vmem>>, vector<16xf32>,
        %add3A_152 = arith.constant 1 : i32
        %add3A_153 = arith.addi %mul3A_59, %add3A_152 : i32
        %get3A_154 = arith.index_cast %add3A_153 : i32 to index
        %get3A_155 = arith.constant 48 : index
        %get3A_156 = tpu.vector_load %arg10[%get3A_154, %get3A_155] {strides = array<i32>} : memref<128x128xf32, #tpu.memory_space<vmem>>, vector<16xf32>,
        %mul3A_157 = arith.mulf %get3A_156, %gather3A_64 : vector<16xf32>
        %add3A_158 = arith.constant 1 : i32
        %add3A_159 = arith.addi %mul3A_59, %add3A_158 : i32
        %swap3A_160 = arith.index_cast %add3A_159 : i32 to index
        %swap3A_161 = arith.constant 48 : index
        %swap3A_162 = tpu.vector_load %arg10[%swap3A_160, %swap3A_161] {strides = array<i32>} : memref<128x128xf32, #tpu.memory_space<vmem>>, vector<16xf32>,
        tpu.vector_store %arg10[%swap3A_160, %swap3A_161], %mul3A_157 {strides = array<i32>} : memref<128x128xf32, #tpu.memory_space<vmem>>, vector<16xf32>,
        %add3A_163 = arith.constant 1 : i32
        %add3A_164 = arith.addi %mul3A_59, %add3A_163 : i32
        %get3A_165 = arith.index_cast %add3A_164 : i32 to index
        %get3A_166 = arith.constant 64 : index
        %get3A_167 = tpu.vector_load %arg10[%get3A_165, %get3A_166] {strides = array<i32>} : memref<128x128xf32, #tpu.memory_space<vmem>>, vector<16xf32>,
        %mul3A_168 = arith.mulf %get3A_167, %gather3A_64 : vector<16xf32>
        %add3A_169 = arith.constant 1 : i32
        %add3A_170 = arith.addi %mul3A_59, %add3A_169 : i32
        %swap3A_171 = arith.index_cast %add3A_170 : i32 to index
        %swap3A_172 = arith.constant 64 : index
        %swap3A_173 = tpu.vector_load %arg10[%swap3A_171, %swap3A_172] {strides = array<i32>} : memref<128x128xf32, #tpu.memory_space<vmem>>, vector<16xf32>,
        tpu.vector_store %arg10[%swap3A_171, %swap3A_172], %mul3A_168 {strides = array<i32>} : memref<128x128xf32, #tpu.memory_space<vmem>>, vector<16xf32>,
        %add3A_174 = arith.constant 1 : i32
        %add3A_175 = arith.addi %mul3A_59, %add3A_174 : i32
        %get3A_176 = arith.index_cast %add3A_175 : i32 to index
        %get3A_177 = arith.constant 80 : index
        %get3A_178 = tpu.vector_load %arg10[%get3A_176, %get3A_177] {strides = array<i32>} : memref<128x128xf32, #tpu.memory_space<vmem>>, vector<16xf32>,
        %mul3A_179 = arith.mulf %get3A_178, %gather3A_64 : vector<16xf32>
        %add3A_180 = arith.constant 1 : i32
        %add3A_181 = arith.addi %mul3A_59, %add3A_180 : i32
        %swap3A_182 = arith.index_cast %add3A_181 : i32 to index
        %swap3A_183 = arith.constant 80 : index
        %swap3A_184 = tpu.vector_load %arg10[%swap3A_182, %swap3A_183] {strides = array<i32>} : memref<128x128xf32, #tpu.memory_space<vmem>>, vector<16xf32>,
        tpu.vector_store %arg10[%swap3A_182, %swap3A_183], %mul3A_179 {strides = array<i32>} : memref<128x128xf32, #tpu.memory_space<vmem>>, vector<16xf32>,
        %add3A_185 = arith.constant 1 : i32
        %add3A_186 = arith.addi %mul3A_59, %add3A_185 : i32
        %get3A_187 = arith.index_cast %add3A_186 : i32 to index
        %get3A_188 = arith.constant 96 : index
        %get3A_189 = tpu.vector_load %arg10[%get3A_187, %get3A_188] {strides = array<i32>} : memref<128x128xf32, #tpu.memory_space<vmem>>, vector<16xf32>,
        %mul3A_190 = arith.mulf %get3A_189, %gather3A_64 : vector<16xf32>
        %add3A_191 = arith.constant 1 : i32
        %add3A_192 = arith.addi %mul3A_59, %add3A_191 : i32
        %swap3A_193 = arith.index_cast %add3A_192 : i32 to index
        %swap3A_194 = arith.constant 96 : index
        %swap3A_195 = tpu.vector_load %arg10[%swap3A_193, %swap3A_194] {strides = array<i32>} : memref<128x128xf32, #tpu.memory_space<vmem>>, vector<16xf32>,
        tpu.vector_store %arg10[%swap3A_193, %swap3A_194], %mul3A_190 {strides = array<i32>} : memref<128x128xf32, #tpu.memory_space<vmem>>, vector<16xf32>,
        %add3A_196 = arith.constant 1 : i32
        %add3A_197 = arith.addi %mul3A_59, %add3A_196 : i32
        %get3A_198 = arith.index_cast %add3A_197 : i32 to index
        %get3A_199 = arith.constant 112 : index
        %get3A_200 = tpu.vector_load %arg10[%get3A_198, %get3A_199] {strides = array<i32>} : memref<128x128xf32, #tpu.memory_space<vmem>>, vector<16xf32>,
        %mul3A_201 = arith.mulf %get3A_200, %gather3A_64 : vector<16xf32>
        %add3A_202 = arith.constant 1 : i32
        %add3A_203 = arith.addi %mul3A_59, %add3A_202 : i32
        %swap3A_204 = arith.index_cast %add3A_203 : i32 to index
        %swap3A_205 = arith.constant 112 : index
        %swap3A_206 = tpu.vector_load %arg10[%swap3A_204, %swap3A_205] {strides = array<i32>} : memref<128x128xf32, #tpu.memory_space<vmem>>, vector<16xf32>,
        tpu.vector_store %arg10[%swap3A_204, %swap3A_205], %mul3A_201 {strides = array<i32>} : memref<128x128xf32, #tpu.memory_space<vmem>>, vector<16xf32>,
      }
      %scan3A_52 = arith.constant 64 : i32
      "tpu.region"() ({
        %run_scoped3A = tpu.sem_alloc : memref<!tpu.dma_semaphore, #tpu.memory_space<semaphore_mem>>
        %dma_start3A_53 = arith.constant 0 : i32
        %dma_start3A_54 = tpu.memref_slice %arg8[%add3A_36, %dma_start3A_53] : memref<80x128xi32, #tpu.memory_space<vmem>> -> memref<1x128xi32, #tpu.memory_space<vmem>>
        %dma_start3A_55 = tpu.memref_squeeze %dma_start3A_54 : memref<1x128xi32, #tpu.memory_space<vmem>> -> memref<128xi32, #tpu.memory_space<vmem>>
        %dma_start3A_56 = arith.constant 0 : i32
        %dma_start3A_57 = arith.constant 0 : i32
        %dma_start3A_58 = tpu.memref_slice %arg13[%dma_start3A_56, %dma_start3A_57] : memref<10240x128xf32, #tpu.memory_space<vmem_shared>> -> memref<10240x128xf32, #tpu.memory_space<vmem_shared>>
        tpu.enqueue_indirect_dma source(%arg10 : memref<128x128xf32, #tpu.memory_space<vmem>>) target(%dma_start3A_58 : memref<10240x128xf32, #tpu.memory_space<vmem_shared>>) offsets(%dma_start3A_55 : memref<128xi32, #tpu.memory_space<vmem>>) semaphore(%run_scoped3A : memref<!tpu.dma_semaphore, #tpu.memory_space<semaphore_mem>>) {add = true}
        %dma_wait3A_59 = arith.constant 0 : i32
        %dma_wait3A_60 = tpu.memref_slice %arg8[%add3A_36, %dma_wait3A_59] : memref<80x128xi32, #tpu.memory_space<vmem>> -> memref<1x128xi32, #tpu.memory_space<vmem>>
        %dma_wait3A_61 = tpu.memref_squeeze %dma_wait3A_60 : memref<1x128xi32, #tpu.memory_space<vmem>> -> memref<128xi32, #tpu.memory_space<vmem>>
        %dma_wait3A_62 = arith.constant 0 : i32
        %dma_wait3A_63 = arith.constant 0 : i32
        %dma_wait3A_64 = tpu.memref_slice %arg13[%dma_wait3A_62, %dma_wait3A_63] : memref<10240x128xf32, #tpu.memory_space<vmem_shared>> -> memref<10240x128xf32, #tpu.memory_space<vmem_shared>>
        tpu.wait_indirect_dma semaphore(%run_scoped3A : memref<!tpu.dma_semaphore, #tpu.memory_space<semaphore_mem>>) src(%arg10 : memref<128x128xf32, #tpu.memory_space<vmem>>) dst(%dma_wait3A_64 : memref<10240x128xf32, #tpu.memory_space<vmem_shared>>)
        tpu.yield
      }) : () -> ()
    }
    %scan3A_26 = arith.constant 80 : i32
    %barrier3A_27 = arith.constant 0 : index
    tpu.barrier barrier_id(%barrier3A_27)
    %mul3A_28 = arith.constant 640 : i32
    %mul3A_29 = arith.muli %arg1, %mul3A_28 : i32
    %mul3A_30 = arith.constant 640 : i32
    %mul3A_31 = arith.muli %arg1, %mul3A_30 : i32
    "tpu.region"() ({
      %run_scoped3A = tpu.sem_alloc : memref<!tpu.dma_semaphore, #tpu.memory_space<semaphore_mem>>
      %dma_start3A = arith.constant 0 : i32
      %dma_start3A_32 = tpu.memref_slice %arg6[%arg0, %mul3A_31, %dma_start3A] : memref<2x10240x128xf32, #tpu.memory_space<hbm>> -> memref<1x640x128xf32, #tpu.memory_space<hbm>>
      %dma_start3A_33 = tpu.memref_squeeze %dma_start3A_32 : memref<1x640x128xf32, #tpu.memory_space<hbm>> -> memref<640x128xf32, #tpu.memory_space<hbm>>
      %dma_start3A_34 = arith.constant 0 : i32
      %dma_start3A_35 = tpu.memref_slice %arg13[%mul3A_29, %dma_start3A_34] : memref<10240x128xf32, #tpu.memory_space<vmem_shared>> -> memref<640x128xf32, #tpu.memory_space<vmem_shared>>
      tpu.enqueue_dma source(%dma_start3A_35 : memref<640x128xf32, #tpu.memory_space<vmem_shared>>) target(%dma_start3A_33 : memref<640x128xf32, #tpu.memory_space<hbm>>) target_semaphore(%run_scoped3A : memref<!tpu.dma_semaphore, #tpu.memory_space<semaphore_mem>>)
      %dma_wait3A = arith.constant 0 : i32
      %dma_wait3A_36 = tpu.memref_slice %arg6[%arg0, %mul3A_31, %dma_wait3A] : memref<2x10240x128xf32, #tpu.memory_space<hbm>> -> memref<1x640x128xf32, #tpu.memory_space<hbm>>
      %dma_wait3A_37 = tpu.memref_squeeze %dma_wait3A_36 : memref<1x640x128xf32, #tpu.memory_space<hbm>> -> memref<640x128xf32, #tpu.memory_space<hbm>>
      %dma_wait3A_38 = arith.constant 0 : i32
      %dma_wait3A_39 = tpu.memref_slice %arg13[%mul3A_29, %dma_wait3A_38] : memref<10240x128xf32, #tpu.memory_space<vmem_shared>> -> memref<640x128xf32, #tpu.memory_space<vmem_shared>>
      tpu.wait_dma2 semaphore(%run_scoped3A : memref<!tpu.dma_semaphore, #tpu.memory_space<semaphore_mem>>) src(%dma_wait3A_39 : memref<640x128xf32, #tpu.memory_space<vmem_shared>>) dst(%dma_wait3A_37 : memref<640x128xf32, #tpu.memory_space<hbm>>)
      tpu.yield
    }) : () -> ()
    return
  }
}

module attributes {stable_mosaic.version = 14 : i64} {
  func.func @_mm_body(%arg0: i32, %arg1: memref<2000x128xf32, #tpu.memory_space<vmem>>, %arg2: memref<128x128xf32, #tpu.memory_space<vmem>>, %arg3: memref<2000x128xf32, #tpu.memory_space<vmem>>) attributes {dimension_semantics = [#tpu.dimension_semantics<arbitrary>], iteration_bounds = array<i64: 5>, scalar_prefetch = 0 : i64, scratch_operands = 0 : i64, tpu.core_type = #tpu.core_type<tc>, window_params = [{transform_indices = @transform_0, window_bounds = array<i64: 2000, 128>}, {pipeline_mode = #tpu.pipeline_mode<synchronous>, transform_indices = @transform_1, window_bounds = array<i64: 128, 128>}, {transform_indices = @transform_2, window_bounds = array<i64: 2000, 128>}]} {
    %get3A = arith.constant 0 : index
    %get3A_0 = arith.constant 0 : index
    %get3A_1 = vector.load %arg1[%get3A, %get3A_0] : memref<2000x128xf32, #tpu.memory_space<vmem>>, vector<2000x128xf32>
    %get3A_2 = arith.constant 0 : index
    %get3A_3 = arith.constant 0 : index
    %get3A_4 = vector.load %arg2[%get3A_2, %get3A_3] : memref<128x128xf32, #tpu.memory_space<vmem>>, vector<128x128xf32>
    %dot_general3A = arith.constant dense<0.000000e+00> : vector<2000x128xf32>
    %dot_general3A_5 = tpu.matmul %get3A_1, %get3A_4, %dot_general3A {dimension_numbers = #tpu.dot_dimension_numbers<[1], [0], [0], [1], [0, 0, 1, 1], [], []>, transpose_lhs_hint = false} : vector<2000x128xf32>, vector<128x128xf32>, vector<2000x128xf32> -> vector<2000x128xf32>
    %swap3A = arith.constant 0 : index
    %swap3A_6 = arith.constant 0 : index
    %swap3A_7 = vector.load %arg3[%swap3A, %swap3A_6] : memref<2000x128xf32, #tpu.memory_space<vmem>>, vector<2000x128xf32>
    tpu.vector_store %arg3[%swap3A, %swap3A_6], %dot_general3A_5 {strides = array<i32>} : memref<2000x128xf32, #tpu.memory_space<vmem>>, vector<2000x128xf32>,
    return
  }
  func.func @transform_0(%arg0: i32) -> (i32, i32) {
    %c0_i32 = arith.constant 0 : i32
    %c0_i32_0 = arith.constant 0 : i32
    return %arg0, %c0_i32 : i32, i32
  }
  func.func @transform_1(%arg0: i32) -> (i32, i32) {
    %c0_i32 = arith.constant 0 : i32
    %c0_i32_0 = arith.constant 0 : i32
    %c0_i32_1 = arith.constant 0 : i32
    return %c0_i32, %c0_i32_0 : i32, i32
  }
  func.func @transform_2(%arg0: i32) -> (i32, i32) {
    %c0_i32 = arith.constant 0 : i32
    %c0_i32_0 = arith.constant 0 : i32
    return %arg0, %c0_i32 : i32, i32
  }
}

module attributes {stable_mosaic.version = 14 : i64} {
  func.func @_scale_body(%arg0: i32, %arg1: memref<2x2000x128xf32, #tpu.memory_space<vmem>>, %arg2: memref<2000x128xf32, #tpu.memory_space<vmem>>, %arg3: memref<2000x128xf32, #tpu.memory_space<vmem>>) attributes {dimension_semantics = [#tpu.dimension_semantics<arbitrary>], iteration_bounds = array<i64: 5>, scalar_prefetch = 0 : i64, scratch_operands = 0 : i64, tpu.core_type = #tpu.core_type<tc>, window_params = [{transform_indices = @transform_0, window_bounds = array<i64: 2, 2000, 128>}, {transform_indices = @transform_1, window_bounds = array<i64: 2000, 128>}, {transform_indices = @transform_2, window_bounds = array<i64: 2000, 128>}]} {
    %get3A = arith.constant 0 : index
    %get3A_0 = arith.constant 0 : index
    %get3A_1 = arith.constant 0 : index
    %get3A_2 = vector.load %arg1[%get3A, %get3A_0, %get3A_1] : memref<2x2000x128xf32, #tpu.memory_space<vmem>>, vector<1x2000x1xf32>
    %get3A_3 = vector.shape_cast %get3A_2 : vector<1x2000x1xf32> to vector<2000x1xf32>
    %get3A_4 = arith.constant 1 : index
    %get3A_5 = arith.constant 0 : index
    %get3A_6 = arith.constant 0 : index
    %get3A_7 = vector.load %arg1[%get3A_4, %get3A_5, %get3A_6] : memref<2x2000x128xf32, #tpu.memory_space<vmem>>, vector<1x2000x1xf32>
    %get3A_8 = vector.shape_cast %get3A_7 : vector<1x2000x1xf32> to vector<2000x1xf32>
    %add3A = arith.addf %get3A_3, %get3A_8 : vector<2000x1xf32>
    %add3A_9 = arith.constant 1.000000e+00 : f32
    %add3A_10 = vector.broadcast %add3A_9 : f32 to vector<2000x1xf32>
    %add3A_11 = arith.addf %add3A, %add3A_10 : vector<2000x1xf32>
    %rsqrt3A = math.rsqrt %add3A_11 : vector<2000x1xf32>
    %get3A_12 = arith.constant 0 : index
    %get3A_13 = arith.constant 0 : index
    %get3A_14 = vector.load %arg2[%get3A_12, %get3A_13] : memref<2000x128xf32, #tpu.memory_space<vmem>>, vector<2000x128xf32>
    %mul3A = vector.broadcast %rsqrt3A : vector<2000x1xf32> to vector<2000x128xf32>
    %mul3A_15 = arith.mulf %mul3A, %get3A_14 : vector<2000x128xf32>
    %swap3A = arith.constant 0 : index
    %swap3A_16 = arith.constant 0 : index
    %swap3A_17 = vector.load %arg3[%swap3A, %swap3A_16] : memref<2000x128xf32, #tpu.memory_space<vmem>>, vector<2000x128xf32>
    tpu.vector_store %arg3[%swap3A, %swap3A_16], %mul3A_15 {strides = array<i32>} : memref<2000x128xf32, #tpu.memory_space<vmem>>, vector<2000x128xf32>,
    return
  }
  func.func @transform_0(%arg0: i32) -> (i32, i32, i32) {
    %c0_i32 = arith.constant 0 : i32
    %c0_i32_0 = arith.constant 0 : i32
    %c0_i32_1 = arith.constant 0 : i32
    return %c0_i32, %arg0, %c0_i32_0 : i32, i32, i32
  }
  func.func @transform_1(%arg0: i32) -> (i32, i32) {
    %c0_i32 = arith.constant 0 : i32
    %c0_i32_0 = arith.constant 0 : i32
    return %arg0, %c0_i32 : i32, i32
  }
  func.func @transform_2(%arg0: i32) -> (i32, i32) {
    %c0_i32 = arith.constant 0 : i32
    %c0_i32_0 = arith.constant 0 : i32
    return %arg0, %c0_i32 : i32, i32
  }
}

module attributes {stable_mosaic.version = 14 : i64} {
  func.func @_layer_body(%arg0: i32, %arg1: memref<2x2000x128xf32, #tpu.memory_space<vmem>>, %arg2: memref<2x2000x128xf32, #tpu.memory_space<vmem>>, %arg3: memref<2000x128xf32, #tpu.memory_space<vmem>>, %arg4: memref<128xf32, #tpu.memory_space<vmem>>, %arg5: memref<128x128xf32, #tpu.memory_space<vmem>>, %arg6: memref<2000x128xf32, #tpu.memory_space<vmem>>) attributes {dimension_semantics = [#tpu.dimension_semantics<arbitrary>], iteration_bounds = array<i64: 5>, scalar_prefetch = 0 : i64, scratch_operands = 0 : i64, tpu.core_type = #tpu.core_type<tc>, window_params = [{transform_indices = @transform_0, window_bounds = array<i64: 2, 2000, 128>}, {transform_indices = @transform_1, window_bounds = array<i64: 2, 2000, 128>}, {transform_indices = @transform_2, window_bounds = array<i64: 2000, 128>}, {pipeline_mode = #tpu.pipeline_mode<synchronous>, transform_indices = @transform_3, window_bounds = array<i64: 128>}, {pipeline_mode = #tpu.pipeline_mode<synchronous>, transform_indices = @transform_4, window_bounds = array<i64: 128, 128>}, {transform_indices = @transform_5, window_bounds = array<i64: 2000, 128>}]} {
    %get3A = arith.constant 0 : index
    %get3A_0 = arith.constant 0 : index
    %get3A_1 = arith.constant 0 : index
    %get3A_2 = vector.load %arg1[%get3A, %get3A_0, %get3A_1] : memref<2x2000x128xf32, #tpu.memory_space<vmem>>, vector<1x2000x1xf32>
    %get3A_3 = vector.shape_cast %get3A_2 : vector<1x2000x1xf32> to vector<2000x1xf32>
    %get3A_4 = arith.constant 1 : index
    %get3A_5 = arith.constant 0 : index
    %get3A_6 = arith.constant 0 : index
    %get3A_7 = vector.load %arg1[%get3A_4, %get3A_5, %get3A_6] : memref<2x2000x128xf32, #tpu.memory_space<vmem>>, vector<1x2000x1xf32>
    %get3A_8 = vector.shape_cast %get3A_7 : vector<1x2000x1xf32> to vector<2000x1xf32>
    %add3A = arith.addf %get3A_3, %get3A_8 : vector<2000x1xf32>
    %add3A_9 = arith.constant 1.000000e+00 : f32
    %add3A_10 = vector.broadcast %add3A_9 : f32 to vector<2000x1xf32>
    %add3A_11 = arith.addf %add3A, %add3A_10 : vector<2000x1xf32>
    %rsqrt3A = math.rsqrt %add3A_11 : vector<2000x1xf32>
    %get3A_12 = arith.constant 0 : index
    %get3A_13 = arith.constant 0 : index
    %get3A_14 = arith.constant 0 : index
    %get3A_15 = vector.load %arg2[%get3A_12, %get3A_13, %get3A_14] : memref<2x2000x128xf32, #tpu.memory_space<vmem>>, vector<1x2000x128xf32>
    %get3A_16 = vector.shape_cast %get3A_15 : vector<1x2000x128xf32> to vector<2000x128xf32>
    %get3A_17 = arith.constant 1 : index
    %get3A_18 = arith.constant 0 : index
    %get3A_19 = arith.constant 0 : index
    %get3A_20 = vector.load %arg2[%get3A_17, %get3A_18, %get3A_19] : memref<2x2000x128xf32, #tpu.memory_space<vmem>>, vector<1x2000x128xf32>
    %get3A_21 = vector.shape_cast %get3A_20 : vector<1x2000x128xf32> to vector<2000x128xf32>
    %add3A_22 = arith.addf %get3A_16, %get3A_21 : vector<2000x128xf32>
    %get3A_23 = arith.constant 0 : index
    %get3A_24 = arith.constant 0 : index
    %get3A_25 = vector.load %arg3[%get3A_23, %get3A_24] : memref<2000x128xf32, #tpu.memory_space<vmem>>, vector<2000x128xf32>
    %add3A_26 = arith.addf %add3A_22, %get3A_25 : vector<2000x128xf32>
    %mul3A = vector.broadcast %rsqrt3A : vector<2000x1xf32> to vector<2000x128xf32>
    %mul3A_27 = arith.mulf %mul3A, %add3A_26 : vector<2000x128xf32>
    %get3A_28 = arith.constant 0 : index
    %get3A_29 = vector.load %arg4[%get3A_28] : memref<128xf32, #tpu.memory_space<vmem>>, vector<128xf32>
    %broadcast_in_dim3A = vector.shape_cast %get3A_29 : vector<128xf32> to vector<1x128xf32>
    %add3A_30 = vector.broadcast %broadcast_in_dim3A : vector<1x128xf32> to vector<2000x128xf32>
    %add3A_31 = arith.addf %mul3A_27, %add3A_30 : vector<2000x128xf32>
    %max3A = arith.constant 0.000000e+00 : f32
    %max3A_32 = vector.broadcast %max3A : f32 to vector<2000x128xf32>
    %max3A_33 = arith.maximumf %add3A_31, %max3A_32 : vector<2000x128xf32>
    %get3A_34 = arith.constant 0 : index
    %get3A_35 = arith.constant 0 : index
    %get3A_36 = vector.load %arg5[%get3A_34, %get3A_35] : memref<128x128xf32, #tpu.memory_space<vmem>>, vector<128x128xf32>
    %dot_general3A = arith.constant dense<0.000000e+00> : vector<2000x128xf32>
    %dot_general3A_37 = tpu.matmul %max3A_33, %get3A_36, %dot_general3A {dimension_numbers = #tpu.dot_dimension_numbers<[1], [0], [0], [1], [0, 0, 1, 1], [], []>, transpose_lhs_hint = false} : vector<2000x128xf32>, vector<128x128xf32>, vector<2000x128xf32> -> vector<2000x128xf32>
    %mul3A_38 = vector.broadcast %rsqrt3A : vector<2000x1xf32> to vector<2000x128xf32>
    %mul3A_39 = arith.mulf %mul3A_38, %dot_general3A_37 : vector<2000x128xf32>
    %swap3A = arith.constant 0 : index
    %swap3A_40 = arith.constant 0 : index
    %swap3A_41 = vector.load %arg6[%swap3A, %swap3A_40] : memref<2000x128xf32, #tpu.memory_space<vmem>>, vector<2000x128xf32>
    tpu.vector_store %arg6[%swap3A, %swap3A_40], %mul3A_39 {strides = array<i32>} : memref<2000x128xf32, #tpu.memory_space<vmem>>, vector<2000x128xf32>,
    return
  }
  func.func @transform_0(%arg0: i32) -> (i32, i32, i32) {
    %c0_i32 = arith.constant 0 : i32
    %c0_i32_0 = arith.constant 0 : i32
    %c0_i32_1 = arith.constant 0 : i32
    return %c0_i32, %arg0, %c0_i32_0 : i32, i32, i32
  }
  func.func @transform_1(%arg0: i32) -> (i32, i32, i32) {
    %c0_i32 = arith.constant 0 : i32
    %c0_i32_0 = arith.constant 0 : i32
    %c0_i32_1 = arith.constant 0 : i32
    return %c0_i32, %arg0, %c0_i32_0 : i32, i32, i32
  }
  func.func @transform_2(%arg0: i32) -> (i32, i32) {
    %c0_i32 = arith.constant 0 : i32
    %c0_i32_0 = arith.constant 0 : i32
    return %arg0, %c0_i32 : i32, i32
  }
  func.func @transform_3(%arg0: i32) -> i32 {
    %c0_i32 = arith.constant 0 : i32
    %c0_i32_0 = arith.constant 0 : i32
    return %c0_i32 : i32
  }
  func.func @transform_4(%arg0: i32) -> (i32, i32) {
    %c0_i32 = arith.constant 0 : i32
    %c0_i32_0 = arith.constant 0 : i32
    %c0_i32_1 = arith.constant 0 : i32
    return %c0_i32, %c0_i32_0 : i32, i32
  }
  func.func @transform_5(%arg0: i32) -> (i32, i32) {
    %c0_i32 = arith.constant 0 : i32
    %c0_i32_0 = arith.constant 0 : i32
    return %arg0, %c0_i32 : i32, i32
  }
}

module attributes {stable_mosaic.version = 14 : i64} {
  func.func @_head_body(%arg0: i32, %arg1: memref<2x10000x128xf32, #tpu.memory_space<vmem>>, %arg2: memref<2x10000x128xf32, #tpu.memory_space<vmem>>, %arg3: memref<10000x128xf32, #tpu.memory_space<vmem>>, %arg4: memref<64xf32, #tpu.memory_space<vmem>>, %arg5: memref<64x32xf32, #tpu.memory_space<vmem>>, %arg6: memref<32xf32, #tpu.memory_space<vmem>>, %arg7: memref<32x1xf32, #tpu.memory_space<vmem>>, %arg8: memref<1xf32, #tpu.memory_space<vmem>>, %arg9: memref<64x32xf32, #tpu.memory_space<vmem>>, %arg10: memref<32xf32, #tpu.memory_space<vmem>>, %arg11: memref<32x1xf32, #tpu.memory_space<vmem>>, %arg12: memref<1xf32, #tpu.memory_space<vmem>>, %arg13: memref<10000x1xf32, #tpu.memory_space<vmem>>) attributes {dimension_semantics = [#tpu.dimension_semantics<arbitrary>], iteration_bounds = array<i64: 1>, scalar_prefetch = 0 : i64, scratch_operands = 0 : i64, tpu.core_type = #tpu.core_type<tc>, window_params = [{transform_indices = @transform_0, window_bounds = array<i64: 2, 10000, 128>}, {transform_indices = @transform_1, window_bounds = array<i64: 2, 10000, 128>}, {pipeline_mode = #tpu.pipeline_mode<synchronous>, transform_indices = @transform_2, window_bounds = array<i64: 10000, 128>}, {pipeline_mode = #tpu.pipeline_mode<synchronous>, transform_indices = @transform_3, window_bounds = array<i64: 64>}, {pipeline_mode = #tpu.pipeline_mode<synchronous>, transform_indices = @transform_4, window_bounds = array<i64: 64, 32>}, {pipeline_mode = #tpu.pipeline_mode<synchronous>, transform_indices = @transform_5, window_bounds = array<i64: 32>}, {pipeline_mode = #tpu.pipeline_mode<synchronous>, transform_indices = @transform_6, window_bounds = array<i64: 32, 1>}, {pipeline_mode = #tpu.pipeline_mode<synchronous>, transform_indices = @transform_7, window_bounds = array<i64: 1>}, {pipeline_mode = #tpu.pipeline_mode<synchronous>, transform_indices = @transform_8, window_bounds = array<i64: 64, 32>}, {pipeline_mode = #tpu.pipeline_mode<synchronous>, transform_indices = @transform_9, window_bounds = array<i64: 32>}, {pipeline_mode = #tpu.pipeline_mode<synchronous>, transform_indices = @transform_10, window_bounds = array<i64: 32, 1>}, {pipeline_mode = #tpu.pipeline_mode<synchronous>, transform_indices = @transform_11, window_bounds = array<i64: 1>}, {pipeline_mode = #tpu.pipeline_mode<synchronous>, transform_indices = @transform_12, window_bounds = array<i64: 10000, 1>}]} {
    %get3A = arith.constant 0 : index
    %get3A_0 = arith.constant 0 : index
    %get3A_1 = arith.constant 0 : index
    %get3A_2 = vector.load %arg1[%get3A, %get3A_0, %get3A_1] : memref<2x10000x128xf32, #tpu.memory_space<vmem>>, vector<1x10000x1xf32>
    %get3A_3 = vector.shape_cast %get3A_2 : vector<1x10000x1xf32> to vector<10000x1xf32>
    %get3A_4 = arith.constant 1 : index
    %get3A_5 = arith.constant 0 : index
    %get3A_6 = arith.constant 0 : index
    %get3A_7 = vector.load %arg1[%get3A_4, %get3A_5, %get3A_6] : memref<2x10000x128xf32, #tpu.memory_space<vmem>>, vector<1x10000x1xf32>
    %get3A_8 = vector.shape_cast %get3A_7 : vector<1x10000x1xf32> to vector<10000x1xf32>
    %add3A = arith.addf %get3A_3, %get3A_8 : vector<10000x1xf32>
    %add3A_9 = arith.constant 1.000000e+00 : f32
    %add3A_10 = vector.broadcast %add3A_9 : f32 to vector<10000x1xf32>
    %add3A_11 = arith.addf %add3A, %add3A_10 : vector<10000x1xf32>
    %rsqrt3A = math.rsqrt %add3A_11 : vector<10000x1xf32>
    %get3A_12 = arith.constant 0 : index
    %get3A_13 = arith.constant 0 : index
    %get3A_14 = arith.constant 0 : index
    %get3A_15 = vector.load %arg2[%get3A_12, %get3A_13, %get3A_14] : memref<2x10000x128xf32, #tpu.memory_space<vmem>>, vector<1x10000x128xf32>
    %get3A_16 = vector.shape_cast %get3A_15 : vector<1x10000x128xf32> to vector<10000x128xf32>
    %get3A_17 = arith.constant 1 : index
    %get3A_18 = arith.constant 0 : index
    %get3A_19 = arith.constant 0 : index
    %get3A_20 = vector.load %arg2[%get3A_17, %get3A_18, %get3A_19] : memref<2x10000x128xf32, #tpu.memory_space<vmem>>, vector<1x10000x128xf32>
    %get3A_21 = vector.shape_cast %get3A_20 : vector<1x10000x128xf32> to vector<10000x128xf32>
    %add3A_22 = arith.addf %get3A_16, %get3A_21 : vector<10000x128xf32>
    %get3A_23 = arith.constant 0 : index
    %get3A_24 = arith.constant 0 : index
    %get3A_25 = vector.load %arg3[%get3A_23, %get3A_24] : memref<10000x128xf32, #tpu.memory_space<vmem>>, vector<10000x128xf32>
    %add3A_26 = arith.addf %add3A_22, %get3A_25 : vector<10000x128xf32>
    %slice3A = vector.extract_strided_slice %add3A_26 {offsets = [0, 0], sizes = [10000, 64], strides = [1, 1]} : vector<10000x128xf32> to vector<10000x64xf32>
    %mul3A = vector.broadcast %rsqrt3A : vector<10000x1xf32> to vector<10000x64xf32>
    %mul3A_27 = arith.mulf %mul3A, %slice3A : vector<10000x64xf32>
    %get3A_28 = arith.constant 0 : index
    %get3A_29 = vector.load %arg4[%get3A_28] : memref<64xf32, #tpu.memory_space<vmem>>, vector<64xf32>
    %broadcast_in_dim3A = vector.shape_cast %get3A_29 : vector<64xf32> to vector<1x64xf32>
    %add3A_30 = vector.broadcast %broadcast_in_dim3A : vector<1x64xf32> to vector<10000x64xf32>
    %add3A_31 = arith.addf %mul3A_27, %add3A_30 : vector<10000x64xf32>
    %max3A = arith.constant 0.000000e+00 : f32
    %max3A_32 = vector.broadcast %max3A : f32 to vector<10000x64xf32>
    %max3A_33 = arith.maximumf %add3A_31, %max3A_32 : vector<10000x64xf32>
    %get3A_34 = arith.constant 0 : index
    %get3A_35 = arith.constant 0 : index
    %get3A_36 = vector.load %arg5[%get3A_34, %get3A_35] : memref<64x32xf32, #tpu.memory_space<vmem>>, vector<64x32xf32>
    %dot_general3A = arith.constant dense<0.000000e+00> : vector<10000x32xf32>
    %dot_general3A_37 = tpu.matmul %max3A_33, %get3A_36, %dot_general3A {dimension_numbers = #tpu.dot_dimension_numbers<[1], [0], [0], [1], [0, 0, 1, 1], [], []>, transpose_lhs_hint = false} : vector<10000x64xf32>, vector<64x32xf32>, vector<10000x32xf32> -> vector<10000x32xf32>
    %get3A_38 = arith.constant 0 : index
    %get3A_39 = vector.load %arg6[%get3A_38] : memref<32xf32, #tpu.memory_space<vmem>>, vector<32xf32>
    %broadcast_in_dim3A_40 = vector.shape_cast %get3A_39 : vector<32xf32> to vector<1x32xf32>
    %add3A_41 = vector.broadcast %broadcast_in_dim3A_40 : vector<1x32xf32> to vector<10000x32xf32>
    %add3A_42 = arith.addf %dot_general3A_37, %add3A_41 : vector<10000x32xf32>
    %max3A_43 = arith.constant 0.000000e+00 : f32
    %max3A_44 = vector.broadcast %max3A_43 : f32 to vector<10000x32xf32>
    %max3A_45 = arith.maximumf %add3A_42, %max3A_44 : vector<10000x32xf32>
    %get3A_46 = arith.constant 0 : index
    %get3A_47 = arith.constant 0 : index
    %get3A_48 = vector.load %arg7[%get3A_46, %get3A_47] : memref<32x1xf32, #tpu.memory_space<vmem>>, vector<32x1xf32>
    %squeeze3A = vector.shape_cast %get3A_48 : vector<32x1xf32> to vector<32xf32>
    %broadcast_in_dim3A_49 = vector.shape_cast %squeeze3A : vector<32xf32> to vector<1x32xf32>
    %mul3A_50 = vector.broadcast %broadcast_in_dim3A_49 : vector<1x32xf32> to vector<10000x32xf32>
    %mul3A_51 = arith.mulf %max3A_45, %mul3A_50 : vector<10000x32xf32>
    %reduce_sum3A = arith.constant dense<0.000000e+00> : vector<10000xf32>
    %reduce_sum3A_52 = vector.multi_reduction <add>, %mul3A_51, %reduce_sum3A [1] : vector<10000x32xf32> to vector<10000xf32>
    %broadcast_in_dim3A_53 = vector.shape_cast %reduce_sum3A_52 : vector<10000xf32> to vector<10000x1xf32>
    %get3A_54 = arith.constant 0 : index
    %get3A_55 = vector.load %arg8[%get3A_54] : memref<1xf32, #tpu.memory_space<vmem>>, vector<1xf32>
    %get3A_56 = vector.extract %get3A_55[0] : f32 from vector<1xf32>
    %add3A_57 = vector.broadcast %get3A_56 : f32 to vector<10000x1xf32>
    %add3A_58 = arith.addf %broadcast_in_dim3A_53, %add3A_57 : vector<10000x1xf32>
    %get3A_59 = arith.constant 0 : index
    %get3A_60 = arith.constant 0 : index
    %get3A_61 = vector.load %arg9[%get3A_59, %get3A_60] : memref<64x32xf32, #tpu.memory_space<vmem>>, vector<64x32xf32>
    %dot_general3A_62 = arith.constant dense<0.000000e+00> : vector<10000x32xf32>
    %dot_general3A_63 = tpu.matmul %max3A_33, %get3A_61, %dot_general3A_62 {dimension_numbers = #tpu.dot_dimension_numbers<[1], [0], [0], [1], [0, 0, 1, 1], [], []>, transpose_lhs_hint = false} : vector<10000x64xf32>, vector<64x32xf32>, vector<10000x32xf32> -> vector<10000x32xf32>
    %get3A_64 = arith.constant 0 : index
    %get3A_65 = vector.load %arg10[%get3A_64] : memref<32xf32, #tpu.memory_space<vmem>>, vector<32xf32>
    %broadcast_in_dim3A_66 = vector.shape_cast %get3A_65 : vector<32xf32> to vector<1x32xf32>
    %add3A_67 = vector.broadcast %broadcast_in_dim3A_66 : vector<1x32xf32> to vector<10000x32xf32>
    %add3A_68 = arith.addf %dot_general3A_63, %add3A_67 : vector<10000x32xf32>
    %max3A_69 = arith.constant 0.000000e+00 : f32
    %max3A_70 = vector.broadcast %max3A_69 : f32 to vector<10000x32xf32>
    %max3A_71 = arith.maximumf %add3A_68, %max3A_70 : vector<10000x32xf32>
    %get3A_72 = arith.constant 0 : index
    %get3A_73 = arith.constant 0 : index
    %get3A_74 = vector.load %arg11[%get3A_72, %get3A_73] : memref<32x1xf32, #tpu.memory_space<vmem>>, vector<32x1xf32>
    %squeeze3A_75 = vector.shape_cast %get3A_74 : vector<32x1xf32> to vector<32xf32>
    %broadcast_in_dim3A_76 = vector.shape_cast %squeeze3A_75 : vector<32xf32> to vector<1x32xf32>
    %mul3A_77 = vector.broadcast %broadcast_in_dim3A_76 : vector<1x32xf32> to vector<10000x32xf32>
    %mul3A_78 = arith.mulf %max3A_71, %mul3A_77 : vector<10000x32xf32>
    %reduce_sum3A_79 = arith.constant dense<0.000000e+00> : vector<10000xf32>
    %reduce_sum3A_80 = vector.multi_reduction <add>, %mul3A_78, %reduce_sum3A_79 [1] : vector<10000x32xf32> to vector<10000xf32>
    %broadcast_in_dim3A_81 = vector.shape_cast %reduce_sum3A_80 : vector<10000xf32> to vector<10000x1xf32>
    %get3A_82 = arith.constant 0 : index
    %get3A_83 = vector.load %arg12[%get3A_82] : memref<1xf32, #tpu.memory_space<vmem>>, vector<1xf32>
    %get3A_84 = vector.extract %get3A_83[0] : f32 from vector<1xf32>
    %add3A_85 = vector.broadcast %get3A_84 : f32 to vector<10000x1xf32>
    %add3A_86 = arith.addf %broadcast_in_dim3A_81, %add3A_85 : vector<10000x1xf32>
    %add3A_87 = arith.addf %add3A_58, %add3A_86 : vector<10000x1xf32>
    %reduce_sum3A_88 = vector.shape_cast %add3A_86 : vector<10000x1xf32> to vector<1x10000x1xf32>
    %reduce_sum3A_89 = arith.constant dense<0.000000e+00> : vector<1xf32>
    %reduce_sum3A_90 = vector.multi_reduction <add>, %reduce_sum3A_88, %reduce_sum3A_89 [1, 2] : vector<1x10000x1xf32> to vector<1xf32>
    %reduce_sum3A_91 = vector.shape_cast %reduce_sum3A_90 : vector<1xf32> to vector<1x1x1xf32>
    %reduce_sum3A_92 = vector.extract %reduce_sum3A_91[0, 0, 0] : f32 from vector<1x1x1xf32>
    %div3A = arith.constant 1.000000e+04 : f32
    %div3A_93 = arith.divf %reduce_sum3A_92, %div3A : f32
    %sub3A = vector.broadcast %div3A_93 : f32 to vector<10000x1xf32>
    %sub3A_94 = arith.subf %add3A_87, %sub3A : vector<10000x1xf32>
    %swap3A = arith.constant 0 : index
    %swap3A_95 = arith.constant 0 : index
    %swap3A_96 = vector.load %arg13[%swap3A, %swap3A_95] : memref<10000x1xf32, #tpu.memory_space<vmem>>, vector<10000x1xf32>
    tpu.vector_store %arg13[%swap3A, %swap3A_95], %sub3A_94 {strides = array<i32>} : memref<10000x1xf32, #tpu.memory_space<vmem>>, vector<10000x1xf32>,
    return
  }
  func.func @transform_0(%arg0: i32) -> (i32, i32, i32) {
    %c0_i32 = arith.constant 0 : i32
    %c0_i32_0 = arith.constant 0 : i32
    %c0_i32_1 = arith.constant 0 : i32
    %c0_i32_2 = arith.constant 0 : i32
    return %c0_i32, %c0_i32_0, %c0_i32_1 : i32, i32, i32
  }
  func.func @transform_1(%arg0: i32) -> (i32, i32, i32) {
    %c0_i32 = arith.constant 0 : i32
    %c0_i32_0 = arith.constant 0 : i32
    %c0_i32_1 = arith.constant 0 : i32
    %c0_i32_2 = arith.constant 0 : i32
    return %c0_i32, %c0_i32_0, %c0_i32_1 : i32, i32, i32
  }
  func.func @transform_2(%arg0: i32) -> (i32, i32) {
    %c0_i32 = arith.constant 0 : i32
    %c0_i32_0 = arith.constant 0 : i32
    %c0_i32_1 = arith.constant 0 : i32
    return %c0_i32, %c0_i32_0 : i32, i32
  }
  func.func @transform_3(%arg0: i32) -> i32 {
    %c0_i32 = arith.constant 0 : i32
    %c0_i32_0 = arith.constant 0 : i32
    return %c0_i32 : i32
  }
  func.func @transform_4(%arg0: i32) -> (i32, i32) {
    %c0_i32 = arith.constant 0 : i32
    %c0_i32_0 = arith.constant 0 : i32
    %c0_i32_1 = arith.constant 0 : i32
    return %c0_i32, %c0_i32_0 : i32, i32
  }
  func.func @transform_5(%arg0: i32) -> i32 {
    %c0_i32 = arith.constant 0 : i32
    %c0_i32_0 = arith.constant 0 : i32
    return %c0_i32 : i32
  }
  func.func @transform_6(%arg0: i32) -> (i32, i32) {
    %c0_i32 = arith.constant 0 : i32
    %c0_i32_0 = arith.constant 0 : i32
    %c0_i32_1 = arith.constant 0 : i32
    return %c0_i32, %c0_i32_0 : i32, i32
  }
  func.func @transform_7(%arg0: i32) -> i32 {
    %c0_i32 = arith.constant 0 : i32
    %c0_i32_0 = arith.constant 0 : i32
    return %c0_i32 : i32
  }
  func.func @transform_8(%arg0: i32) -> (i32, i32) {
    %c0_i32 = arith.constant 0 : i32
    %c0_i32_0 = arith.constant 0 : i32
    %c0_i32_1 = arith.constant 0 : i32
    return %c0_i32, %c0_i32_0 : i32, i32
  }
  func.func @transform_9(%arg0: i32) -> i32 {
    %c0_i32 = arith.constant 0 : i32
    %c0_i32_0 = arith.constant 0 : i32
    return %c0_i32 : i32
  }
  func.func @transform_10(%arg0: i32) -> (i32, i32) {
    %c0_i32 = arith.constant 0 : i32
    %c0_i32_0 = arith.constant 0 : i32
    %c0_i32_1 = arith.constant 0 : i32
    return %c0_i32, %c0_i32_0 : i32, i32
  }
  func.func @transform_11(%arg0: i32) -> i32 {
    %c0_i32 = arith.constant 0 : i32
    %c0_i32_0 = arith.constant 0 : i32
    return %c0_i32 : i32
  }
  func.func @transform_12(%arg0: i32) -> (i32, i32) {
    %c0_i32 = arith.constant 0 : i32
    %c0_i32_0 = arith.constant 0 : i32
    %c0_i32_1 = arith.constant 0 : i32
    return %c0_i32, %c0_i32_0 : i32, i32
  }
}

</mosaic_0001>

<sc_bundles>
// kernel: kernel.11.cloned.1.call-start
scs
__scs_entry_jumppad:
0x0: {  	(pc) =	sbr.rel $0x88, $3  }
0x1: {  	(tag) =	ssettag $0x0;
	lr =	simm.s32 $0x1  }
0x2: {  	[smem:$0x3F90] =	sst lr;
	_ =	strace $0xD0000000  }
0x3: {  	_ = 	snop  }
0x4: {  	_ = 	snop  }
0x5: {  	_ = 	snop  }
0x6: {  	_ = 	snop  }
0x7: {  	_ = 	snop  }
__scs_overlays_trampoline_lowered:
0x8: {  	[smem:$0x3F9F] =	sst s0  }
0x9: {  	[smem:$0x3FA0] =	sst s1  }
0xa: {  	[smem:$0x3FA1] =	sst s2  }
0xb: {  	[smem:$0x3FA2] =	sst s3  }
0xc: {  	[smem:$0x3FA3] =	sst s4  }
0xd: {  	[smem:$0x3FA4] =	sst s5  }
0xe: {  	[smem:$0x3FA5] =	sst s6  }
0xf: {  	[smem:$0x3FA6] =	sst s7  }
0x10: {  	[smem:$0x3FA7] =	sst s8  }
0x11: {  	[smem:$0x3FA8] =	sst s9;
	s0 =	simm.s32 @!p0 $0x0  }
0x12: {  	s1 =	sld [smem:$0x3F8E];
	s0 =	simm.s32 @p0 $0x1  }
0x13: {  	[smem:$0x3FA9] =	sst s0;
	s0 =	simm.s32 @!p1 $0x0  }
0x14: {  	s2 =	sld [smem:$0x3F8D];
	s0 =	simm.s32 @p1 $0x1  }
0x15: {  	[smem:$0x3FAA] =	sst s0;
	s0 =	simm.s32 @!p2 $0x0  }
0x16: {  	s3 =	sld [smem:$0x3FDB];
	s0 =	simm.s32 @p2 $0x1  }
0x17: {  	s4 =	simm.s32 $0x1BF5;
	[smem:$0x3FAC] =	sst s0  }
0x18: {  	s0 =	sld [smem:$0x3F8F];
	_ =	swait.ge [sflag:s4], $0x0  }
0x19: {  	s7 =	sld [smem:$0x3F90]  }
0x1a: {  	s8 =	sadd.s32 $0xFFFFE003, lr  }
0x1b: {  	s9 =	sadd.s32 $0xFFFFFEF7, lr;
	s5 =	simm.s32 $0xFFFFFFFF;
	p2 =	slt.u32 s8, $0xFFFFF086  }
0x1c: {  	p1 =	slt.u32 s9, $0xF7A;
	s5 =	simm.s32 @!p2 $0x0  }
0x1d: {  	s5 =	simm.s32 @p1 $0x1;
	p0 =	seq.s32 s7, s2  }
0x1e: {  	s7 =	smul.u32 @!p0 $0xF7A, s2;
	p2 =	seq.s32 @!p0 s5, $0x0  }
0x1f: {  	s9 =	smul.u32 $0xF7A, s1;
	s8 =	simm.s32 @!p0 $0x1BF5;
	p2 =	por !p2, p0  }
0x20: {  	[sflag:s8] =	ssyncset.s32 @!p0 $0xFFFFF086;
	s6 =	sadd.s32 @!p0 s3, s7;
	s7 =	simm.s32 @!p0 $0x108  }
0x21: {  	s3 =	sadd.s32 s3, s9;
	s6 =	sadd.s32 @!p0 $0x88, s6;
	s7 =	simm.s32 @p2 $0x1082  }
0x22: {  	[simem:s7], [sflag:s8] =	dma.local @!p0 [hbm:s6], $0xF7A  }
0x23: {  	s9 =	sor.u32 $0xD0000000, s2;
	s6 =	simm.s32 $0x108;
	_ =	swait.ge @!p0 [sflag:s8], $0x0  }
0x24: {  	s3 =	sadd.s32 $0x88, s3;
	s6 =	simm.s32 @!p1 $0x1082;
	[sflag:s4] =	ssyncset.s32 $0xFFFFF086  }
0x25: {  	[simem:s6], [sflag:s4] =	dma.local [hbm:s3], $0xF7A  }
0x26: {  	[smem:$0x3F90] =	sst s1;
	(tag) =	ssettag s2;
	_ =	strace s9  }
0x27: {  	s1 =	sld [smem:$0x3FA0]  }
0x28: {  	s2 =	sld [smem:$0x3FA1]  }
0x29: {  	s4 =	sld [smem:$0x3FA3]  }
0x2a: {  	p0 =	seq.s32 s5, $0x0;
	s5 =	sld [smem:$0x3FA4]  }
0x2b: {  	s6 =	sld [smem:$0x3FA5]  }
0x2c: {  	s7 =	sld [smem:$0x3FA6]  }
0x2d: {  	s3 =	simm.s32 $0x108;
	s8 =	sld [smem:$0x3FA7]  }
0x2e: {  	s3 =	simm.s32 @!p0 $0x1082;
	s9 =	sld [smem:$0x3FA8]  }
0x2f: {  	lr =	sadd.s32 s0, s3;
	s0 =	sld [smem:$0x3F9F]  }
0x30: {  	s3 =	sld [smem:$0x3FA2]  }
0x31: {  	[smem:$0x3FAB] =	sst s10  }
0x32: {  	s10 =	sld [smem:$0x3FA9];
	_ =	sdelay $0x3  }
0x33: {  	p0 =	seq.s32 s10, $0x1;
	s10 =	sld [smem:$0x3FAB];
	_ =	sdelay $0x3  }
0x34: {  	[smem:$0x3FAB] =	sst s10  }
0x35: {  	s10 =	sld [smem:$0x3FAA];
	_ =	sdelay $0x3  }
0x36: {  	p1 =	seq.s32 s10, $0x1;
	s10 =	sld [smem:$0x3FAB];
	_ =	sdelay $0x3  }
0x37: {  	[smem:$0x3FAB] =	sst s10  }
0x38: {  	s10 =	sld [smem:$0x3FAC]  }
0x39: {  	_ = 	snop;
	(pc) =	sbr.ind lr, $3  }
0x3a: {  	_ = 	snop  }
0x3b: {  	_ = 	snop  }
0x3c: {  	p2 =	seq.s32 s10, $0x1;
	s10 =	sld [smem:$0x3FAB]  }
0x3d: {  	_ =	shalt  }
0x3e: {  	_ =	shalt  }
0x3f: {  	_ =	shalt  }
0x40: {  	_ =	shalt  }
0x41: {  	_ =	shalt  }
0x42: {  	_ =	shalt  }
0x43: {  	_ =	shalt  }
0x44: {  	_ =	shalt  }
0x45: {  	_ =	shalt  }
0x46: {  	_ =	shalt  }
0x47: {  	_ =	shalt  }
0x48: {  	_ =	shalt  }
0x49: {  	_ =	shalt  }
0x4a: {  	_ =	shalt  }
0x4b: {  	_ =	shalt  }
0x4c: {  	_ =	shalt  }
0x4d: {  	_ =	shalt  }
0x4e: {  	_ =	shalt  }
0x4f: {  	_ =	shalt  }
0x50: {  	_ =	shalt  }
0x51: {  	_ =	shalt  }
0x52: {  	_ =	shalt  }
0x53: {  	_ =	shalt  }
0x54: {  	_ =	shalt  }
0x55: {  	_ =	shalt  }
0x56: {  	_ =	shalt  }
0x57: {  	_ =	shalt  }
0x58: {  	_ =	shalt  }
0x59: {  	_ =	shalt  }
0x5a: {  	_ =	shalt  }
0x5b: {  	_ =	shalt  }
0x5c: {  	_ =	shalt  }
0x5d: {  	_ =	shalt  }
0x5e: {  	_ =	shalt  }
0x5f: {  	_ =	shalt  }
0x60: {  	_ =	shalt  }
0x61: {  	_ =	shalt  }
0x62: {  	_ =	shalt  }
0x63: {  	_ =	shalt  }
0x64: {  	_ =	shalt  }
0x65: {  	_ =	shalt  }
0x66: {  	_ =	shalt  }
0x67: {  	_ =	shalt  }
0x68: {  	_ =	shalt  }
0x69: {  	_ =	shalt  }
0x6a: {  	_ =	shalt  }
0x6b: {  	_ =	shalt  }
0x6c: {  	_ =	shalt  }
0x6d: {  	_ =	shalt  }
0x6e: {  	_ =	shalt  }
0x6f: {  	_ =	shalt  }
0x70: {  	_ =	shalt  }
0x71: {  	_ =	shalt  }
0x72: {  	_ =	shalt  }
0x73: {  	_ =	shalt  }
0x74: {  	_ =	shalt  }
0x75: {  	_ =	shalt  }
0x76: {  	_ =	shalt  }
0x77: {  	_ =	shalt  }
0x78: {  	_ =	shalt  }
0x79: {  	_ =	shalt  }
0x7a: {  	_ =	shalt  }
0x7b: {  	_ =	shalt  }
0x7c: {  	_ =	shalt  }
0x7d: {  	_ =	shalt  }
0x7e: {  	_ =	shalt  }
0x7f: {  	_ =	shalt  }
0x80: {  	_ =	shalt  }
0x81: {  	_ =	shalt  }
0x82: {  	_ =	shalt  }
0x83: {  	_ =	shalt  }
0x84: {  	_ =	shalt  }
0x85: {  	_ =	shalt  }
0x86: {  	_ =	shalt  }
0x87: {  	_ =	shalt  }
.Lfunc_end0:
.L_simem_size_0:
called_computation_lowered:
.L_overlay_start_0:
0x88: {  	s2 =	sld [smem:$0x3FD9]  }
0x89: {  	s3 =	sld [smem:$0x3FFE];
	_ =	sdelay $0x1  }
0x8a: {  	s1 =	srdreg.scid  }
0x8b: {  	s0 =	sand.u32 $0x1, s1  }
0x8c: {  	s16 =	sshll.u32 s0, $0xA;
	s2 =	sadd.s32 s3, s2  }
0x8d: {  	s2 =	sadd.s32 s2, s16  }
0x8e: {  	[smem:$0x3FB7] =	sst s2  }
0x8f: {  	_ = 	snop  }
0x90: {  	(tm) =	ssettm $0x1  }
0x91: {  	s17 =	sld [smem:$0x3FFB];
	_ =	sdelay $0x3  }
0x92: {  	_ =	strace s17  }
0x93: {  	s2 =	sld [smem:$0x3FFC];
	_ =	sdelay $0x3  }
0x94: {  	_ =	strace s2  }
0x95: {  	s2 =	sld [smem:$0x3FFD];
	_ =	sdelay $0x3  }
0x96: {  	_ =	strace s2  }
0x97: {  	_ =	strace $0x8FFFFFFF  }
0x98: {  	s18 =	sld [smem:$0x3FDB];
	_ =	sdelay $0x1  }
0x99: {  	s19 =	simm.s32 $_scs_section_size  }
0x9a: {  	s4 =	simm.s32 $_size__tile_overlayer_lowered;
	s5 =	simm.s32 $_tile_overlayer_lowered  }
0x9b: {  	s22 =	simm.s32 $0x1BFF;
	s21 =	sshll.u32 s5, $0x1;
	s2 =	sadd.s32 s19, s18  }
0x9c: {  	s6 =	simm.s32 $0x0;
	s20 =	sshll.u32 s4, $0x1;
	s4 =	sadd.s32 s21, s2  }
0x9d: {  	[timem:s6], [sflag:s22] =	dma.local [hbm:s4], s20  }
0x9e: {  	_ =	swait.ge [sflag:s22], s20  }
0x9f: {  	s3 =	ssub.s32 $0x0, s20;
	[sflag:s22] =	ssyncset.done $0x0  }
0xa0: {  	[sflag:s22] =	ssyncadd.s32 s3;
	_ =	sdelay $0x1  }
0xa1: {  	s23 =	simm.s32 $0x1B8B  }
0xa2: {  	_ =	swait.ge [sflag:s23], $0x1  }
0xa3: {  	[sflag:s23] =	ssyncset.done $0x0  }
0xa4: {  	s25 =	simm.s32 $0x1B8E;
	s24 =	sld [smem:$0x3FFE];
	[sflag:s23] =	ssyncadd.s32 $0xFFFFFFFF  }
0xa5: {  	s26 =	simm.s32 $execute0_lowered;
	[smem:$0x3FD2] =	sst s25  }
0xa6: {  	s4 =	sshll.u32 s26, $0x1;
	_ =	strace $0x80000046;
	[dreg:$0x1] =	wrdreg $0xFFFFFFFF  }
0xa7: {  	s28 =	simm.s32 $_size_execute0_lowered;
	s2 =	sadd.s32 s2, s4;
	[dreg:$0x0] =	wrdreg $0x0  }
0xa8: {  	s4 =	sshll.u32 s28, $0x1;
	[dreg:$0x2] =	wrdreg s2  }
0xa9: {  	[dreg:$0x3] =	wrdreg s4  }
0xaa: {  	[dreg:$0x4] =	wrdreg $0xC0  }
0xab: {  	_ =	task [dreg:s6], $0x5FFFF  }
0xac: {  	[dreg:$0x1] =	wrdreg $0xFFFFFFFF  }
0xad: {  	[dreg:$0x0] =	wrdreg $0x60  }
0xae: {  	[dreg:$0x2] =	wrdreg s24  }
0xaf: {  	[dreg:$0x3] =	wrdreg $0xBC000  }
0xb0: {  	[dreg:$0x4] =	wrdreg $0x9  }
0xb1: {  	_ =	task.clear_ibuf [dreg:s6], $0x5FFFF;
	_ =	strace $0x90000046  }
0xb2: {  	s29 =	simm.s32 $0x9;
	_ =	strace $0x80000048  }
0xb3: {  	_ =	swait.ge [sflag:s29], $0x1  }
0xb4: {  	[sflag:s29] =	ssyncadd.s32 $0xFFFFFFFF  }
0xb5: {  	_ =	strace $0x90000048  }
0xb6: {  	_ =	sfence  }
0xb7: {  	s30 =	sld [smem:$0x0];
	_ =	sdelay $0x2  }
0xb8: {  	s31 =	sshll.u32 s1, $0xD;
	s1 =	sshrl.u32 s1, $0x2  }
0xb9: {  	s3 =	sand.u32 $0x4000, s31;
	s1 =	sadd.s32 s1, s30  }
0xba: {  	s0 =	sor.u32 s3, s0;
	s1 =	sshll.u32 s1, $0x11  }
0xbb: {  	s0 =	sor.u32 s1, s0  }
0xbc: {  	s0 =	sadd.s32 $0x8F2B, s0  }
0xbd: {  	[sflag:s0] =	ssyncadd.remote.s32 $0x1  }
0xbe: {  	_ =	sfence.sel $0xFFFF  }
0xbf: {  	[dreg:$0x0] =	wrdreg $0xFFFFFFFF;
	(pc) =	sbr.abs _section_cstart, $3  }
0xc0: {  	[dreg:$0x1] =	wrdreg $0xFFFFFFFF  }
0xc1: {  	_ =	task.clear_ibuf [dreg:s6], $0x2FFFF;
	_ =	strace $0x9FFFFFFF  }
0xc2: {  	(tm) =	ssettm $0x7FFFFFFF  }
0xc3: {  	_ =	shalt  }
tec
execute0_lowered:
.L_overlay_start_1:
0x0: {  	(tag) =	ssettag $0x1  }
0x1: {  	s5 =	rddreg [dreg:$0x0]  }
0x2: {  	s2 =	rddreg [dreg:$0x1]  }
0x3: {  	s1 =	srdreg.scid;
	s0 =	rddreg [dreg:$0x2]  }
0x4: {  	s3 =	simm.s32 $0x0;
	s12 =	simm.s32 $0xB800;
	s13 =	simm.s32 $0x7800  }
0x5: {  	s14 =	simm.s32 $0x2;
	s15 =	simm.s32 $0xB880;
	s16 =	simm.s32 $0xB900  }
0x6: {  	s17 =	simm.s32 $0xB980;
	s18 =	simm.s32 $0xBA00;
	s19 =	simm.s32 $0x2800  }
0x7: {  	s20 =	simm.s32 $0x5000;
	s6 =	sand.u32 $0x1, s1;
	s1 =	stileid.u32  }
0x8: {  	s21 =	simm.s32 $0x1;
	[smem:$0x7FF] =	sst s3;
	s7 =	smul.u32 $0x140000, s6  }
0x9: {  	s4 =	sshll.u32 s6, $0x4;
	s8 =	smul.u32 $0x14000, s1;
	_ =	strace $0x80000047  }
0xa: {  	s6 =	ssub.s32 $0x2, s6;
	s10 =	smul.u32 $0x50000, s1;
	s4 =	sor.u32 s1, s4  }
0xb: {  	s31 =	sshrl.u32 s6, $0x1;
	s9 =	smul.u32 $0x500, s4;
	s4 =	sadd.s32 $0x21400, s5  }
0xc: {  	s7 =	sadd.s32 s8, s7;
	s11 =	ssub.s32 s6, s31;
	s10 =	sshrl.u32 s10, $0x2  }
0xd: {  	s7 =	sshrl.u32 s7, $0x3;
	s22 =	sadd.s32 s10, s2;
	s10 =	smax.u32 s11, $0x1  }
0xe: {  	s11 =	simm.s32 $0x80;
	s29 =	sadd.s32 s9, s5;
	s30 =	sadd.s32 s7, s5  }
0xf: {  	s5 =	smul.u32 $0x280, s1;
	s22 =	sshrl.u32 s22, $0x3;
	s6 =	sadd.s32 $0x17400, s29  }
0x10: {  	v0 =	vimm.f32 $0.0e+00;
	v1 =	vlaneseq.u32;
	s7 =	sadd.s32 $0xD400, s29;
	s8 =	sadd.s32 $0x3400, s29;
	s9 =	sadd.s32 $0x48600, s30  }
.LBB2_1:
0x11: {  	s23 =	simm.s32 $0x0;
	s24 =	simm.s32 $0x200  }
.LBB2_2:
0x12: {  	p0 =	sne.s32 s24, $0xFE00;
	[tilespmem:s23+$0x7870] =	vst v0  }
0x13: {  	[tilespmem:s23+$0x7800] =	vst v0  }
0x14: {  	[tilespmem:s23+$0x7810] =	vst v0  }
.Ltmp0:
0x15: {  	[tilespmem:s23+$0x7820] =	vst v0;
	(pc) =	sbr.rel @p0 .LBB2_2-.Ltmp0, $4  }
0x16: {  	[tilespmem:s23+$0x7830] =	vst v0  }
0x17: {  	[tilespmem:s23+$0x7840] =	vst v0  }
0x18: {  	[tilespmem:s23+$0x7850] =	vst v0  }
0x19: {  	[tilespmem:s23+$0x7860] =	vst v0;
	s23 =	sshra.s32 s24, $0x2;
	s24 =	sadd.s32 $0x200, s24  }
0x1a: {  	[tilespmem:s23+$0x7870] =	vst v0  }
0x1b: {  	[tilespmem:s23+$0x7800] =	vst v0  }
0x1c: {  	[tilespmem:s23+$0x7810] =	vst v0  }
0x1d: {  	[tilespmem:s23+$0x7820] =	vst v0  }
0x1e: {  	[tilespmem:s23+$0x7830] =	vst v0  }
0x1f: {  	[tilespmem:s23+$0x7840] =	vst v0;
	s24 =	sadd.s32 $0x0, s5  }
0x20: {  	[tilespmem:s23+$0x7850] =	vst v0;
	s25 =	sadd.s32 $0x70, s24  }
0x21: {  	[tilespmem:s23+$0x7860] =	vst v0;
	s23 =	simm.s32 $0xB840;
	s26 =	sadd.s32 $0x10, s24;
	v2 =	vor.u32 s25, v1  }
0x22: {  	s30 =	sadd.s32 $0x50, s24;
	v3 =	vor.u32 s26, v1;
	[tilespmem:s23+$0x30] =	vst v2  }
0x23: {  	s26 =	sadd.s32 $0x20, s24;
	v4 =	vor.u32 s30, v1;
	[tilespmem:s23+$0xFFFFFFD0] =	vst v3  }
0x24: {  	s28 =	sadd.s32 $0x30, s24;
	v2 =	vor.u32 s26, v1;
	[tilespmem:s23+$0x10] =	vst v4  }
0x25: {  	s29 =	sadd.s32 $0x40, s24;
	v3 =	vor.u32 s28, v1;
	[tilespmem:s23+$0xFFFFFFE0] =	vst v2  }
0x26: {  	s31 =	sadd.s32 $0x60, s24;
	v2 =	vor.u32 s29, v1;
	[tilespmem:s23+$0xFFFFFFF0] =	vst v3  }
0x27: {  	s25 =	simm.s32 $0x100;
	v3 =	vor.u32 s31, v1;
	[tilespmem:s23+$0x0] =	vst v2;
	v2 =	vor.u32 s24, v1;
	s24 =	sadd.s32 $0x80, s5  }
.LBB2_4:
0x28: {  	p0 =	sne.s32 s25, $0x200;
	v4 =	vor.u32 s24, v1;
	s26 =	sadd.s32 $0x10, s24;
	s28 =	sadd.s32 $0x70, s24;
	[tilespmem:s23+$0x20] =	vst v3  }
0x29: {  	s29 =	sadd.s32 $0x30, s24;
	v3 =	vor.u32 s26, v1;
	s26 =	sadd.s32 $0x20, s24;
	v5 =	vor.u32 s28, v1;
	[tilespmem:s23+$0xFFFFFFC0] =	vst v2;
	s23 =	sadd.s32 $0x80, s23;
	v2 =	vmov v4  }
0x2a: {  	v6 =	vor.u32 s29, v1;
	s28 =	sadd.s32 $0x50, s24;
	v4 =	vor.u32 s26, v1;
	s26 =	sadd.s32 $0x40, s24;
	s24 =	sadd.s32 $0x60, s24;
	[tilespmem:s23+$0x30] =	vst v5  }
.Ltmp1:
0x2b: {  	v7 =	vor.u32 s28, v1;
	[tilespmem:s23+$0xFFFFFFD0] =	vst v3;
	v5 =	vor.u32 s26, v1;
	v3 =	vor.u32 s24, v1;
	(pc) =	sbr.rel @p0 .LBB2_4-.Ltmp1, $4  }
0x2c: {  	[tilespmem:s23+$0xFFFFFFE0] =	vst v4  }
0x2d: {  	[tilespmem:s23+$0xFFFFFFF0] =	vst v6  }
0x2e: {  	[tilespmem:s23+$0x0] =	vst v5  }
0x2f: {  	s24 =	sadd.s32 s25, s5;
	s25 =	sadd.s32 $0x80, s25;
	[tilespmem:s23+$0x10] =	vst v7  }
0x30: {  	s25 =	sadd.s32 $0x70, s24;
	[tilespmem:s23+$0x20] =	vst v3  }
0x31: {  	s26 =	sadd.s32 $0x10, s24;
	[tilespmem:s23+$0xFFFFFFC0] =	vst v2;
	s23 =	sadd.s32 $0x80, s23;
	v3 =	vor.u32 s25, v1  }
0x32: {  	v2 =	vor.u32 s26, v1;
	s26 =	sadd.s32 $0x20, s24;
	[tilespmem:s23+$0x30] =	vst v3  }
0x33: {  	s28 =	sadd.s32 $0x30, s24;
	v3 =	vor.u32 s26, v1;
	[tilespmem:s23+$0xFFFFFFD0] =	vst v2  }
0x34: {  	s29 =	sadd.s32 $0x40, s24;
	v2 =	vor.u32 s28, v1;
	[tilespmem:s23+$0xFFFFFFE0] =	vst v3  }
0x35: {  	s30 =	sadd.s32 $0x50, s24;
	v3 =	vor.u32 s29, v1;
	[tilespmem:s23+$0xFFFFFFF0] =	vst v2  }
0x36: {  	s31 =	sadd.s32 $0x60, s24;
	v2 =	vor.u32 s30, v1;
	[tilespmem:s23+$0x0] =	vst v3  }
0x37: {  	v3 =	vor.u32 s31, v1;
	[tilespmem:s23+$0x10] =	vst v2  }
0x38: {  	v2 =	vor.u32 s24, v1;
	[tilespmem:s23+$0x20] =	vst v3  }
0x39: {  	[tilespmem:s23+$0xFFFFFFC0] =	vst v2  }
0x3a: {  	[spmem:s2] =	stream.indirect.scatter [tilespmem:s13], [sflag:$0x2], $0x80, s12, s11, $0xb8;
	[tilespmem:$0x1FC00] =	vst v63  }
0x3b: {  	_ =	swait.ge [sflag:s14], $0x4000  }
0x3c: {  	[sflag:s14] =	ssyncset.done $0x0  }
0x3d: {  	[sflag:s14] =	ssyncadd.s32 $0xFFFFC000  }
0x3e: {  	[spmem:s2] =	stream.indirect.scatter [tilespmem:s13], [sflag:$0x2], $0x80, s15, s11, $0xb8;
	[tilespmem:$0x1FC00] =	vst v63  }
0x3f: {  	_ =	swait.ge [sflag:s14], $0x4000  }
0x40: {  	[sflag:s14] =	ssyncset.done $0x0  }
0x41: {  	[sflag:s14] =	ssyncadd.s32 $0xFFFFC000  }
0x42: {  	[spmem:s2] =	stream.indirect.scatter [tilespmem:s13], [sflag:$0x2], $0x80, s16, s11, $0xb8;
	[tilespmem:$0x1FC00] =	vst v63  }
0x43: {  	_ =	swait.ge [sflag:s14], $0x4000  }
0x44: {  	[sflag:s14] =	ssyncset.done $0x0  }
0x45: {  	[sflag:s14] =	ssyncadd.s32 $0xFFFFC000  }
0x46: {  	[spmem:s2] =	stream.indirect.scatter [tilespmem:s13], [sflag:$0x2], $0x80, s17, s11, $0xb8;
	[tilespmem:$0x1FC00] =	vst v63  }
0x47: {  	_ =	swait.ge [sflag:s14], $0x4000  }
0x48: {  	[sflag:s14] =	ssyncset.done $0x0  }
0x49: {  	[sflag:s14] =	ssyncadd.s32 $0xFFFFC000  }
0x4a: {  	[spmem:s2] =	stream.indirect.scatter [tilespmem:s13], [sflag:$0x2], $0x80, s18, s11, $0xb8;
	[tilespmem:$0x1FC00] =	vst v63  }
0x4b: {  	_ =	swait.ge [sflag:s14], $0x4000  }
0x4c: {  	[sflag:s14] =	ssyncset.done $0x0  }
0x4d: {  	s23 =	simm.s32 $0x0;
	[sflag:s14] =	ssyncadd.s32 $0xFFFFC000  }
0x4e: {  	[tilespmem:s23], [sflag:$0x2] =	stream.linear.gather [hbm4b:s6+s23], $0x2800, $0x38;
	[tilespmem:$0x1FC00] =	vst v63  }
0x4f: {  	_ =	swait.ge [sflag:s14], $0x2800  }
0x50: {  	[sflag:s14] =	ssyncset.done $0x0  }
0x51: {  	[sflag:s14] =	ssyncadd.s32 $0xFFFFD800  }
0x52: {  	[tilespmem:s19], [sflag:$0x2] =	stream.linear.gather [hbm4b:s7+s23], $0x2800, $0x38;
	[tilespmem:$0x1FC00] =	vst v63  }
0x53: {  	_ =	swait.ge [sflag:s14], $0x2800  }
0x54: {  	[sflag:s14] =	ssyncset.done $0x0  }
0x55: {  	[sflag:s14] =	ssyncadd.s32 $0xFFFFD800  }
0x56: {  	[tilespmem:s20], [sflag:$0x2] =	stream.linear.gather [hbm4b:s8+s23], $0x2800, $0x38;
	[tilespmem:$0x1FC00] =	vst v63  }
0x57: {  	_ =	swait.ge [sflag:s14], $0x2800  }
0x58: {  	[sflag:s14] =	ssyncset.done $0x0  }
0x59: {  	[sflag:s14] =	ssyncadd.s32 $0xFFFFD800  }
0x5a: {  	s24 =	simm.s32 $0x0;
	[bflag:$0x0] =	sbarrier.arrive $0xFFFF  }
.LBB2_6:
0x5b: {  	s25 =	sshll.u32 s24, $0x7  }
0x5c: {  	v3 =	vmov s23;
	[tilespmem:s13], [sflag:$0x1] =	stream.indirect.gather [hbm4b:s4+s11], $0x80, s25, s11, $0xb8;
	[tilespmem:$0x1FC00] =	vst v63  }
0x5d: {  	v2 =	vmov s25;
	v3 =	vand.u32 $0x7E, v3;
	_ =	swait.ge [sflag:s21], $0x4000  }
0x5e: {  	v3 =	vor.u32 v2, v3;
	[sflag:s21] =	ssyncset.done $0x0  }
0x5f: {  	s26 =	simm.s32 $0x7880;
	v3 =	vbroadcast v3, $0x0;
	[sflag:s21] =	ssyncadd.s32 $0xFFFFC000  }
0x60: {  	v8 =	vld [tilespmem:s26+$0x70]  }
0x61: {  	v5 =	vld [tilespmem:s26+$0xFFFFFFD0]  }
0x62: {  	s28 =	simm.s32 $0x1;
	v6 =	vld [tilespmem:s26+$0xFFFFFFF0]  }
0x63: {  	v4 =	vmov s28;
	v7 =	vld [tilespmem:s26+$0xFFFFFFB0]  }
0x64: {  	v4 =	vand.u32 $0x7F, v4;
	v10 =	vld [tilespmem:s26+$0xFFFFFFA0]  }
0x65: {  	v9 =	vld.idx.msk [tilespmem:v3+s20+$0x0], $0xffff;
	v3 =	vor.u32 v2, v4  }
0x66: {  	v4 =	vld [tilespmem:s26+$0xFFFFFF80];
	v3 =	vbroadcast v3, $0x0  }
0x67: {  	v11 =	vld [tilespmem:s26+$0xFFFFFF90]  }
0x68: {  	v12 =	vld [tilespmem:s26+$0xFFFFFFC0]  }
0x69: {  	v13 =	vld [tilespmem:s26+$0xFFFFFFE0]  }
0x6a: {  	v14 =	vld [tilespmem:s26+$0x50]  }
0x6b: {  	v15 =	vmul.f32 v4, v9;
	v16 =	vmul.f32 v6, v9;
	v6 =	vld [tilespmem:s26+$0x10]  }
0x6c: {  	v5 =	vmul.f32 v5, v9;
	v4 =	vld.idx.msk [tilespmem:v3+s20+$0x0], $0xffff  }
0x6d: {  	v7 =	vmul.f32 v7, v9;
	v3 =	vmul.f32 v10, v9;
	v10 =	vld [tilespmem:s26+$0x0];
	[tilespmem:s26+$0xFFFFFF80] =	vst v15  }
0x6e: {  	v15 =	vld [tilespmem:s26+$0x20];
	[tilespmem:s26+$0xFFFFFFD0] =	vst v5  }
0x6f: {  	v12 =	vmul.f32 v12, v9;
	[tilespmem:s26+$0xFFFFFFB0] =	vst v7;
	v7 =	vld [tilespmem:s26+$0x60]  }
0x70: {  	v5 =	vmul.f32 v11, v9;
	v11 =	vmul.f32 v13, v9;
	[tilespmem:s26+$0xFFFFFFF0] =	vst v16;
	v9 =	vld [tilespmem:s26+$0x40]  }
0x71: {  	[tilespmem:s26+$0xFFFFFFA0] =	vst v3;
	v3 =	vld [tilespmem:s26+$0x30]  }
0x72: {  	[tilespmem:s26+$0xFFFFFFC0] =	vst v12;
	v10 =	vmul.f32 v10, v4;
	v12 =	vmul.f32 v8, v4  }
0x73: {  	s29 =	simm.s32 $0x7880;
	s28 =	simm.s32 $0x2;
	[tilespmem:s26+$0xFFFFFFE0] =	vst v11;
	v8 =	vmul.f32 v15, v4;
	v11 =	vmul.f32 v14, v4  }
.LBB2_7:
0x74: {  	p0 =	sne.s32 s28, $0x7E  }
0x75: {  	v13 =	vmov s28;
	[tilespmem:s26+$0xFFFFFF90] =	vst v5;
	v5 =	vmul.f32 v6, v4;
	v6 =	vmul.f32 v7, v4;
	s29 =	sadd.s32 $0x100, s29;
	s30 =	smov.u32 s28;
	s28 =	sadd.s32 $0x2, s28  }
0x76: {  	v3 =	vmul.f32 v3, v4;
	v7 =	vand.u32 $0x7E, v13;
	v4 =	vmul.f32 v9, v4;
	[tilespmem:s26+$0x70] =	vst v12  }
0x77: {  	v7 =	vor.u32 v2, v7;
	[tilespmem:s26+$0x0] =	vst v10  }
0x78: {  	v7 =	vbroadcast v7, $0x0;
	v12 =	vld [tilespmem:s29+$0x70];
	[tilespmem:s26+$0x50] =	vst v11  }
0x79: {  	v9 =	vld [tilespmem:s29+$0xFFFFFFD0];
	[tilespmem:s26+$0x20] =	vst v8  }
0x7a: {  	v8 =	vld [tilespmem:s29+$0xFFFFFFF0];
	[tilespmem:s26+$0x30] =	vst v3  }
0x7b: {  	s30 =	sadd.s32 $0x1, s30;
	v3 =	vld [tilespmem:s29+$0x30];
	[tilespmem:s26+$0x40] =	vst v4  }
0x7c: {  	v4 =	vmov s30;
	v10 =	vld [tilespmem:s29+$0xFFFFFFB0];
	[tilespmem:s26+$0x60] =	vst v6  }
0x7d: {  	v4 =	vand.u32 $0x7F, v4;
	v6 =	vld [tilespmem:s29+$0xFFFFFF90];
	[tilespmem:s26+$0x10] =	vst v5;
	s26 =	smov.u32 s29  }
0x7e: {  	v4 =	vor.u32 v2, v4;
	v7 =	vld.idx.msk [tilespmem:v7+s20+$0x0], $0xffff  }
0x7f: {  	v4 =	vbroadcast v4, $0x0;
	v5 =	vld [tilespmem:s29+$0xFFFFFF80]  }
0x80: {  	v11 =	vld [tilespmem:s29+$0xFFFFFFA0]  }
0x81: {  	v13 =	vld [tilespmem:s29+$0xFFFFFFC0]  }
0x82: {  	v14 =	vld [tilespmem:s29+$0xFFFFFFE0]  }
0x83: {  	v15 =	vld [tilespmem:s29+$0x50]  }
0x84: {  	v16 =	vmul.f32 v5, v7;
	v5 =	vmul.f32 v6, v7;
	v17 =	vld [tilespmem:s29+$0x0]  }
0x85: {  	v10 =	vmul.f32 v10, v7;
	v4 =	vld.idx.msk [tilespmem:v4+s20+$0x0], $0xffff;
	v6 =	vmul.f32 v11, v7  }
0x86: {  	v9 =	vmul.f32 v9, v7;
	[tilespmem:s29+$0xFFFFFF80] =	vst v16;
	v11 =	vmul.f32 v13, v7;
	v13 =	vld [tilespmem:s29+$0x20]  }
0x87: {  	v8 =	vmul.f32 v8, v7;
	[tilespmem:s29+$0xFFFFFFA0] =	vst v6;
	v14 =	vmul.f32 v14, v7;
	v7 =	vld [tilespmem:s29+$0x60]  }
.Ltmp2:
0x88: {  	[tilespmem:s29+$0xFFFFFFD0] =	vst v9;
	v6 =	vld [tilespmem:s29+$0x10];
	(pc) =	sbr.rel @p0 .LBB2_7-.Ltmp2, $4  }
0x89: {  	[tilespmem:s29+$0xFFFFFFB0] =	vst v10;
	v9 =	vld [tilespmem:s29+$0x40]  }
0x8a: {  	[tilespmem:s29+$0xFFFFFFF0] =	vst v8  }
0x8b: {  	v10 =	vmul.f32 v17, v4;
	v12 =	vmul.f32 v12, v4;
	[tilespmem:s29+$0xFFFFFFC0] =	vst v11  }
0x8c: {  	v8 =	vmul.f32 v13, v4;
	v11 =	vmul.f32 v15, v4;
	[tilespmem:s29+$0xFFFFFFE0] =	vst v14  }
0x8d: {  	[tilespmem:s26+$0xFFFFFF90] =	vst v5  }
0x8e: {  	[tilespmem:s26+$0x70] =	vst v12  }
0x8f: {  	[tilespmem:s26+$0x0] =	vst v10  }
0x90: {  	v2 =	vmul.f32 v3, v4;
	[tilespmem:s26+$0x50] =	vst v11  }
0x91: {  	v63 =	vmul.f32 v7, v4;
	[tilespmem:s26+$0x20] =	vst v8  }
0x92: {  	v3 =	vmul.f32 v9, v4;
	[tilespmem:s26+$0x30] =	vst v2  }
0x93: {  	s24 =	sadd.s32 $0x1, s24;
	v2 =	vmul.f32 v6, v4;
	[tilespmem:s26+$0x60] =	vst v63  }
0x94: {  	p0 =	sne.s32 s24, $0x50;
	[tilespmem:s26+$0x40] =	vst v3  }
.Ltmp3:
0x95: {  	s25 =	sadd.s32 $0x2800, s25;
	[tilespmem:s26+$0x10] =	vst v2;
	(pc) =	sbr.rel @p0 .LBB2_6-.Ltmp3, $4  }
0x96: {  	[spmem:s2] =	stream.indirect.scatter.add.f32 [tilespmem:s13], [sflag:$0x2], $0x80, s25, s11, $0xb8;
	[tilespmem:$0x1FC00] =	vst v63  }
0x97: {  	_ =	swait.ge [sflag:s14], $0x4000  }
0x98: {  	[sflag:s14] =	ssyncset.done $0x0  }
0x99: {  	[sflag:s14] =	ssyncadd.s32 $0xFFFFC000  }
0x9a: {  	s3 =	sadd.s32 $0x1, s3  }
0x9b: {  	s23 =	sshll.u32 s1, $0x6;
	p0 =	sne.s32 s3, s10  }
.Ltmp4:
0x9c: {  	[bflag:$0x0] =	sbarrier.arrive $0xFFFF;
	s23 =	sor.u32 $0x1C02, s23;
	(pc) =	sbr.rel @p0 .LBB2_1-.Ltmp4, $4  }
0x9d: {  	[hbm:s9], [sflag:s23] =	dma.local [spmem:s22], $0x2800  }
0x9e: {  	_ =	swait.ge [sflag:s14], $0x2800  }
0x9f: {  	[sflag:s14] =	ssyncset.done $0x0  }
0xa0: {  	[sflag:s14] =	ssyncadd.s32 $0xFFFFD800  }
0xa1: {  	_ =	sfence.sel $0x180000  }
0xa2: {  	[bflag:$0x0] =	sbarrier.arrive $0xFFFF  }
0xa3: {  	p0 =	sne.s32 s1, $0x0;
	_ =	strace $0x90000047  }
0xa4: {  	s0 =	sadd.s32 @!p0 $0x100000, s0;
	[bflag:$0x2] =	sbarrier.arrive $0xFFFF  }
0xa5: {  	[sflag:s0] =	ssyncadd.tile.s32 @!p0 $0x1;
	_ =	shalt  }
.Lfunc_end2:
_tile_overlayer_lowered:
.L_overlay_start_2:
0xa6: {  	(tag) =	ssettag $0x2  }
0xa7: {  	s0 =	rddreg [dreg:$0x0];
	s2 =	stileid.u32  }
0xa8: {  	s1 =	rddreg [dreg:$0x1];
	p0 =	sne.s32 s2, $0x0  }
0xa9: {  	s3 =	rddreg [dreg:$0x2];
	[bflag:$0x3] =	sbarrier.arrive $0xFFFF;
	s2 =	simm.s32 @!p0 $0x1C02  }
0xaa: {  	[timem:s3], [sflag:s2] =	dma.local @!p0 [hbm:s0], s1  }
0xab: {  	s0 =	simm.s32 @!p0 $0x2  }
0xac: {  	_ =	swait.ge @!p0 [sflag:s0], s1  }
0xad: {  	s1 =	ssub.s32 @!p0 $0x0, s1;
	[sflag:s0] =	ssyncset.done @!p0 $0x0  }
0xae: {  	[sflag:s0] =	ssyncadd.s32 @!p0 s1  }
0xaf: {  	[bflag:$0x3] =	sbarrier.arrive $0xFFFF  }
0xb0: {  	_ =	shalt  }

// kernel: kernel.14.cloned.1.call-start
scs
__scs_entry_jumppad:
0x0: {  	(pc) =	sbr.rel $0x88, $3  }
0x1: {  	(tag) =	ssettag $0x0;
	lr =	simm.s32 $0x1  }
0x2: {  	[smem:$0x3F90] =	sst lr;
	_ =	strace $0xD0000000  }
0x3: {  	_ = 	snop  }
0x4: {  	_ = 	snop  }
0x5: {  	_ = 	snop  }
0x6: {  	_ = 	snop  }
0x7: {  	_ = 	snop  }
__scs_overlays_trampoline_lowered:
0x8: {  	[smem:$0x3F9F] =	sst s0  }
0x9: {  	[smem:$0x3FA0] =	sst s1  }
0xa: {  	[smem:$0x3FA1] =	sst s2  }
0xb: {  	[smem:$0x3FA2] =	sst s3  }
0xc: {  	[smem:$0x3FA3] =	sst s4  }
0xd: {  	[smem:$0x3FA4] =	sst s5  }
0xe: {  	[smem:$0x3FA5] =	sst s6  }
0xf: {  	[smem:$0x3FA6] =	sst s7  }
0x10: {  	[smem:$0x3FA7] =	sst s8  }
0x11: {  	[smem:$0x3FA8] =	sst s9;
	s0 =	simm.s32 @!p0 $0x0  }
0x12: {  	s1 =	sld [smem:$0x3F8E];
	s0 =	simm.s32 @p0 $0x1  }
0x13: {  	[smem:$0x3FA9] =	sst s0;
	s0 =	simm.s32 @!p1 $0x0  }
0x14: {  	s2 =	sld [smem:$0x3F8D];
	s0 =	simm.s32 @p1 $0x1  }
0x15: {  	[smem:$0x3FAA] =	sst s0;
	s0 =	simm.s32 @!p2 $0x0  }
0x16: {  	s3 =	sld [smem:$0x3FDB];
	s0 =	simm.s32 @p2 $0x1  }
0x17: {  	s4 =	simm.s32 $0x1BF5;
	[smem:$0x3FAC] =	sst s0  }
0x18: {  	s0 =	sld [smem:$0x3F8F];
	_ =	swait.ge [sflag:s4], $0x0  }
0x19: {  	s7 =	sld [smem:$0x3F90]  }
0x1a: {  	s8 =	sadd.s32 $0xFFFFE003, lr  }
0x1b: {  	s9 =	sadd.s32 $0xFFFFFEF7, lr;
	s5 =	simm.s32 $0xFFFFFFFF;
	p2 =	slt.u32 s8, $0xFFFFF086  }
0x1c: {  	p1 =	slt.u32 s9, $0xF7A;
	s5 =	simm.s32 @!p2 $0x0  }
0x1d: {  	s5 =	simm.s32 @p1 $0x1;
	p0 =	seq.s32 s7, s2  }
0x1e: {  	s7 =	smul.u32 @!p0 $0xF7A, s2;
	p2 =	seq.s32 @!p0 s5, $0x0  }
0x1f: {  	s9 =	smul.u32 $0xF7A, s1;
	s8 =	simm.s32 @!p0 $0x1BF5;
	p2 =	por !p2, p0  }
0x20: {  	[sflag:s8] =	ssyncset.s32 @!p0 $0xFFFFF086;
	s6 =	sadd.s32 @!p0 s3, s7;
	s7 =	simm.s32 @!p0 $0x108  }
0x21: {  	s3 =	sadd.s32 s3, s9;
	s6 =	sadd.s32 @!p0 $0x88, s6;
	s7 =	simm.s32 @p2 $0x1082  }
0x22: {  	[simem:s7], [sflag:s8] =	dma.local @!p0 [hbm:s6], $0xF7A  }
0x23: {  	s9 =	sor.u32 $0xD0000000, s2;
	s6 =	simm.s32 $0x108;
	_ =	swait.ge @!p0 [sflag:s8], $0x0  }
0x24: {  	s3 =	sadd.s32 $0x88, s3;
	s6 =	simm.s32 @!p1 $0x1082;
	[sflag:s4] =	ssyncset.s32 $0xFFFFF086  }
0x25: {  	[simem:s6], [sflag:s4] =	dma.local [hbm:s3], $0xF7A  }
0x26: {  	[smem:$0x3F90] =	sst s1;
	(tag) =	ssettag s2;
	_ =	strace s9  }
0x27: {  	s1 =	sld [smem:$0x3FA0]  }
0x28: {  	s2 =	sld [smem:$0x3FA1]  }
0x29: {  	s4 =	sld [smem:$0x3FA3]  }
0x2a: {  	p0 =	seq.s32 s5, $0x0;
	s5 =	sld [smem:$0x3FA4]  }
0x2b: {  	s6 =	sld [smem:$0x3FA5]  }
0x2c: {  	s7 =	sld [smem:$0x3FA6]  }
0x2d: {  	s3 =	simm.s32 $0x108;
	s8 =	sld [smem:$0x3FA7]  }
0x2e: {  	s3 =	simm.s32 @!p0 $0x1082;
	s9 =	sld [smem:$0x3FA8]  }
0x2f: {  	lr =	sadd.s32 s0, s3;
	s0 =	sld [smem:$0x3F9F]  }
0x30: {  	s3 =	sld [smem:$0x3FA2]  }
0x31: {  	[smem:$0x3FAB] =	sst s10  }
0x32: {  	s10 =	sld [smem:$0x3FA9];
	_ =	sdelay $0x3  }
0x33: {  	p0 =	seq.s32 s10, $0x1;
	s10 =	sld [smem:$0x3FAB];
	_ =	sdelay $0x3  }
0x34: {  	[smem:$0x3FAB] =	sst s10  }
0x35: {  	s10 =	sld [smem:$0x3FAA];
	_ =	sdelay $0x3  }
0x36: {  	p1 =	seq.s32 s10, $0x1;
	s10 =	sld [smem:$0x3FAB];
	_ =	sdelay $0x3  }
0x37: {  	[smem:$0x3FAB] =	sst s10  }
0x38: {  	s10 =	sld [smem:$0x3FAC]  }
0x39: {  	_ = 	snop;
	(pc) =	sbr.ind lr, $3  }
0x3a: {  	_ = 	snop  }
0x3b: {  	_ = 	snop  }
0x3c: {  	p2 =	seq.s32 s10, $0x1;
	s10 =	sld [smem:$0x3FAB]  }
0x3d: {  	_ =	shalt  }
0x3e: {  	_ =	shalt  }
0x3f: {  	_ =	shalt  }
0x40: {  	_ =	shalt  }
0x41: {  	_ =	shalt  }
0x42: {  	_ =	shalt  }
0x43: {  	_ =	shalt  }
0x44: {  	_ =	shalt  }
0x45: {  	_ =	shalt  }
0x46: {  	_ =	shalt  }
0x47: {  	_ =	shalt  }
0x48: {  	_ =	shalt  }
0x49: {  	_ =	shalt  }
0x4a: {  	_ =	shalt  }
0x4b: {  	_ =	shalt  }
0x4c: {  	_ =	shalt  }
0x4d: {  	_ =	shalt  }
0x4e: {  	_ =	shalt  }
0x4f: {  	_ =	shalt  }
0x50: {  	_ =	shalt  }
0x51: {  	_ =	shalt  }
0x52: {  	_ =	shalt  }
0x53: {  	_ =	shalt  }
0x54: {  	_ =	shalt  }
0x55: {  	_ =	shalt  }
0x56: {  	_ =	shalt  }
0x57: {  	_ =	shalt  }
0x58: {  	_ =	shalt  }
0x59: {  	_ =	shalt  }
0x5a: {  	_ =	shalt  }
0x5b: {  	_ =	shalt  }
0x5c: {  	_ =	shalt  }
0x5d: {  	_ =	shalt  }
0x5e: {  	_ =	shalt  }
0x5f: {  	_ =	shalt  }
0x60: {  	_ =	shalt  }
0x61: {  	_ =	shalt  }
0x62: {  	_ =	shalt  }
0x63: {  	_ =	shalt  }
0x64: {  	_ =	shalt  }
0x65: {  	_ =	shalt  }
0x66: {  	_ =	shalt  }
0x67: {  	_ =	shalt  }
0x68: {  	_ =	shalt  }
0x69: {  	_ =	shalt  }
0x6a: {  	_ =	shalt  }
0x6b: {  	_ =	shalt  }
0x6c: {  	_ =	shalt  }
0x6d: {  	_ =	shalt  }
0x6e: {  	_ =	shalt  }
0x6f: {  	_ =	shalt  }
0x70: {  	_ =	shalt  }
0x71: {  	_ =	shalt  }
0x72: {  	_ =	shalt  }
0x73: {  	_ =	shalt  }
0x74: {  	_ =	shalt  }
0x75: {  	_ =	shalt  }
0x76: {  	_ =	shalt  }
0x77: {  	_ =	shalt  }
0x78: {  	_ =	shalt  }
0x79: {  	_ =	shalt  }
0x7a: {  	_ =	shalt  }
0x7b: {  	_ =	shalt  }
0x7c: {  	_ =	shalt  }
0x7d: {  	_ =	shalt  }
0x7e: {  	_ =	shalt  }
0x7f: {  	_ =	shalt  }
0x80: {  	_ =	shalt  }
0x81: {  	_ =	shalt  }
0x82: {  	_ =	shalt  }
0x83: {  	_ =	shalt  }
0x84: {  	_ =	shalt  }
0x85: {  	_ =	shalt  }
0x86: {  	_ =	shalt  }
0x87: {  	_ =	shalt  }
.Lfunc_end0:
.L_simem_size_0:
called_computation.1_lowered:
.L_overlay_start_0:
0x88: {  	s2 =	sld [smem:$0x3FD9]  }
0x89: {  	s3 =	sld [smem:$0x3FFE];
	_ =	sdelay $0x1  }
0x8a: {  	s1 =	srdreg.scid  }
0x8b: {  	s0 =	sand.u32 $0x1, s1  }
0x8c: {  	s16 =	sshll.u32 s0, $0xA;
	s2 =	sadd.s32 s3, s2  }
0x8d: {  	s2 =	sadd.s32 s2, s16  }
0x8e: {  	[smem:$0x3FB7] =	sst s2  }
0x8f: {  	_ = 	snop  }
0x90: {  	(tm) =	ssettm $0x1  }
0x91: {  	s17 =	sld [smem:$0x3FFB];
	_ =	sdelay $0x3  }
0x92: {  	_ =	strace s17  }
0x93: {  	s2 =	sld [smem:$0x3FFC];
	_ =	sdelay $0x3  }
0x94: {  	_ =	strace s2  }
0x95: {  	s2 =	sld [smem:$0x3FFD];
	_ =	sdelay $0x3  }
0x96: {  	_ =	strace s2  }
0x97: {  	_ =	strace $0x8FFFFFFF  }
0x98: {  	s18 =	sld [smem:$0x3FDB];
	_ =	sdelay $0x1  }
0x99: {  	s19 =	simm.s32 $_scs_section_size  }
0x9a: {  	s4 =	simm.s32 $_size__tile_overlayer_lowered;
	s5 =	simm.s32 $_tile_overlayer_lowered  }
0x9b: {  	s22 =	simm.s32 $0x1BFF;
	s21 =	sshll.u32 s5, $0x1;
	s2 =	sadd.s32 s19, s18  }
0x9c: {  	s6 =	simm.s32 $0x0;
	s20 =	sshll.u32 s4, $0x1;
	s4 =	sadd.s32 s21, s2  }
0x9d: {  	[timem:s6], [sflag:s22] =	dma.local [hbm:s4], s20  }
0x9e: {  	_ =	swait.ge [sflag:s22], s20  }
0x9f: {  	s3 =	ssub.s32 $0x0, s20;
	[sflag:s22] =	ssyncset.done $0x0  }
0xa0: {  	[sflag:s22] =	ssyncadd.s32 s3;
	_ =	sdelay $0x1  }
0xa1: {  	s23 =	simm.s32 $0x1B8B  }
0xa2: {  	_ =	swait.ge [sflag:s23], $0x1  }
0xa3: {  	[sflag:s23] =	ssyncset.done $0x0  }
0xa4: {  	s25 =	simm.s32 $0x1B8E;
	s24 =	sld [smem:$0x3FFE];
	[sflag:s23] =	ssyncadd.s32 $0xFFFFFFFF  }
0xa5: {  	s26 =	simm.s32 $execute0_lowered;
	[smem:$0x3FD2] =	sst s25  }
0xa6: {  	s4 =	sshll.u32 s26, $0x1;
	_ =	strace $0x80000049;
	[dreg:$0x1] =	wrdreg $0xFFFFFFFF  }
0xa7: {  	s28 =	simm.s32 $_size_execute0_lowered;
	s2 =	sadd.s32 s2, s4;
	[dreg:$0x0] =	wrdreg $0x0  }
0xa8: {  	s4 =	sshll.u32 s28, $0x1;
	[dreg:$0x2] =	wrdreg s2  }
0xa9: {  	[dreg:$0x3] =	wrdreg s4  }
0xaa: {  	[dreg:$0x4] =	wrdreg $0xC0  }
0xab: {  	_ =	task [dreg:s6], $0x5FFFF  }
0xac: {  	[dreg:$0x1] =	wrdreg $0xFFFFFFFF  }
0xad: {  	[dreg:$0x0] =	wrdreg $0x60  }
0xae: {  	[dreg:$0x2] =	wrdreg s24  }
0xaf: {  	[dreg:$0x3] =	wrdreg $0xBC000  }
0xb0: {  	[dreg:$0x4] =	wrdreg $0x9  }
0xb1: {  	_ =	task.clear_ibuf [dreg:s6], $0x5FFFF;
	_ =	strace $0x90000049  }
0xb2: {  	s29 =	simm.s32 $0x9;
	_ =	strace $0x8000004B  }
0xb3: {  	_ =	swait.ge [sflag:s29], $0x1  }
0xb4: {  	[sflag:s29] =	ssyncadd.s32 $0xFFFFFFFF  }
0xb5: {  	_ =	strace $0x9000004B  }
0xb6: {  	_ =	sfence  }
0xb7: {  	s30 =	sld [smem:$0x0];
	_ =	sdelay $0x2  }
0xb8: {  	s31 =	sshll.u32 s1, $0xD;
	s1 =	sshrl.u32 s1, $0x2  }
0xb9: {  	s3 =	sand.u32 $0x4000, s31;
	s1 =	sadd.s32 s1, s30  }
0xba: {  	s0 =	sor.u32 s3, s0;
	s1 =	sshll.u32 s1, $0x11  }
0xbb: {  	s0 =	sor.u32 s1, s0  }
0xbc: {  	s0 =	sadd.s32 $0x8F2B, s0  }
0xbd: {  	[sflag:s0] =	ssyncadd.remote.s32 $0x1  }
0xbe: {  	_ =	sfence.sel $0xFFFF  }
0xbf: {  	[dreg:$0x0] =	wrdreg $0xFFFFFFFF;
	(pc) =	sbr.abs _section_cstart, $3  }
0xc0: {  	[dreg:$0x1] =	wrdreg $0xFFFFFFFF  }
0xc1: {  	_ =	task.clear_ibuf [dreg:s6], $0x2FFFF;
	_ =	strace $0x9FFFFFFF  }
0xc2: {  	(tm) =	ssettm $0x7FFFFFFF  }
0xc3: {  	_ =	shalt  }
tec
execute0_lowered:
.L_overlay_start_1:
0x0: {  	(tag) =	ssettag $0x1  }
0x1: {  	s5 =	rddreg [dreg:$0x0]  }
0x2: {  	s2 =	rddreg [dreg:$0x1]  }
0x3: {  	s1 =	srdreg.scid;
	s0 =	rddreg [dreg:$0x2]  }
0x4: {  	s3 =	simm.s32 $0x0;
	s12 =	simm.s32 $0xB800;
	s13 =	simm.s32 $0x7800  }
0x5: {  	s14 =	simm.s32 $0x2;
	s15 =	simm.s32 $0xB880;
	s16 =	simm.s32 $0xB900  }
0x6: {  	s17 =	simm.s32 $0xB980;
	s18 =	simm.s32 $0xBA00;
	s19 =	simm.s32 $0x2800  }
0x7: {  	s20 =	simm.s32 $0x5000;
	s6 =	sand.u32 $0x1, s1;
	s1 =	stileid.u32  }
0x8: {  	s21 =	simm.s32 $0x1;
	[smem:$0x7FF] =	sst s3;
	s7 =	smul.u32 $0x140000, s6  }
0x9: {  	s4 =	sshll.u32 s6, $0x4;
	s8 =	smul.u32 $0x14000, s1;
	_ =	strace $0x8000004A  }
0xa: {  	s6 =	ssub.s32 $0x2, s6;
	s10 =	smul.u32 $0x50000, s1;
	s4 =	sor.u32 s1, s4  }
0xb: {  	s31 =	sshrl.u32 s6, $0x1;
	s9 =	smul.u32 $0x500, s4;
	s4 =	sadd.s32 $0x21400, s5  }
0xc: {  	s7 =	sadd.s32 s8, s7;
	s11 =	ssub.s32 s6, s31;
	s10 =	sshrl.u32 s10, $0x2  }
0xd: {  	s7 =	sshrl.u32 s7, $0x3;
	s22 =	sadd.s32 s10, s2;
	s10 =	smax.u32 s11, $0x1  }
0xe: {  	s11 =	simm.s32 $0x80;
	s29 =	sadd.s32 s9, s5;
	s30 =	sadd.s32 s7, s5  }
0xf: {  	s5 =	smul.u32 $0x280, s1;
	s22 =	sshrl.u32 s22, $0x3;
	s6 =	sadd.s32 $0x17400, s29  }
0x10: {  	v0 =	vimm.f32 $0.0e+00;
	v1 =	vlaneseq.u32;
	s7 =	sadd.s32 $0xD400, s29;
	s8 =	sadd.s32 $0x3400, s29;
	s9 =	sadd.s32 $0x48600, s30  }
.LBB2_1:
0x11: {  	s23 =	simm.s32 $0x0;
	s24 =	simm.s32 $0x200  }
.LBB2_2:
0x12: {  	p0 =	sne.s32 s24, $0xFE00;
	[tilespmem:s23+$0x7870] =	vst v0  }
0x13: {  	[tilespmem:s23+$0x7800] =	vst v0  }
0x14: {  	[tilespmem:s23+$0x7810] =	vst v0  }
.Ltmp0:
0x15: {  	[tilespmem:s23+$0x7820] =	vst v0;
	(pc) =	sbr.rel @p0 .LBB2_2-.Ltmp0, $4  }
0x16: {  	[tilespmem:s23+$0x7830] =	vst v0  }
0x17: {  	[tilespmem:s23+$0x7840] =	vst v0  }
0x18: {  	[tilespmem:s23+$0x7850] =	vst v0  }
0x19: {  	[tilespmem:s23+$0x7860] =	vst v0;
	s23 =	sshra.s32 s24, $0x2;
	s24 =	sadd.s32 $0x200, s24  }
0x1a: {  	[tilespmem:s23+$0x7870] =	vst v0  }
0x1b: {  	[tilespmem:s23+$0x7800] =	vst v0  }
0x1c: {  	[tilespmem:s23+$0x7810] =	vst v0  }
0x1d: {  	[tilespmem:s23+$0x7820] =	vst v0  }
0x1e: {  	[tilespmem:s23+$0x7830] =	vst v0  }
0x1f: {  	[tilespmem:s23+$0x7840] =	vst v0;
	s24 =	sadd.s32 $0x0, s5  }
0x20: {  	[tilespmem:s23+$0x7850] =	vst v0;
	s25 =	sadd.s32 $0x70, s24  }
0x21: {  	[tilespmem:s23+$0x7860] =	vst v0;
	s23 =	simm.s32 $0xB840;
	s26 =	sadd.s32 $0x10, s24;
	v2 =	vor.u32 s25, v1  }
0x22: {  	s30 =	sadd.s32 $0x50, s24;
	v3 =	vor.u32 s26, v1;
	[tilespmem:s23+$0x30] =	vst v2  }
0x23: {  	s26 =	sadd.s32 $0x20, s24;
	v4 =	vor.u32 s30, v1;
	[tilespmem:s23+$0xFFFFFFD0] =	vst v3  }
0x24: {  	s28 =	sadd.s32 $0x30, s24;
	v2 =	vor.u32 s26, v1;
	[tilespmem:s23+$0x10] =	vst v4  }
0x25: {  	s29 =	sadd.s32 $0x40, s24;
	v3 =	vor.u32 s28, v1;
	[tilespmem:s23+$0xFFFFFFE0] =	vst v2  }
0x26: {  	s31 =	sadd.s32 $0x60, s24;
	v2 =	vor.u32 s29, v1;
	[tilespmem:s23+$0xFFFFFFF0] =	vst v3  }
0x27: {  	s25 =	simm.s32 $0x100;
	v3 =	vor.u32 s31, v1;
	[tilespmem:s23+$0x0] =	vst v2;
	v2 =	vor.u32 s24, v1;
	s24 =	sadd.s32 $0x80, s5  }
.LBB2_4:
0x28: {  	p0 =	sne.s32 s25, $0x200;
	v4 =	vor.u32 s24, v1;
	s26 =	sadd.s32 $0x10, s24;
	s28 =	sadd.s32 $0x70, s24;
	[tilespmem:s23+$0x20] =	vst v3  }
0x29: {  	s29 =	sadd.s32 $0x30, s24;
	v3 =	vor.u32 s26, v1;
	s26 =	sadd.s32 $0x20, s24;
	v5 =	vor.u32 s28, v1;
	[tilespmem:s23+$0xFFFFFFC0] =	vst v2;
	s23 =	sadd.s32 $0x80, s23;
	v2 =	vmov v4  }
0x2a: {  	v6 =	vor.u32 s29, v1;
	s28 =	sadd.s32 $0x50, s24;
	v4 =	vor.u32 s26, v1;
	s26 =	sadd.s32 $0x40, s24;
	s24 =	sadd.s32 $0x60, s24;
	[tilespmem:s23+$0x30] =	vst v5  }
.Ltmp1:
0x2b: {  	v7 =	vor.u32 s28, v1;
	[tilespmem:s23+$0xFFFFFFD0] =	vst v3;
	v5 =	vor.u32 s26, v1;
	v3 =	vor.u32 s24, v1;
	(pc) =	sbr.rel @p0 .LBB2_4-.Ltmp1, $4  }
0x2c: {  	[tilespmem:s23+$0xFFFFFFE0] =	vst v4  }
0x2d: {  	[tilespmem:s23+$0xFFFFFFF0] =	vst v6  }
0x2e: {  	[tilespmem:s23+$0x0] =	vst v5  }
0x2f: {  	s24 =	sadd.s32 s25, s5;
	s25 =	sadd.s32 $0x80, s25;
	[tilespmem:s23+$0x10] =	vst v7  }
0x30: {  	s25 =	sadd.s32 $0x70, s24;
	[tilespmem:s23+$0x20] =	vst v3  }
0x31: {  	s26 =	sadd.s32 $0x10, s24;
	[tilespmem:s23+$0xFFFFFFC0] =	vst v2;
	s23 =	sadd.s32 $0x80, s23;
	v3 =	vor.u32 s25, v1  }
0x32: {  	v2 =	vor.u32 s26, v1;
	s26 =	sadd.s32 $0x20, s24;
	[tilespmem:s23+$0x30] =	vst v3  }
0x33: {  	s28 =	sadd.s32 $0x30, s24;
	v3 =	vor.u32 s26, v1;
	[tilespmem:s23+$0xFFFFFFD0] =	vst v2  }
0x34: {  	s29 =	sadd.s32 $0x40, s24;
	v2 =	vor.u32 s28, v1;
	[tilespmem:s23+$0xFFFFFFE0] =	vst v3  }
0x35: {  	s30 =	sadd.s32 $0x50, s24;
	v3 =	vor.u32 s29, v1;
	[tilespmem:s23+$0xFFFFFFF0] =	vst v2  }
0x36: {  	s31 =	sadd.s32 $0x60, s24;
	v2 =	vor.u32 s30, v1;
	[tilespmem:s23+$0x0] =	vst v3  }
0x37: {  	v3 =	vor.u32 s31, v1;
	[tilespmem:s23+$0x10] =	vst v2  }
0x38: {  	v2 =	vor.u32 s24, v1;
	[tilespmem:s23+$0x20] =	vst v3  }
0x39: {  	[tilespmem:s23+$0xFFFFFFC0] =	vst v2  }
0x3a: {  	[spmem:s2] =	stream.indirect.scatter [tilespmem:s13], [sflag:$0x2], $0x80, s12, s11, $0xb8;
	[tilespmem:$0x1FC00] =	vst v63  }
0x3b: {  	_ =	swait.ge [sflag:s14], $0x4000  }
0x3c: {  	[sflag:s14] =	ssyncset.done $0x0  }
0x3d: {  	[sflag:s14] =	ssyncadd.s32 $0xFFFFC000  }
0x3e: {  	[spmem:s2] =	stream.indirect.scatter [tilespmem:s13], [sflag:$0x2], $0x80, s15, s11, $0xb8;
	[tilespmem:$0x1FC00] =	vst v63  }
0x3f: {  	_ =	swait.ge [sflag:s14], $0x4000  }
0x40: {  	[sflag:s14] =	ssyncset.done $0x0  }
0x41: {  	[sflag:s14] =	ssyncadd.s32 $0xFFFFC000  }
0x42: {  	[spmem:s2] =	stream.indirect.scatter [tilespmem:s13], [sflag:$0x2], $0x80, s16, s11, $0xb8;
	[tilespmem:$0x1FC00] =	vst v63  }
0x43: {  	_ =	swait.ge [sflag:s14], $0x4000  }
0x44: {  	[sflag:s14] =	ssyncset.done $0x0  }
0x45: {  	[sflag:s14] =	ssyncadd.s32 $0xFFFFC000  }
0x46: {  	[spmem:s2] =	stream.indirect.scatter [tilespmem:s13], [sflag:$0x2], $0x80, s17, s11, $0xb8;
	[tilespmem:$0x1FC00] =	vst v63  }
0x47: {  	_ =	swait.ge [sflag:s14], $0x4000  }
0x48: {  	[sflag:s14] =	ssyncset.done $0x0  }
0x49: {  	[sflag:s14] =	ssyncadd.s32 $0xFFFFC000  }
0x4a: {  	[spmem:s2] =	stream.indirect.scatter [tilespmem:s13], [sflag:$0x2], $0x80, s18, s11, $0xb8;
	[tilespmem:$0x1FC00] =	vst v63  }
0x4b: {  	_ =	swait.ge [sflag:s14], $0x4000  }
0x4c: {  	[sflag:s14] =	ssyncset.done $0x0  }
0x4d: {  	s23 =	simm.s32 $0x0;
	[sflag:s14] =	ssyncadd.s32 $0xFFFFC000  }
0x4e: {  	[tilespmem:s23], [sflag:$0x2] =	stream.linear.gather [hbm4b:s6+s23], $0x2800, $0x38;
	[tilespmem:$0x1FC00] =	vst v63  }
0x4f: {  	_ =	swait.ge [sflag:s14], $0x2800  }
0x50: {  	[sflag:s14] =	ssyncset.done $0x0  }
0x51: {  	[sflag:s14] =	ssyncadd.s32 $0xFFFFD800  }
0x52: {  	[tilespmem:s19], [sflag:$0x2] =	stream.linear.gather [hbm4b:s7+s23], $0x2800, $0x38;
	[tilespmem:$0x1FC00] =	vst v63  }
0x53: {  	_ =	swait.ge [sflag:s14], $0x2800  }
0x54: {  	[sflag:s14] =	ssyncset.done $0x0  }
0x55: {  	[sflag:s14] =	ssyncadd.s32 $0xFFFFD800  }
0x56: {  	[tilespmem:s20], [sflag:$0x2] =	stream.linear.gather [hbm4b:s8+s23], $0x2800, $0x38;
	[tilespmem:$0x1FC00] =	vst v63  }
0x57: {  	_ =	swait.ge [sflag:s14], $0x2800  }
0x58: {  	[sflag:s14] =	ssyncset.done $0x0  }
0x59: {  	[sflag:s14] =	ssyncadd.s32 $0xFFFFD800  }
0x5a: {  	s24 =	simm.s32 $0x0;
	[bflag:$0x0] =	sbarrier.arrive $0xFFFF  }
.LBB2_6:
0x5b: {  	s25 =	sshll.u32 s24, $0x7  }
0x5c: {  	v3 =	vmov s23;
	[tilespmem:s13], [sflag:$0x1] =	stream.indirect.gather [hbm4b:s4+s11], $0x80, s25, s11, $0xb8;
	[tilespmem:$0x1FC00] =	vst v63  }
0x5d: {  	v2 =	vmov s25;
	v3 =	vand.u32 $0x7E, v3;
	_ =	swait.ge [sflag:s21], $0x4000  }
0x5e: {  	v3 =	vor.u32 v2, v3;
	[sflag:s21] =	ssyncset.done $0x0  }
0x5f: {  	s26 =	simm.s32 $0x7880;
	v3 =	vbroadcast v3, $0x0;
	[sflag:s21] =	ssyncadd.s32 $0xFFFFC000  }
0x60: {  	v8 =	vld [tilespmem:s26+$0x70]  }
0x61: {  	v5 =	vld [tilespmem:s26+$0xFFFFFFD0]  }
0x62: {  	s28 =	simm.s32 $0x1;
	v6 =	vld [tilespmem:s26+$0xFFFFFFF0]  }
0x63: {  	v4 =	vmov s28;
	v7 =	vld [tilespmem:s26+$0xFFFFFFB0]  }
0x64: {  	v4 =	vand.u32 $0x7F, v4;
	v10 =	vld [tilespmem:s26+$0xFFFFFFA0]  }
0x65: {  	v9 =	vld.idx.msk [tilespmem:v3+s20+$0x0], $0xffff;
	v3 =	vor.u32 v2, v4  }
0x66: {  	v4 =	vld [tilespmem:s26+$0xFFFFFF80];
	v3 =	vbroadcast v3, $0x0  }
0x67: {  	v11 =	vld [tilespmem:s26+$0xFFFFFF90]  }
0x68: {  	v12 =	vld [tilespmem:s26+$0xFFFFFFC0]  }
0x69: {  	v13 =	vld [tilespmem:s26+$0xFFFFFFE0]  }
0x6a: {  	v14 =	vld [tilespmem:s26+$0x50]  }
0x6b: {  	v15 =	vmul.f32 v4, v9;
	v16 =	vmul.f32 v6, v9;
	v6 =	vld [tilespmem:s26+$0x10]  }
0x6c: {  	v5 =	vmul.f32 v5, v9;
	v4 =	vld.idx.msk [tilespmem:v3+s20+$0x0], $0xffff  }
0x6d: {  	v7 =	vmul.f32 v7, v9;
	v3 =	vmul.f32 v10, v9;
	v10 =	vld [tilespmem:s26+$0x0];
	[tilespmem:s26+$0xFFFFFF80] =	vst v15  }
0x6e: {  	v15 =	vld [tilespmem:s26+$0x20];
	[tilespmem:s26+$0xFFFFFFD0] =	vst v5  }
0x6f: {  	v12 =	vmul.f32 v12, v9;
	[tilespmem:s26+$0xFFFFFFB0] =	vst v7;
	v7 =	vld [tilespmem:s26+$0x60]  }
0x70: {  	v5 =	vmul.f32 v11, v9;
	v11 =	vmul.f32 v13, v9;
	[tilespmem:s26+$0xFFFFFFF0] =	vst v16;
	v9 =	vld [tilespmem:s26+$0x40]  }
0x71: {  	[tilespmem:s26+$0xFFFFFFA0] =	vst v3;
	v3 =	vld [tilespmem:s26+$0x30]  }
0x72: {  	[tilespmem:s26+$0xFFFFFFC0] =	vst v12;
	v10 =	vmul.f32 v10, v4;
	v12 =	vmul.f32 v8, v4  }
0x73: {  	s29 =	simm.s32 $0x7880;
	s28 =	simm.s32 $0x2;
	[tilespmem:s26+$0xFFFFFFE0] =	vst v11;
	v8 =	vmul.f32 v15, v4;
	v11 =	vmul.f32 v14, v4  }
.LBB2_7:
0x74: {  	p0 =	sne.s32 s28, $0x7E  }
0x75: {  	v13 =	vmov s28;
	[tilespmem:s26+$0xFFFFFF90] =	vst v5;
	v5 =	vmul.f32 v6, v4;
	v6 =	vmul.f32 v7, v4;
	s29 =	sadd.s32 $0x100, s29;
	s30 =	smov.u32 s28;
	s28 =	sadd.s32 $0x2, s28  }
0x76: {  	v3 =	vmul.f32 v3, v4;
	v7 =	vand.u32 $0x7E, v13;
	v4 =	vmul.f32 v9, v4;
	[tilespmem:s26+$0x70] =	vst v12  }
0x77: {  	v7 =	vor.u32 v2, v7;
	[tilespmem:s26+$0x0] =	vst v10  }
0x78: {  	v7 =	vbroadcast v7, $0x0;
	v12 =	vld [tilespmem:s29+$0x70];
	[tilespmem:s26+$0x50] =	vst v11  }
0x79: {  	v9 =	vld [tilespmem:s29+$0xFFFFFFD0];
	[tilespmem:s26+$0x20] =	vst v8  }
0x7a: {  	v8 =	vld [tilespmem:s29+$0xFFFFFFF0];
	[tilespmem:s26+$0x30] =	vst v3  }
0x7b: {  	s30 =	sadd.s32 $0x1, s30;
	v3 =	vld [tilespmem:s29+$0x30];
	[tilespmem:s26+$0x40] =	vst v4  }
0x7c: {  	v4 =	vmov s30;
	v10 =	vld [tilespmem:s29+$0xFFFFFFB0];
	[tilespmem:s26+$0x60] =	vst v6  }
0x7d: {  	v4 =	vand.u32 $0x7F, v4;
	v6 =	vld [tilespmem:s29+$0xFFFFFF90];
	[tilespmem:s26+$0x10] =	vst v5;
	s26 =	smov.u32 s29  }
0x7e: {  	v4 =	vor.u32 v2, v4;
	v7 =	vld.idx.msk [tilespmem:v7+s20+$0x0], $0xffff  }
0x7f: {  	v4 =	vbroadcast v4, $0x0;
	v5 =	vld [tilespmem:s29+$0xFFFFFF80]  }
0x80: {  	v11 =	vld [tilespmem:s29+$0xFFFFFFA0]  }
0x81: {  	v13 =	vld [tilespmem:s29+$0xFFFFFFC0]  }
0x82: {  	v14 =	vld [tilespmem:s29+$0xFFFFFFE0]  }
0x83: {  	v15 =	vld [tilespmem:s29+$0x50]  }
0x84: {  	v16 =	vmul.f32 v5, v7;
	v5 =	vmul.f32 v6, v7;
	v17 =	vld [tilespmem:s29+$0x0]  }
0x85: {  	v10 =	vmul.f32 v10, v7;
	v4 =	vld.idx.msk [tilespmem:v4+s20+$0x0], $0xffff;
	v6 =	vmul.f32 v11, v7  }
0x86: {  	v9 =	vmul.f32 v9, v7;
	[tilespmem:s29+$0xFFFFFF80] =	vst v16;
	v11 =	vmul.f32 v13, v7;
	v13 =	vld [tilespmem:s29+$0x20]  }
0x87: {  	v8 =	vmul.f32 v8, v7;
	[tilespmem:s29+$0xFFFFFFA0] =	vst v6;
	v14 =	vmul.f32 v14, v7;
	v7 =	vld [tilespmem:s29+$0x60]  }
.Ltmp2:
0x88: {  	[tilespmem:s29+$0xFFFFFFD0] =	vst v9;
	v6 =	vld [tilespmem:s29+$0x10];
	(pc) =	sbr.rel @p0 .LBB2_7-.Ltmp2, $4  }
0x89: {  	[tilespmem:s29+$0xFFFFFFB0] =	vst v10;
	v9 =	vld [tilespmem:s29+$0x40]  }
0x8a: {  	[tilespmem:s29+$0xFFFFFFF0] =	vst v8  }
0x8b: {  	v10 =	vmul.f32 v17, v4;
	v12 =	vmul.f32 v12, v4;
	[tilespmem:s29+$0xFFFFFFC0] =	vst v11  }
0x8c: {  	v8 =	vmul.f32 v13, v4;
	v11 =	vmul.f32 v15, v4;
	[tilespmem:s29+$0xFFFFFFE0] =	vst v14  }
0x8d: {  	[tilespmem:s26+$0xFFFFFF90] =	vst v5  }
0x8e: {  	[tilespmem:s26+$0x70] =	vst v12  }
0x8f: {  	[tilespmem:s26+$0x0] =	vst v10  }
0x90: {  	v2 =	vmul.f32 v3, v4;
	[tilespmem:s26+$0x50] =	vst v11  }
0x91: {  	v63 =	vmul.f32 v7, v4;
	[tilespmem:s26+$0x20] =	vst v8  }
0x92: {  	v3 =	vmul.f32 v9, v4;
	[tilespmem:s26+$0x30] =	vst v2  }
0x93: {  	s24 =	sadd.s32 $0x1, s24;
	v2 =	vmul.f32 v6, v4;
	[tilespmem:s26+$0x60] =	vst v63  }
0x94: {  	p0 =	sne.s32 s24, $0x50;
	[tilespmem:s26+$0x40] =	vst v3  }
.Ltmp3:
0x95: {  	s25 =	sadd.s32 $0x2800, s25;
	[tilespmem:s26+$0x10] =	vst v2;
	(pc) =	sbr.rel @p0 .LBB2_6-.Ltmp3, $4  }
0x96: {  	[spmem:s2] =	stream.indirect.scatter.add.f32 [tilespmem:s13], [sflag:$0x2], $0x80, s25, s11, $0xb8;
	[tilespmem:$0x1FC00] =	vst v63  }
0x97: {  	_ =	swait.ge [sflag:s14], $0x4000  }
0x98: {  	[sflag:s14] =	ssyncset.done $0x0  }
0x99: {  	[sflag:s14] =	ssyncadd.s32 $0xFFFFC000  }
0x9a: {  	s3 =	sadd.s32 $0x1, s3  }
0x9b: {  	s23 =	sshll.u32 s1, $0x6;
	p0 =	sne.s32 s3, s10  }
.Ltmp4:
0x9c: {  	[bflag:$0x0] =	sbarrier.arrive $0xFFFF;
	s23 =	sor.u32 $0x1C02, s23;
	(pc) =	sbr.rel @p0 .LBB2_1-.Ltmp4, $4  }
0x9d: {  	[hbm:s9], [sflag:s23] =	dma.local [spmem:s22], $0x2800  }
0x9e: {  	_ =	swait.ge [sflag:s14], $0x2800  }
0x9f: {  	[sflag:s14] =	ssyncset.done $0x0  }
0xa0: {  	[sflag:s14] =	ssyncadd.s32 $0xFFFFD800  }
0xa1: {  	_ =	sfence.sel $0x180000  }
0xa2: {  	[bflag:$0x0] =	sbarrier.arrive $0xFFFF  }
0xa3: {  	p0 =	sne.s32 s1, $0x0;
	_ =	strace $0x9000004A  }
0xa4: {  	s0 =	sadd.s32 @!p0 $0x100000, s0;
	[bflag:$0x2] =	sbarrier.arrive $0xFFFF  }
0xa5: {  	[sflag:s0] =	ssyncadd.tile.s32 @!p0 $0x1;
	_ =	shalt  }
.Lfunc_end2:
_tile_overlayer_lowered:
.L_overlay_start_2:
0xa6: {  	(tag) =	ssettag $0x2  }
0xa7: {  	s0 =	rddreg [dreg:$0x0];
	s2 =	stileid.u32  }
0xa8: {  	s1 =	rddreg [dreg:$0x1];
	p0 =	sne.s32 s2, $0x0  }
0xa9: {  	s3 =	rddreg [dreg:$0x2];
	[bflag:$0x3] =	sbarrier.arrive $0xFFFF;
	s2 =	simm.s32 @!p0 $0x1C02  }
0xaa: {  	[timem:s3], [sflag:s2] =	dma.local @!p0 [hbm:s0], s1  }
0xab: {  	s0 =	simm.s32 @!p0 $0x2  }
0xac: {  	_ =	swait.ge @!p0 [sflag:s0], s1  }
0xad: {  	s1 =	ssub.s32 @!p0 $0x0, s1;
	[sflag:s0] =	ssyncset.done @!p0 $0x0  }
0xae: {  	[sflag:s0] =	ssyncadd.s32 @!p0 s1  }
0xaf: {  	[bflag:$0x3] =	sbarrier.arrive $0xFFFF  }
0xb0: {  	_ =	shalt  }

// kernel: kernel.17.cloned.1.call-start
scs
__scs_entry_jumppad:
0x0: {  	(pc) =	sbr.rel $0x88, $3  }
0x1: {  	(tag) =	ssettag $0x0;
	lr =	simm.s32 $0x1  }
0x2: {  	[smem:$0x3F90] =	sst lr;
	_ =	strace $0xD0000000  }
0x3: {  	_ = 	snop  }
0x4: {  	_ = 	snop  }
0x5: {  	_ = 	snop  }
0x6: {  	_ = 	snop  }
0x7: {  	_ = 	snop  }
__scs_overlays_trampoline_lowered:
0x8: {  	[smem:$0x3F9F] =	sst s0  }
0x9: {  	[smem:$0x3FA0] =	sst s1  }
0xa: {  	[smem:$0x3FA1] =	sst s2  }
0xb: {  	[smem:$0x3FA2] =	sst s3  }
0xc: {  	[smem:$0x3FA3] =	sst s4  }
0xd: {  	[smem:$0x3FA4] =	sst s5  }
0xe: {  	[smem:$0x3FA5] =	sst s6  }
0xf: {  	[smem:$0x3FA6] =	sst s7  }
0x10: {  	[smem:$0x3FA7] =	sst s8  }
0x11: {  	[smem:$0x3FA8] =	sst s9;
	s0 =	simm.s32 @!p0 $0x0  }
0x12: {  	s1 =	sld [smem:$0x3F8E];
	s0 =	simm.s32 @p0 $0x1  }
0x13: {  	[smem:$0x3FA9] =	sst s0;
	s0 =	simm.s32 @!p1 $0x0  }
0x14: {  	s2 =	sld [smem:$0x3F8D];
	s0 =	simm.s32 @p1 $0x1  }
0x15: {  	[smem:$0x3FAA] =	sst s0;
	s0 =	simm.s32 @!p2 $0x0  }
0x16: {  	s3 =	sld [smem:$0x3FDB];
	s0 =	simm.s32 @p2 $0x1  }
0x17: {  	s4 =	simm.s32 $0x1BF5;
	[smem:$0x3FAC] =	sst s0  }
0x18: {  	s0 =	sld [smem:$0x3F8F];
	_ =	swait.ge [sflag:s4], $0x0  }
0x19: {  	s7 =	sld [smem:$0x3F90]  }
0x1a: {  	s8 =	sadd.s32 $0xFFFFE003, lr  }
0x1b: {  	s9 =	sadd.s32 $0xFFFFFEF7, lr;
	s5 =	simm.s32 $0xFFFFFFFF;
	p2 =	slt.u32 s8, $0xFFFFF086  }
0x1c: {  	p1 =	slt.u32 s9, $0xF7A;
	s5 =	simm.s32 @!p2 $0x0  }
0x1d: {  	s5 =	simm.s32 @p1 $0x1;
	p0 =	seq.s32 s7, s2  }
0x1e: {  	s7 =	smul.u32 @!p0 $0xF7A, s2;
	p2 =	seq.s32 @!p0 s5, $0x0  }
0x1f: {  	s9 =	smul.u32 $0xF7A, s1;
	s8 =	simm.s32 @!p0 $0x1BF5;
	p2 =	por !p2, p0  }
0x20: {  	[sflag:s8] =	ssyncset.s32 @!p0 $0xFFFFF086;
	s6 =	sadd.s32 @!p0 s3, s7;
	s7 =	simm.s32 @!p0 $0x108  }
0x21: {  	s3 =	sadd.s32 s3, s9;
	s6 =	sadd.s32 @!p0 $0x88, s6;
	s7 =	simm.s32 @p2 $0x1082  }
0x22: {  	[simem:s7], [sflag:s8] =	dma.local @!p0 [hbm:s6], $0xF7A  }
0x23: {  	s9 =	sor.u32 $0xD0000000, s2;
	s6 =	simm.s32 $0x108;
	_ =	swait.ge @!p0 [sflag:s8], $0x0  }
0x24: {  	s3 =	sadd.s32 $0x88, s3;
	s6 =	simm.s32 @!p1 $0x1082;
	[sflag:s4] =	ssyncset.s32 $0xFFFFF086  }
0x25: {  	[simem:s6], [sflag:s4] =	dma.local [hbm:s3], $0xF7A  }
0x26: {  	[smem:$0x3F90] =	sst s1;
	(tag) =	ssettag s2;
	_ =	strace s9  }
0x27: {  	s1 =	sld [smem:$0x3FA0]  }
0x28: {  	s2 =	sld [smem:$0x3FA1]  }
0x29: {  	s4 =	sld [smem:$0x3FA3]  }
0x2a: {  	p0 =	seq.s32 s5, $0x0;
	s5 =	sld [smem:$0x3FA4]  }
0x2b: {  	s6 =	sld [smem:$0x3FA5]  }
0x2c: {  	s7 =	sld [smem:$0x3FA6]  }
0x2d: {  	s3 =	simm.s32 $0x108;
	s8 =	sld [smem:$0x3FA7]  }
0x2e: {  	s3 =	simm.s32 @!p0 $0x1082;
	s9 =	sld [smem:$0x3FA8]  }
0x2f: {  	lr =	sadd.s32 s0, s3;
	s0 =	sld [smem:$0x3F9F]  }
0x30: {  	s3 =	sld [smem:$0x3FA2]  }
0x31: {  	[smem:$0x3FAB] =	sst s10  }
0x32: {  	s10 =	sld [smem:$0x3FA9];
	_ =	sdelay $0x3  }
0x33: {  	p0 =	seq.s32 s10, $0x1;
	s10 =	sld [smem:$0x3FAB];
	_ =	sdelay $0x3  }
0x34: {  	[smem:$0x3FAB] =	sst s10  }
0x35: {  	s10 =	sld [smem:$0x3FAA];
	_ =	sdelay $0x3  }
0x36: {  	p1 =	seq.s32 s10, $0x1;
	s10 =	sld [smem:$0x3FAB];
	_ =	sdelay $0x3  }
0x37: {  	[smem:$0x3FAB] =	sst s10  }
0x38: {  	s10 =	sld [smem:$0x3FAC]  }
0x39: {  	_ = 	snop;
	(pc) =	sbr.ind lr, $3  }
0x3a: {  	_ = 	snop  }
0x3b: {  	_ = 	snop  }
0x3c: {  	p2 =	seq.s32 s10, $0x1;
	s10 =	sld [smem:$0x3FAB]  }
0x3d: {  	_ =	shalt  }
0x3e: {  	_ =	shalt  }
0x3f: {  	_ =	shalt  }
0x40: {  	_ =	shalt  }
0x41: {  	_ =	shalt  }
0x42: {  	_ =	shalt  }
0x43: {  	_ =	shalt  }
0x44: {  	_ =	shalt  }
0x45: {  	_ =	shalt  }
0x46: {  	_ =	shalt  }
0x47: {  	_ =	shalt  }
0x48: {  	_ =	shalt  }
0x49: {  	_ =	shalt  }
0x4a: {  	_ =	shalt  }
0x4b: {  	_ =	shalt  }
0x4c: {  	_ =	shalt  }
0x4d: {  	_ =	shalt  }
0x4e: {  	_ =	shalt  }
0x4f: {  	_ =	shalt  }
0x50: {  	_ =	shalt  }
0x51: {  	_ =	shalt  }
0x52: {  	_ =	shalt  }
0x53: {  	_ =	shalt  }
0x54: {  	_ =	shalt  }
0x55: {  	_ =	shalt  }
0x56: {  	_ =	shalt  }
0x57: {  	_ =	shalt  }
0x58: {  	_ =	shalt  }
0x59: {  	_ =	shalt  }
0x5a: {  	_ =	shalt  }
0x5b: {  	_ =	shalt  }
0x5c: {  	_ =	shalt  }
0x5d: {  	_ =	shalt  }
0x5e: {  	_ =	shalt  }
0x5f: {  	_ =	shalt  }
0x60: {  	_ =	shalt  }
0x61: {  	_ =	shalt  }
0x62: {  	_ =	shalt  }
0x63: {  	_ =	shalt  }
0x64: {  	_ =	shalt  }
0x65: {  	_ =	shalt  }
0x66: {  	_ =	shalt  }
0x67: {  	_ =	shalt  }
0x68: {  	_ =	shalt  }
0x69: {  	_ =	shalt  }
0x6a: {  	_ =	shalt  }
0x6b: {  	_ =	shalt  }
0x6c: {  	_ =	shalt  }
0x6d: {  	_ =	shalt  }
0x6e: {  	_ =	shalt  }
0x6f: {  	_ =	shalt  }
0x70: {  	_ =	shalt  }
0x71: {  	_ =	shalt  }
0x72: {  	_ =	shalt  }
0x73: {  	_ =	shalt  }
0x74: {  	_ =	shalt  }
0x75: {  	_ =	shalt  }
0x76: {  	_ =	shalt  }
0x77: {  	_ =	shalt  }
0x78: {  	_ =	shalt  }
0x79: {  	_ =	shalt  }
0x7a: {  	_ =	shalt  }
0x7b: {  	_ =	shalt  }
0x7c: {  	_ =	shalt  }
0x7d: {  	_ =	shalt  }
0x7e: {  	_ =	shalt  }
0x7f: {  	_ =	shalt  }
0x80: {  	_ =	shalt  }
0x81: {  	_ =	shalt  }
0x82: {  	_ =	shalt  }
0x83: {  	_ =	shalt  }
0x84: {  	_ =	shalt  }
0x85: {  	_ =	shalt  }
0x86: {  	_ =	shalt  }
0x87: {  	_ =	shalt  }
.Lfunc_end0:
.L_simem_size_0:
called_computation.2_lowered:
.L_overlay_start_0:
0x88: {  	s2 =	sld [smem:$0x3FD9]  }
0x89: {  	s3 =	sld [smem:$0x3FFE];
	_ =	sdelay $0x1  }
0x8a: {  	s1 =	srdreg.scid  }
0x8b: {  	s0 =	sand.u32 $0x1, s1  }
0x8c: {  	s16 =	sshll.u32 s0, $0xA;
	s2 =	sadd.s32 s3, s2  }
0x8d: {  	s2 =	sadd.s32 s2, s16  }
0x8e: {  	[smem:$0x3FB7] =	sst s2  }
0x8f: {  	_ = 	snop  }
0x90: {  	(tm) =	ssettm $0x1  }
0x91: {  	s17 =	sld [smem:$0x3FFB];
	_ =	sdelay $0x3  }
0x92: {  	_ =	strace s17  }
0x93: {  	s2 =	sld [smem:$0x3FFC];
	_ =	sdelay $0x3  }
0x94: {  	_ =	strace s2  }
0x95: {  	s2 =	sld [smem:$0x3FFD];
	_ =	sdelay $0x3  }
0x96: {  	_ =	strace s2  }
0x97: {  	_ =	strace $0x8FFFFFFF  }
0x98: {  	s18 =	sld [smem:$0x3FDB];
	_ =	sdelay $0x1  }
0x99: {  	s19 =	simm.s32 $_scs_section_size  }
0x9a: {  	s4 =	simm.s32 $_size__tile_overlayer_lowered;
	s5 =	simm.s32 $_tile_overlayer_lowered  }
0x9b: {  	s22 =	simm.s32 $0x1BFF;
	s21 =	sshll.u32 s5, $0x1;
	s2 =	sadd.s32 s19, s18  }
0x9c: {  	s6 =	simm.s32 $0x0;
	s20 =	sshll.u32 s4, $0x1;
	s4 =	sadd.s32 s21, s2  }
0x9d: {  	[timem:s6], [sflag:s22] =	dma.local [hbm:s4], s20  }
0x9e: {  	_ =	swait.ge [sflag:s22], s20  }
0x9f: {  	s3 =	ssub.s32 $0x0, s20;
	[sflag:s22] =	ssyncset.done $0x0  }
0xa0: {  	[sflag:s22] =	ssyncadd.s32 s3;
	_ =	sdelay $0x1  }
0xa1: {  	s23 =	simm.s32 $0x1B8B  }
0xa2: {  	_ =	swait.ge [sflag:s23], $0x1  }
0xa3: {  	[sflag:s23] =	ssyncset.done $0x0  }
0xa4: {  	s25 =	simm.s32 $0x1B8E;
	s24 =	sld [smem:$0x3FFE];
	[sflag:s23] =	ssyncadd.s32 $0xFFFFFFFF  }
0xa5: {  	s26 =	simm.s32 $execute0_lowered;
	[smem:$0x3FD2] =	sst s25  }
0xa6: {  	s4 =	sshll.u32 s26, $0x1;
	_ =	strace $0x8000004C;
	[dreg:$0x1] =	wrdreg $0xFFFFFFFF  }
0xa7: {  	s28 =	simm.s32 $_size_execute0_lowered;
	s2 =	sadd.s32 s2, s4;
	[dreg:$0x0] =	wrdreg $0x0  }
0xa8: {  	s4 =	sshll.u32 s28, $0x1;
	[dreg:$0x2] =	wrdreg s2  }
0xa9: {  	[dreg:$0x3] =	wrdreg s4  }
0xaa: {  	[dreg:$0x4] =	wrdreg $0xC0  }
0xab: {  	_ =	task [dreg:s6], $0x5FFFF  }
0xac: {  	[dreg:$0x1] =	wrdreg $0xFFFFFFFF  }
0xad: {  	[dreg:$0x0] =	wrdreg $0x60  }
0xae: {  	[dreg:$0x2] =	wrdreg s24  }
0xaf: {  	[dreg:$0x3] =	wrdreg $0xBC000  }
0xb0: {  	[dreg:$0x4] =	wrdreg $0x9  }
0xb1: {  	_ =	task.clear_ibuf [dreg:s6], $0x5FFFF;
	_ =	strace $0x9000004C  }
0xb2: {  	s29 =	simm.s32 $0x9;
	_ =	strace $0x8000004E  }
0xb3: {  	_ =	swait.ge [sflag:s29], $0x1  }
0xb4: {  	[sflag:s29] =	ssyncadd.s32 $0xFFFFFFFF  }
0xb5: {  	_ =	strace $0x9000004E  }
0xb6: {  	_ =	sfence  }
0xb7: {  	s30 =	sld [smem:$0x0];
	_ =	sdelay $0x2  }
0xb8: {  	s31 =	sshll.u32 s1, $0xD;
	s1 =	sshrl.u32 s1, $0x2  }
0xb9: {  	s3 =	sand.u32 $0x4000, s31;
	s1 =	sadd.s32 s1, s30  }
0xba: {  	s0 =	sor.u32 s3, s0;
	s1 =	sshll.u32 s1, $0x11  }
0xbb: {  	s0 =	sor.u32 s1, s0  }
0xbc: {  	s0 =	sadd.s32 $0x8F2B, s0  }
0xbd: {  	[sflag:s0] =	ssyncadd.remote.s32 $0x1  }
0xbe: {  	_ =	sfence.sel $0xFFFF  }
0xbf: {  	[dreg:$0x0] =	wrdreg $0xFFFFFFFF;
	(pc) =	sbr.abs _section_cstart, $3  }
0xc0: {  	[dreg:$0x1] =	wrdreg $0xFFFFFFFF  }
0xc1: {  	_ =	task.clear_ibuf [dreg:s6], $0x2FFFF;
	_ =	strace $0x9FFFFFFF  }
0xc2: {  	(tm) =	ssettm $0x7FFFFFFF  }
0xc3: {  	_ =	shalt  }
tec
execute0_lowered:
.L_overlay_start_1:
0x0: {  	(tag) =	ssettag $0x1  }
0x1: {  	s5 =	rddreg [dreg:$0x0]  }
0x2: {  	s2 =	rddreg [dreg:$0x1]  }
0x3: {  	s1 =	srdreg.scid;
	s0 =	rddreg [dreg:$0x2]  }
0x4: {  	s3 =	simm.s32 $0x0;
	s12 =	simm.s32 $0xB800;
	s13 =	simm.s32 $0x7800  }
0x5: {  	s14 =	simm.s32 $0x2;
	s15 =	simm.s32 $0xB880;
	s16 =	simm.s32 $0xB900  }
0x6: {  	s17 =	simm.s32 $0xB980;
	s18 =	simm.s32 $0xBA00;
	s19 =	simm.s32 $0x2800  }
0x7: {  	s20 =	simm.s32 $0x5000;
	s6 =	sand.u32 $0x1, s1;
	s1 =	stileid.u32  }
0x8: {  	s21 =	simm.s32 $0x1;
	[smem:$0x7FF] =	sst s3;
	s7 =	smul.u32 $0x140000, s6  }
0x9: {  	s4 =	sshll.u32 s6, $0x4;
	s8 =	smul.u32 $0x14000, s1;
	_ =	strace $0x8000004D  }
0xa: {  	s6 =	ssub.s32 $0x2, s6;
	s10 =	smul.u32 $0x50000, s1;
	s4 =	sor.u32 s1, s4  }
0xb: {  	s31 =	sshrl.u32 s6, $0x1;
	s9 =	smul.u32 $0x500, s4;
	s4 =	sadd.s32 $0x21400, s5  }
0xc: {  	s7 =	sadd.s32 s8, s7;
	s11 =	ssub.s32 s6, s31;
	s10 =	sshrl.u32 s10, $0x2  }
0xd: {  	s7 =	sshrl.u32 s7, $0x3;
	s22 =	sadd.s32 s10, s2;
	s10 =	smax.u32 s11, $0x1  }
0xe: {  	s11 =	simm.s32 $0x80;
	s29 =	sadd.s32 s9, s5;
	s30 =	sadd.s32 s7, s5  }
0xf: {  	s5 =	smul.u32 $0x280, s1;
	s22 =	sshrl.u32 s22, $0x3;
	s6 =	sadd.s32 $0x17400, s29  }
0x10: {  	v0 =	vimm.f32 $0.0e+00;
	v1 =	vlaneseq.u32;
	s7 =	sadd.s32 $0xD400, s29;
	s8 =	sadd.s32 $0x3400, s29;
	s9 =	sadd.s32 $0x48600, s30  }
.LBB2_1:
0x11: {  	s23 =	simm.s32 $0x0;
	s24 =	simm.s32 $0x200  }
.LBB2_2:
0x12: {  	p0 =	sne.s32 s24, $0xFE00;
	[tilespmem:s23+$0x7870] =	vst v0  }
0x13: {  	[tilespmem:s23+$0x7800] =	vst v0  }
0x14: {  	[tilespmem:s23+$0x7810] =	vst v0  }
.Ltmp0:
0x15: {  	[tilespmem:s23+$0x7820] =	vst v0;
	(pc) =	sbr.rel @p0 .LBB2_2-.Ltmp0, $4  }
0x16: {  	[tilespmem:s23+$0x7830] =	vst v0  }
0x17: {  	[tilespmem:s23+$0x7840] =	vst v0  }
0x18: {  	[tilespmem:s23+$0x7850] =	vst v0  }
0x19: {  	[tilespmem:s23+$0x7860] =	vst v0;
	s23 =	sshra.s32 s24, $0x2;
	s24 =	sadd.s32 $0x200, s24  }
0x1a: {  	[tilespmem:s23+$0x7870] =	vst v0  }
0x1b: {  	[tilespmem:s23+$0x7800] =	vst v0  }
0x1c: {  	[tilespmem:s23+$0x7810] =	vst v0  }
0x1d: {  	[tilespmem:s23+$0x7820] =	vst v0  }
0x1e: {  	[tilespmem:s23+$0x7830] =	vst v0  }
0x1f: {  	[tilespmem:s23+$0x7840] =	vst v0;
	s24 =	sadd.s32 $0x0, s5  }
0x20: {  	[tilespmem:s23+$0x7850] =	vst v0;
	s25 =	sadd.s32 $0x70, s24  }
0x21: {  	[tilespmem:s23+$0x7860] =	vst v0;
	s23 =	simm.s32 $0xB840;
	s26 =	sadd.s32 $0x10, s24;
	v2 =	vor.u32 s25, v1  }
0x22: {  	s30 =	sadd.s32 $0x50, s24;
	v3 =	vor.u32 s26, v1;
	[tilespmem:s23+$0x30] =	vst v2  }
0x23: {  	s26 =	sadd.s32 $0x20, s24;
	v4 =	vor.u32 s30, v1;
	[tilespmem:s23+$0xFFFFFFD0] =	vst v3  }
0x24: {  	s28 =	sadd.s32 $0x30, s24;
	v2 =	vor.u32 s26, v1;
	[tilespmem:s23+$0x10] =	vst v4  }
0x25: {  	s29 =	sadd.s32 $0x40, s24;
	v3 =	vor.u32 s28, v1;
	[tilespmem:s23+$0xFFFFFFE0] =	vst v2  }
0x26: {  	s31 =	sadd.s32 $0x60, s24;
	v2 =	vor.u32 s29, v1;
	[tilespmem:s23+$0xFFFFFFF0] =	vst v3  }
0x27: {  	s25 =	simm.s32 $0x100;
	v3 =	vor.u32 s31, v1;
	[tilespmem:s23+$0x0] =	vst v2;
	v2 =	vor.u32 s24, v1;
	s24 =	sadd.s32 $0x80, s5  }
.LBB2_4:
0x28: {  	p0 =	sne.s32 s25, $0x200;
	v4 =	vor.u32 s24, v1;
	s26 =	sadd.s32 $0x10, s24;
	s28 =	sadd.s32 $0x70, s24;
	[tilespmem:s23+$0x20] =	vst v3  }
0x29: {  	s29 =	sadd.s32 $0x30, s24;
	v3 =	vor.u32 s26, v1;
	s26 =	sadd.s32 $0x20, s24;
	v5 =	vor.u32 s28, v1;
	[tilespmem:s23+$0xFFFFFFC0] =	vst v2;
	s23 =	sadd.s32 $0x80, s23;
	v2 =	vmov v4  }
0x2a: {  	v6 =	vor.u32 s29, v1;
	s28 =	sadd.s32 $0x50, s24;
	v4 =	vor.u32 s26, v1;
	s26 =	sadd.s32 $0x40, s24;
	s24 =	sadd.s32 $0x60, s24;
	[tilespmem:s23+$0x30] =	vst v5  }
.Ltmp1:
0x2b: {  	v7 =	vor.u32 s28, v1;
	[tilespmem:s23+$0xFFFFFFD0] =	vst v3;
	v5 =	vor.u32 s26, v1;
	v3 =	vor.u32 s24, v1;
	(pc) =	sbr.rel @p0 .LBB2_4-.Ltmp1, $4  }
0x2c: {  	[tilespmem:s23+$0xFFFFFFE0] =	vst v4  }
0x2d: {  	[tilespmem:s23+$0xFFFFFFF0] =	vst v6  }
0x2e: {  	[tilespmem:s23+$0x0] =	vst v5  }
0x2f: {  	s24 =	sadd.s32 s25, s5;
	s25 =	sadd.s32 $0x80, s25;
	[tilespmem:s23+$0x10] =	vst v7  }
0x30: {  	s25 =	sadd.s32 $0x70, s24;
	[tilespmem:s23+$0x20] =	vst v3  }
0x31: {  	s26 =	sadd.s32 $0x10, s24;
	[tilespmem:s23+$0xFFFFFFC0] =	vst v2;
	s23 =	sadd.s32 $0x80, s23;
	v3 =	vor.u32 s25, v1  }
0x32: {  	v2 =	vor.u32 s26, v1;
	s26 =	sadd.s32 $0x20, s24;
	[tilespmem:s23+$0x30] =	vst v3  }
0x33: {  	s28 =	sadd.s32 $0x30, s24;
	v3 =	vor.u32 s26, v1;
	[tilespmem:s23+$0xFFFFFFD0] =	vst v2  }
0x34: {  	s29 =	sadd.s32 $0x40, s24;
	v2 =	vor.u32 s28, v1;
	[tilespmem:s23+$0xFFFFFFE0] =	vst v3  }
0x35: {  	s30 =	sadd.s32 $0x50, s24;
	v3 =	vor.u32 s29, v1;
	[tilespmem:s23+$0xFFFFFFF0] =	vst v2  }
0x36: {  	s31 =	sadd.s32 $0x60, s24;
	v2 =	vor.u32 s30, v1;
	[tilespmem:s23+$0x0] =	vst v3  }
0x37: {  	v3 =	vor.u32 s31, v1;
	[tilespmem:s23+$0x10] =	vst v2  }
0x38: {  	v2 =	vor.u32 s24, v1;
	[tilespmem:s23+$0x20] =	vst v3  }
0x39: {  	[tilespmem:s23+$0xFFFFFFC0] =	vst v2  }
0x3a: {  	[spmem:s2] =	stream.indirect.scatter [tilespmem:s13], [sflag:$0x2], $0x80, s12, s11, $0xb8;
	[tilespmem:$0x1FC00] =	vst v63  }
0x3b: {  	_ =	swait.ge [sflag:s14], $0x4000  }
0x3c: {  	[sflag:s14] =	ssyncset.done $0x0  }
0x3d: {  	[sflag:s14] =	ssyncadd.s32 $0xFFFFC000  }
0x3e: {  	[spmem:s2] =	stream.indirect.scatter [tilespmem:s13], [sflag:$0x2], $0x80, s15, s11, $0xb8;
	[tilespmem:$0x1FC00] =	vst v63  }
0x3f: {  	_ =	swait.ge [sflag:s14], $0x4000  }
0x40: {  	[sflag:s14] =	ssyncset.done $0x0  }
0x41: {  	[sflag:s14] =	ssyncadd.s32 $0xFFFFC000  }
0x42: {  	[spmem:s2] =	stream.indirect.scatter [tilespmem:s13], [sflag:$0x2], $0x80, s16, s11, $0xb8;
	[tilespmem:$0x1FC00] =	vst v63  }
0x43: {  	_ =	swait.ge [sflag:s14], $0x4000  }
0x44: {  	[sflag:s14] =	ssyncset.done $0x0  }
0x45: {  	[sflag:s14] =	ssyncadd.s32 $0xFFFFC000  }
0x46: {  	[spmem:s2] =	stream.indirect.scatter [tilespmem:s13], [sflag:$0x2], $0x80, s17, s11, $0xb8;
	[tilespmem:$0x1FC00] =	vst v63  }
0x47: {  	_ =	swait.ge [sflag:s14], $0x4000  }
0x48: {  	[sflag:s14] =	ssyncset.done $0x0  }
0x49: {  	[sflag:s14] =	ssyncadd.s32 $0xFFFFC000  }
0x4a: {  	[spmem:s2] =	stream.indirect.scatter [tilespmem:s13], [sflag:$0x2], $0x80, s18, s11, $0xb8;
	[tilespmem:$0x1FC00] =	vst v63  }
0x4b: {  	_ =	swait.ge [sflag:s14], $0x4000  }
0x4c: {  	[sflag:s14] =	ssyncset.done $0x0  }
0x4d: {  	s23 =	simm.s32 $0x0;
	[sflag:s14] =	ssyncadd.s32 $0xFFFFC000  }
0x4e: {  	[tilespmem:s23], [sflag:$0x2] =	stream.linear.gather [hbm4b:s6+s23], $0x2800, $0x38;
	[tilespmem:$0x1FC00] =	vst v63  }
0x4f: {  	_ =	swait.ge [sflag:s14], $0x2800  }
0x50: {  	[sflag:s14] =	ssyncset.done $0x0  }
0x51: {  	[sflag:s14] =	ssyncadd.s32 $0xFFFFD800  }
0x52: {  	[tilespmem:s19], [sflag:$0x2] =	stream.linear.gather [hbm4b:s7+s23], $0x2800, $0x38;
	[tilespmem:$0x1FC00] =	vst v63  }
0x53: {  	_ =	swait.ge [sflag:s14], $0x2800  }
0x54: {  	[sflag:s14] =	ssyncset.done $0x0  }
0x55: {  	[sflag:s14] =	ssyncadd.s32 $0xFFFFD800  }
0x56: {  	[tilespmem:s20], [sflag:$0x2] =	stream.linear.gather [hbm4b:s8+s23], $0x2800, $0x38;
	[tilespmem:$0x1FC00] =	vst v63  }
0x57: {  	_ =	swait.ge [sflag:s14], $0x2800  }
0x58: {  	[sflag:s14] =	ssyncset.done $0x0  }
0x59: {  	[sflag:s14] =	ssyncadd.s32 $0xFFFFD800  }
0x5a: {  	s24 =	simm.s32 $0x0;
	[bflag:$0x0] =	sbarrier.arrive $0xFFFF  }
.LBB2_6:
0x5b: {  	s25 =	sshll.u32 s24, $0x7  }
0x5c: {  	v3 =	vmov s23;
	[tilespmem:s13], [sflag:$0x1] =	stream.indirect.gather [hbm4b:s4+s11], $0x80, s25, s11, $0xb8;
	[tilespmem:$0x1FC00] =	vst v63  }
0x5d: {  	v2 =	vmov s25;
	v3 =	vand.u32 $0x7E, v3;
	_ =	swait.ge [sflag:s21], $0x4000  }
0x5e: {  	v3 =	vor.u32 v2, v3;
	[sflag:s21] =	ssyncset.done $0x0  }
0x5f: {  	s26 =	simm.s32 $0x7880;
	v3 =	vbroadcast v3, $0x0;
	[sflag:s21] =	ssyncadd.s32 $0xFFFFC000  }
0x60: {  	v8 =	vld [tilespmem:s26+$0x70]  }
0x61: {  	v5 =	vld [tilespmem:s26+$0xFFFFFFD0]  }
0x62: {  	s28 =	simm.s32 $0x1;
	v6 =	vld [tilespmem:s26+$0xFFFFFFF0]  }
0x63: {  	v4 =	vmov s28;
	v7 =	vld [tilespmem:s26+$0xFFFFFFB0]  }
0x64: {  	v4 =	vand.u32 $0x7F, v4;
	v10 =	vld [tilespmem:s26+$0xFFFFFFA0]  }
0x65: {  	v9 =	vld.idx.msk [tilespmem:v3+s20+$0x0], $0xffff;
	v3 =	vor.u32 v2, v4  }
0x66: {  	v4 =	vld [tilespmem:s26+$0xFFFFFF80];
	v3 =	vbroadcast v3, $0x0  }
0x67: {  	v11 =	vld [tilespmem:s26+$0xFFFFFF90]  }
0x68: {  	v12 =	vld [tilespmem:s26+$0xFFFFFFC0]  }
0x69: {  	v13 =	vld [tilespmem:s26+$0xFFFFFFE0]  }
0x6a: {  	v14 =	vld [tilespmem:s26+$0x50]  }
0x6b: {  	v15 =	vmul.f32 v4, v9;
	v16 =	vmul.f32 v6, v9;
	v6 =	vld [tilespmem:s26+$0x10]  }
0x6c: {  	v5 =	vmul.f32 v5, v9;
	v4 =	vld.idx.msk [tilespmem:v3+s20+$0x0], $0xffff  }
0x6d: {  	v7 =	vmul.f32 v7, v9;
	v3 =	vmul.f32 v10, v9;
	v10 =	vld [tilespmem:s26+$0x0];
	[tilespmem:s26+$0xFFFFFF80] =	vst v15  }
0x6e: {  	v15 =	vld [tilespmem:s26+$0x20];
	[tilespmem:s26+$0xFFFFFFD0] =	vst v5  }
0x6f: {  	v12 =	vmul.f32 v12, v9;
	[tilespmem:s26+$0xFFFFFFB0] =	vst v7;
	v7 =	vld [tilespmem:s26+$0x60]  }
0x70: {  	v5 =	vmul.f32 v11, v9;
	v11 =	vmul.f32 v13, v9;
	[tilespmem:s26+$0xFFFFFFF0] =	vst v16;
	v9 =	vld [tilespmem:s26+$0x40]  }
0x71: {  	[tilespmem:s26+$0xFFFFFFA0] =	vst v3;
	v3 =	vld [tilespmem:s26+$0x30]  }
0x72: {  	[tilespmem:s26+$0xFFFFFFC0] =	vst v12;
	v10 =	vmul.f32 v10, v4;
	v12 =	vmul.f32 v8, v4  }
0x73: {  	s29 =	simm.s32 $0x7880;
	s28 =	simm.s32 $0x2;
	[tilespmem:s26+$0xFFFFFFE0] =	vst v11;
	v8 =	vmul.f32 v15, v4;
	v11 =	vmul.f32 v14, v4  }
.LBB2_7:
0x74: {  	p0 =	sne.s32 s28, $0x7E  }
0x75: {  	v13 =	vmov s28;
	[tilespmem:s26+$0xFFFFFF90] =	vst v5;
	v5 =	vmul.f32 v6, v4;
	v6 =	vmul.f32 v7, v4;
	s29 =	sadd.s32 $0x100, s29;
	s30 =	smov.u32 s28;
	s28 =	sadd.s32 $0x2, s28  }
0x76: {  	v3 =	vmul.f32 v3, v4;
	v7 =	vand.u32 $0x7E, v13;
	v4 =	vmul.f32 v9, v4;
	[tilespmem:s26+$0x70] =	vst v12  }
0x77: {  	v7 =	vor.u32 v2, v7;
	[tilespmem:s26+$0x0] =	vst v10  }
0x78: {  	v7 =	vbroadcast v7, $0x0;
	v12 =	vld [tilespmem:s29+$0x70];
	[tilespmem:s26+$0x50] =	vst v11  }
0x79: {  	v9 =	vld [tilespmem:s29+$0xFFFFFFD0];
	[tilespmem:s26+$0x20] =	vst v8  }
0x7a: {  	v8 =	vld [tilespmem:s29+$0xFFFFFFF0];
	[tilespmem:s26+$0x30] =	vst v3  }
0x7b: {  	s30 =	sadd.s32 $0x1, s30;
	v3 =	vld [tilespmem:s29+$0x30];
	[tilespmem:s26+$0x40] =	vst v4  }
0x7c: {  	v4 =	vmov s30;
	v10 =	vld [tilespmem:s29+$0xFFFFFFB0];
	[tilespmem:s26+$0x60] =	vst v6  }
0x7d: {  	v4 =	vand.u32 $0x7F, v4;
	v6 =	vld [tilespmem:s29+$0xFFFFFF90];
	[tilespmem:s26+$0x10] =	vst v5;
	s26 =	smov.u32 s29  }
0x7e: {  	v4 =	vor.u32 v2, v4;
	v7 =	vld.idx.msk [tilespmem:v7+s20+$0x0], $0xffff  }
0x7f: {  	v4 =	vbroadcast v4, $0x0;
	v5 =	vld [tilespmem:s29+$0xFFFFFF80]  }
0x80: {  	v11 =	vld [tilespmem:s29+$0xFFFFFFA0]  }
0x81: {  	v13 =	vld [tilespmem:s29+$0xFFFFFFC0]  }
0x82: {  	v14 =	vld [tilespmem:s29+$0xFFFFFFE0]  }
0x83: {  	v15 =	vld [tilespmem:s29+$0x50]  }
0x84: {  	v16 =	vmul.f32 v5, v7;
	v5 =	vmul.f32 v6, v7;
	v17 =	vld [tilespmem:s29+$0x0]  }
0x85: {  	v10 =	vmul.f32 v10, v7;
	v4 =	vld.idx.msk [tilespmem:v4+s20+$0x0], $0xffff;
	v6 =	vmul.f32 v11, v7  }
0x86: {  	v9 =	vmul.f32 v9, v7;
	[tilespmem:s29+$0xFFFFFF80] =	vst v16;
	v11 =	vmul.f32 v13, v7;
	v13 =	vld [tilespmem:s29+$0x20]  }
0x87: {  	v8 =	vmul.f32 v8, v7;
	[tilespmem:s29+$0xFFFFFFA0] =	vst v6;
	v14 =	vmul.f32 v14, v7;
	v7 =	vld [tilespmem:s29+$0x60]  }
.Ltmp2:
0x88: {  	[tilespmem:s29+$0xFFFFFFD0] =	vst v9;
	v6 =	vld [tilespmem:s29+$0x10];
	(pc) =	sbr.rel @p0 .LBB2_7-.Ltmp2, $4  }
0x89: {  	[tilespmem:s29+$0xFFFFFFB0] =	vst v10;
	v9 =	vld [tilespmem:s29+$0x40]  }
0x8a: {  	[tilespmem:s29+$0xFFFFFFF0] =	vst v8  }
0x8b: {  	v10 =	vmul.f32 v17, v4;
	v12 =	vmul.f32 v12, v4;
	[tilespmem:s29+$0xFFFFFFC0] =	vst v11  }
0x8c: {  	v8 =	vmul.f32 v13, v4;
	v11 =	vmul.f32 v15, v4;
	[tilespmem:s29+$0xFFFFFFE0] =	vst v14  }
0x8d: {  	[tilespmem:s26+$0xFFFFFF90] =	vst v5  }
0x8e: {  	[tilespmem:s26+$0x70] =	vst v12  }
0x8f: {  	[tilespmem:s26+$0x0] =	vst v10  }
0x90: {  	v2 =	vmul.f32 v3, v4;
	[tilespmem:s26+$0x50] =	vst v11  }
0x91: {  	v63 =	vmul.f32 v7, v4;
	[tilespmem:s26+$0x20] =	vst v8  }
0x92: {  	v3 =	vmul.f32 v9, v4;
	[tilespmem:s26+$0x30] =	vst v2  }
0x93: {  	s24 =	sadd.s32 $0x1, s24;
	v2 =	vmul.f32 v6, v4;
	[tilespmem:s26+$0x60] =	vst v63  }
0x94: {  	p0 =	sne.s32 s24, $0x50;
	[tilespmem:s26+$0x40] =	vst v3  }
.Ltmp3:
0x95: {  	s25 =	sadd.s32 $0x2800, s25;
	[tilespmem:s26+$0x10] =	vst v2;
	(pc) =	sbr.rel @p0 .LBB2_6-.Ltmp3, $4  }
0x96: {  	[spmem:s2] =	stream.indirect.scatter.add.f32 [tilespmem:s13], [sflag:$0x2], $0x80, s25, s11, $0xb8;
	[tilespmem:$0x1FC00] =	vst v63  }
0x97: {  	_ =	swait.ge [sflag:s14], $0x4000  }
0x98: {  	[sflag:s14] =	ssyncset.done $0x0  }
0x99: {  	[sflag:s14] =	ssyncadd.s32 $0xFFFFC000  }
0x9a: {  	s3 =	sadd.s32 $0x1, s3  }
0x9b: {  	s23 =	sshll.u32 s1, $0x6;
	p0 =	sne.s32 s3, s10  }
.Ltmp4:
0x9c: {  	[bflag:$0x0] =	sbarrier.arrive $0xFFFF;
	s23 =	sor.u32 $0x1C02, s23;
	(pc) =	sbr.rel @p0 .LBB2_1-.Ltmp4, $4  }
0x9d: {  	[hbm:s9], [sflag:s23] =	dma.local [spmem:s22], $0x2800  }
0x9e: {  	_ =	swait.ge [sflag:s14], $0x2800  }
0x9f: {  	[sflag:s14] =	ssyncset.done $0x0  }
0xa0: {  	[sflag:s14] =	ssyncadd.s32 $0xFFFFD800  }
0xa1: {  	_ =	sfence.sel $0x180000  }
0xa2: {  	[bflag:$0x0] =	sbarrier.arrive $0xFFFF  }
0xa3: {  	p0 =	sne.s32 s1, $0x0;
	_ =	strace $0x9000004D  }
0xa4: {  	s0 =	sadd.s32 @!p0 $0x100000, s0;
	[bflag:$0x2] =	sbarrier.arrive $0xFFFF  }
0xa5: {  	[sflag:s0] =	ssyncadd.tile.s32 @!p0 $0x1;
	_ =	shalt  }
.Lfunc_end2:
_tile_overlayer_lowered:
.L_overlay_start_2:
0xa6: {  	(tag) =	ssettag $0x2  }
0xa7: {  	s0 =	rddreg [dreg:$0x0];
	s2 =	stileid.u32  }
0xa8: {  	s1 =	rddreg [dreg:$0x1];
	p0 =	sne.s32 s2, $0x0  }
0xa9: {  	s3 =	rddreg [dreg:$0x2];
	[bflag:$0x3] =	sbarrier.arrive $0xFFFF;
	s2 =	simm.s32 @!p0 $0x1C02  }
0xaa: {  	[timem:s3], [sflag:s2] =	dma.local @!p0 [hbm:s0], s1  }
0xab: {  	s0 =	simm.s32 @!p0 $0x2  }
0xac: {  	_ =	swait.ge @!p0 [sflag:s0], s1  }
0xad: {  	s1 =	ssub.s32 @!p0 $0x0, s1;
	[sflag:s0] =	ssyncset.done @!p0 $0x0  }
0xae: {  	[sflag:s0] =	ssyncadd.s32 @!p0 s1  }
0xaf: {  	[bflag:$0x3] =	sbarrier.arrive $0xFFFF  }
0xb0: {  	_ =	shalt  }

// kernel: kernel.20.cloned.1.call-start
scs
__scs_entry_jumppad:
0x0: {  	(pc) =	sbr.rel $0x88, $3  }
0x1: {  	(tag) =	ssettag $0x0;
	lr =	simm.s32 $0x1  }
0x2: {  	[smem:$0x3F90] =	sst lr;
	_ =	strace $0xD0000000  }
0x3: {  	_ = 	snop  }
0x4: {  	_ = 	snop  }
0x5: {  	_ = 	snop  }
0x6: {  	_ = 	snop  }
0x7: {  	_ = 	snop  }
__scs_overlays_trampoline_lowered:
0x8: {  	[smem:$0x3F9F] =	sst s0  }
0x9: {  	[smem:$0x3FA0] =	sst s1  }
0xa: {  	[smem:$0x3FA1] =	sst s2  }
0xb: {  	[smem:$0x3FA2] =	sst s3  }
0xc: {  	[smem:$0x3FA3] =	sst s4  }
0xd: {  	[smem:$0x3FA4] =	sst s5  }
0xe: {  	[smem:$0x3FA5] =	sst s6  }
0xf: {  	[smem:$0x3FA6] =	sst s7  }
0x10: {  	[smem:$0x3FA7] =	sst s8  }
0x11: {  	[smem:$0x3FA8] =	sst s9;
	s0 =	simm.s32 @!p0 $0x0  }
0x12: {  	s1 =	sld [smem:$0x3F8E];
	s0 =	simm.s32 @p0 $0x1  }
0x13: {  	[smem:$0x3FA9] =	sst s0;
	s0 =	simm.s32 @!p1 $0x0  }
0x14: {  	s2 =	sld [smem:$0x3F8D];
	s0 =	simm.s32 @p1 $0x1  }
0x15: {  	[smem:$0x3FAA] =	sst s0;
	s0 =	simm.s32 @!p2 $0x0  }
0x16: {  	s3 =	sld [smem:$0x3FDB];
	s0 =	simm.s32 @p2 $0x1  }
0x17: {  	s4 =	simm.s32 $0x1BF5;
	[smem:$0x3FAC] =	sst s0  }
0x18: {  	s0 =	sld [smem:$0x3F8F];
	_ =	swait.ge [sflag:s4], $0x0  }
0x19: {  	s7 =	sld [smem:$0x3F90]  }
0x1a: {  	s8 =	sadd.s32 $0xFFFFE003, lr  }
0x1b: {  	s9 =	sadd.s32 $0xFFFFFEF7, lr;
	s5 =	simm.s32 $0xFFFFFFFF;
	p2 =	slt.u32 s8, $0xFFFFF086  }
0x1c: {  	p1 =	slt.u32 s9, $0xF7A;
	s5 =	simm.s32 @!p2 $0x0  }
0x1d: {  	s5 =	simm.s32 @p1 $0x1;
	p0 =	seq.s32 s7, s2  }
0x1e: {  	s7 =	smul.u32 @!p0 $0xF7A, s2;
	p2 =	seq.s32 @!p0 s5, $0x0  }
0x1f: {  	s9 =	smul.u32 $0xF7A, s1;
	s8 =	simm.s32 @!p0 $0x1BF5;
	p2 =	por !p2, p0  }
0x20: {  	[sflag:s8] =	ssyncset.s32 @!p0 $0xFFFFF086;
	s6 =	sadd.s32 @!p0 s3, s7;
	s7 =	simm.s32 @!p0 $0x108  }
0x21: {  	s3 =	sadd.s32 s3, s9;
	s6 =	sadd.s32 @!p0 $0x88, s6;
	s7 =	simm.s32 @p2 $0x1082  }
0x22: {  	[simem:s7], [sflag:s8] =	dma.local @!p0 [hbm:s6], $0xF7A  }
0x23: {  	s9 =	sor.u32 $0xD0000000, s2;
	s6 =	simm.s32 $0x108;
	_ =	swait.ge @!p0 [sflag:s8], $0x0  }
0x24: {  	s3 =	sadd.s32 $0x88, s3;
	s6 =	simm.s32 @!p1 $0x1082;
	[sflag:s4] =	ssyncset.s32 $0xFFFFF086  }
0x25: {  	[simem:s6], [sflag:s4] =	dma.local [hbm:s3], $0xF7A  }
0x26: {  	[smem:$0x3F90] =	sst s1;
	(tag) =	ssettag s2;
	_ =	strace s9  }
0x27: {  	s1 =	sld [smem:$0x3FA0]  }
0x28: {  	s2 =	sld [smem:$0x3FA1]  }
0x29: {  	s4 =	sld [smem:$0x3FA3]  }
0x2a: {  	p0 =	seq.s32 s5, $0x0;
	s5 =	sld [smem:$0x3FA4]  }
0x2b: {  	s6 =	sld [smem:$0x3FA5]  }
0x2c: {  	s7 =	sld [smem:$0x3FA6]  }
0x2d: {  	s3 =	simm.s32 $0x108;
	s8 =	sld [smem:$0x3FA7]  }
0x2e: {  	s3 =	simm.s32 @!p0 $0x1082;
	s9 =	sld [smem:$0x3FA8]  }
0x2f: {  	lr =	sadd.s32 s0, s3;
	s0 =	sld [smem:$0x3F9F]  }
0x30: {  	s3 =	sld [smem:$0x3FA2]  }
0x31: {  	[smem:$0x3FAB] =	sst s10  }
0x32: {  	s10 =	sld [smem:$0x3FA9];
	_ =	sdelay $0x3  }
0x33: {  	p0 =	seq.s32 s10, $0x1;
	s10 =	sld [smem:$0x3FAB];
	_ =	sdelay $0x3  }
0x34: {  	[smem:$0x3FAB] =	sst s10  }
0x35: {  	s10 =	sld [smem:$0x3FAA];
	_ =	sdelay $0x3  }
0x36: {  	p1 =	seq.s32 s10, $0x1;
	s10 =	sld [smem:$0x3FAB];
	_ =	sdelay $0x3  }
0x37: {  	[smem:$0x3FAB] =	sst s10  }
0x38: {  	s10 =	sld [smem:$0x3FAC]  }
0x39: {  	_ = 	snop;
	(pc) =	sbr.ind lr, $3  }
0x3a: {  	_ = 	snop  }
0x3b: {  	_ = 	snop  }
0x3c: {  	p2 =	seq.s32 s10, $0x1;
	s10 =	sld [smem:$0x3FAB]  }
0x3d: {  	_ =	shalt  }
0x3e: {  	_ =	shalt  }
0x3f: {  	_ =	shalt  }
0x40: {  	_ =	shalt  }
0x41: {  	_ =	shalt  }
0x42: {  	_ =	shalt  }
0x43: {  	_ =	shalt  }
0x44: {  	_ =	shalt  }
0x45: {  	_ =	shalt  }
0x46: {  	_ =	shalt  }
0x47: {  	_ =	shalt  }
0x48: {  	_ =	shalt  }
0x49: {  	_ =	shalt  }
0x4a: {  	_ =	shalt  }
0x4b: {  	_ =	shalt  }
0x4c: {  	_ =	shalt  }
0x4d: {  	_ =	shalt  }
0x4e: {  	_ =	shalt  }
0x4f: {  	_ =	shalt  }
0x50: {  	_ =	shalt  }
0x51: {  	_ =	shalt  }
0x52: {  	_ =	shalt  }
0x53: {  	_ =	shalt  }
0x54: {  	_ =	shalt  }
0x55: {  	_ =	shalt  }
0x56: {  	_ =	shalt  }
0x57: {  	_ =	shalt  }
0x58: {  	_ =	shalt  }
0x59: {  	_ =	shalt  }
0x5a: {  	_ =	shalt  }
0x5b: {  	_ =	shalt  }
0x5c: {  	_ =	shalt  }
0x5d: {  	_ =	shalt  }
0x5e: {  	_ =	shalt  }
0x5f: {  	_ =	shalt  }
0x60: {  	_ =	shalt  }
0x61: {  	_ =	shalt  }
0x62: {  	_ =	shalt  }
0x63: {  	_ =	shalt  }
0x64: {  	_ =	shalt  }
0x65: {  	_ =	shalt  }
0x66: {  	_ =	shalt  }
0x67: {  	_ =	shalt  }
0x68: {  	_ =	shalt  }
0x69: {  	_ =	shalt  }
0x6a: {  	_ =	shalt  }
0x6b: {  	_ =	shalt  }
0x6c: {  	_ =	shalt  }
0x6d: {  	_ =	shalt  }
0x6e: {  	_ =	shalt  }
0x6f: {  	_ =	shalt  }
0x70: {  	_ =	shalt  }
0x71: {  	_ =	shalt  }
0x72: {  	_ =	shalt  }
0x73: {  	_ =	shalt  }
0x74: {  	_ =	shalt  }
0x75: {  	_ =	shalt  }
0x76: {  	_ =	shalt  }
0x77: {  	_ =	shalt  }
0x78: {  	_ =	shalt  }
0x79: {  	_ =	shalt  }
0x7a: {  	_ =	shalt  }
0x7b: {  	_ =	shalt  }
0x7c: {  	_ =	shalt  }
0x7d: {  	_ =	shalt  }
0x7e: {  	_ =	shalt  }
0x7f: {  	_ =	shalt  }
0x80: {  	_ =	shalt  }
0x81: {  	_ =	shalt  }
0x82: {  	_ =	shalt  }
0x83: {  	_ =	shalt  }
0x84: {  	_ =	shalt  }
0x85: {  	_ =	shalt  }
0x86: {  	_ =	shalt  }
0x87: {  	_ =	shalt  }
.Lfunc_end0:
.L_simem_size_0:
called_computation.3_lowered:
.L_overlay_start_0:
0x88: {  	s2 =	sld [smem:$0x3FD9]  }
0x89: {  	s3 =	sld [smem:$0x3FFE];
	_ =	sdelay $0x1  }
0x8a: {  	s1 =	srdreg.scid  }
0x8b: {  	s0 =	sand.u32 $0x1, s1  }
0x8c: {  	s16 =	sshll.u32 s0, $0xA;
	s2 =	sadd.s32 s3, s2  }
0x8d: {  	s2 =	sadd.s32 s2, s16  }
0x8e: {  	[smem:$0x3FB7] =	sst s2  }
0x8f: {  	_ = 	snop  }
0x90: {  	(tm) =	ssettm $0x1  }
0x91: {  	s17 =	sld [smem:$0x3FFB];
	_ =	sdelay $0x3  }
0x92: {  	_ =	strace s17  }
0x93: {  	s2 =	sld [smem:$0x3FFC];
	_ =	sdelay $0x3  }
0x94: {  	_ =	strace s2  }
0x95: {  	s2 =	sld [smem:$0x3FFD];
	_ =	sdelay $0x3  }
0x96: {  	_ =	strace s2  }
0x97: {  	_ =	strace $0x8FFFFFFF  }
0x98: {  	s18 =	sld [smem:$0x3FDB];
	_ =	sdelay $0x1  }
0x99: {  	s19 =	simm.s32 $_scs_section_size  }
0x9a: {  	s4 =	simm.s32 $_size__tile_overlayer_lowered;
	s5 =	simm.s32 $_tile_overlayer_lowered  }
0x9b: {  	s22 =	simm.s32 $0x1BFF;
	s21 =	sshll.u32 s5, $0x1;
	s2 =	sadd.s32 s19, s18  }
0x9c: {  	s6 =	simm.s32 $0x0;
	s20 =	sshll.u32 s4, $0x1;
	s4 =	sadd.s32 s21, s2  }
0x9d: {  	[timem:s6], [sflag:s22] =	dma.local [hbm:s4], s20  }
0x9e: {  	_ =	swait.ge [sflag:s22], s20  }
0x9f: {  	s3 =	ssub.s32 $0x0, s20;
	[sflag:s22] =	ssyncset.done $0x0  }
0xa0: {  	[sflag:s22] =	ssyncadd.s32 s3;
	_ =	sdelay $0x1  }
0xa1: {  	s23 =	simm.s32 $0x1B8B  }
0xa2: {  	_ =	swait.ge [sflag:s23], $0x1  }
0xa3: {  	[sflag:s23] =	ssyncset.done $0x0  }
0xa4: {  	s25 =	simm.s32 $0x1B8E;
	s24 =	sld [smem:$0x3FFE];
	[sflag:s23] =	ssyncadd.s32 $0xFFFFFFFF  }
0xa5: {  	s26 =	simm.s32 $execute0_lowered;
	[smem:$0x3FD2] =	sst s25  }
0xa6: {  	s4 =	sshll.u32 s26, $0x1;
	_ =	strace $0x8000004F;
	[dreg:$0x1] =	wrdreg $0xFFFFFFFF  }
0xa7: {  	s28 =	simm.s32 $_size_execute0_lowered;
	s2 =	sadd.s32 s2, s4;
	[dreg:$0x0] =	wrdreg $0x0  }
0xa8: {  	s4 =	sshll.u32 s28, $0x1;
	[dreg:$0x2] =	wrdreg s2  }
0xa9: {  	[dreg:$0x3] =	wrdreg s4  }
0xaa: {  	[dreg:$0x4] =	wrdreg $0xC0  }
0xab: {  	_ =	task [dreg:s6], $0x5FFFF  }
0xac: {  	[dreg:$0x1] =	wrdreg $0xFFFFFFFF  }
0xad: {  	[dreg:$0x0] =	wrdreg $0x60  }
0xae: {  	[dreg:$0x2] =	wrdreg s24  }
0xaf: {  	[dreg:$0x3] =	wrdreg $0xBC000  }
0xb0: {  	[dreg:$0x4] =	wrdreg $0x9  }
0xb1: {  	_ =	task.clear_ibuf [dreg:s6], $0x5FFFF;
	_ =	strace $0x9000004F  }
0xb2: {  	s29 =	simm.s32 $0x9;
	_ =	strace $0x80000051  }
0xb3: {  	_ =	swait.ge [sflag:s29], $0x1  }
0xb4: {  	[sflag:s29] =	ssyncadd.s32 $0xFFFFFFFF  }
0xb5: {  	_ =	strace $0x90000051  }
0xb6: {  	_ =	sfence  }
0xb7: {  	s30 =	sld [smem:$0x0];
	_ =	sdelay $0x2  }
0xb8: {  	s31 =	sshll.u32 s1, $0xD;
	s1 =	sshrl.u32 s1, $0x2  }
0xb9: {  	s3 =	sand.u32 $0x4000, s31;
	s1 =	sadd.s32 s1, s30  }
0xba: {  	s0 =	sor.u32 s3, s0;
	s1 =	sshll.u32 s1, $0x11  }
0xbb: {  	s0 =	sor.u32 s1, s0  }
0xbc: {  	s0 =	sadd.s32 $0x8F2B, s0  }
0xbd: {  	[sflag:s0] =	ssyncadd.remote.s32 $0x1  }
0xbe: {  	_ =	sfence.sel $0xFFFF  }
0xbf: {  	[dreg:$0x0] =	wrdreg $0xFFFFFFFF;
	(pc) =	sbr.abs _section_cstart, $3  }
0xc0: {  	[dreg:$0x1] =	wrdreg $0xFFFFFFFF  }
0xc1: {  	_ =	task.clear_ibuf [dreg:s6], $0x2FFFF;
	_ =	strace $0x9FFFFFFF  }
0xc2: {  	(tm) =	ssettm $0x7FFFFFFF  }
0xc3: {  	_ =	shalt  }
tec
execute0_lowered:
.L_overlay_start_1:
0x0: {  	(tag) =	ssettag $0x1  }
0x1: {  	s5 =	rddreg [dreg:$0x0]  }
0x2: {  	s2 =	rddreg [dreg:$0x1]  }
0x3: {  	s1 =	srdreg.scid;
	s0 =	rddreg [dreg:$0x2]  }
0x4: {  	s3 =	simm.s32 $0x0;
	s12 =	simm.s32 $0xB800;
	s13 =	simm.s32 $0x7800  }
0x5: {  	s14 =	simm.s32 $0x2;
	s15 =	simm.s32 $0xB880;
	s16 =	simm.s32 $0xB900  }
0x6: {  	s17 =	simm.s32 $0xB980;
	s18 =	simm.s32 $0xBA00;
	s19 =	simm.s32 $0x2800  }
0x7: {  	s20 =	simm.s32 $0x5000;
	s6 =	sand.u32 $0x1, s1;
	s1 =	stileid.u32  }
0x8: {  	s21 =	simm.s32 $0x1;
	[smem:$0x7FF] =	sst s3;
	s7 =	smul.u32 $0x140000, s6  }
0x9: {  	s4 =	sshll.u32 s6, $0x4;
	s8 =	smul.u32 $0x14000, s1;
	_ =	strace $0x80000050  }
0xa: {  	s6 =	ssub.s32 $0x2, s6;
	s10 =	smul.u32 $0x50000, s1;
	s4 =	sor.u32 s1, s4  }
0xb: {  	s31 =	sshrl.u32 s6, $0x1;
	s9 =	smul.u32 $0x500, s4;
	s4 =	sadd.s32 $0x21400, s5  }
0xc: {  	s7 =	sadd.s32 s8, s7;
	s11 =	ssub.s32 s6, s31;
	s10 =	sshrl.u32 s10, $0x2  }
0xd: {  	s7 =	sshrl.u32 s7, $0x3;
	s22 =	sadd.s32 s10, s2;
	s10 =	smax.u32 s11, $0x1  }
0xe: {  	s11 =	simm.s32 $0x80;
	s29 =	sadd.s32 s9, s5;
	s30 =	sadd.s32 s7, s5  }
0xf: {  	s5 =	smul.u32 $0x280, s1;
	s22 =	sshrl.u32 s22, $0x3;
	s6 =	sadd.s32 $0x17400, s29  }
0x10: {  	v0 =	vimm.f32 $0.0e+00;
	v1 =	vlaneseq.u32;
	s7 =	sadd.s32 $0xD400, s29;
	s8 =	sadd.s32 $0x3400, s29;
	s9 =	sadd.s32 $0x48600, s30  }
.LBB2_1:
0x11: {  	s23 =	simm.s32 $0x0;
	s24 =	simm.s32 $0x200  }
.LBB2_2:
0x12: {  	p0 =	sne.s32 s24, $0xFE00;
	[tilespmem:s23+$0x7870] =	vst v0  }
0x13: {  	[tilespmem:s23+$0x7800] =	vst v0  }
0x14: {  	[tilespmem:s23+$0x7810] =	vst v0  }
.Ltmp0:
0x15: {  	[tilespmem:s23+$0x7820] =	vst v0;
	(pc) =	sbr.rel @p0 .LBB2_2-.Ltmp0, $4  }
0x16: {  	[tilespmem:s23+$0x7830] =	vst v0  }
0x17: {  	[tilespmem:s23+$0x7840] =	vst v0  }
0x18: {  	[tilespmem:s23+$0x7850] =	vst v0  }
0x19: {  	[tilespmem:s23+$0x7860] =	vst v0;
	s23 =	sshra.s32 s24, $0x2;
	s24 =	sadd.s32 $0x200, s24  }
0x1a: {  	[tilespmem:s23+$0x7870] =	vst v0  }
0x1b: {  	[tilespmem:s23+$0x7800] =	vst v0  }
0x1c: {  	[tilespmem:s23+$0x7810] =	vst v0  }
0x1d: {  	[tilespmem:s23+$0x7820] =	vst v0  }
0x1e: {  	[tilespmem:s23+$0x7830] =	vst v0  }
0x1f: {  	[tilespmem:s23+$0x7840] =	vst v0;
	s24 =	sadd.s32 $0x0, s5  }
0x20: {  	[tilespmem:s23+$0x7850] =	vst v0;
	s25 =	sadd.s32 $0x70, s24  }
0x21: {  	[tilespmem:s23+$0x7860] =	vst v0;
	s23 =	simm.s32 $0xB840;
	s26 =	sadd.s32 $0x10, s24;
	v2 =	vor.u32 s25, v1  }
0x22: {  	s30 =	sadd.s32 $0x50, s24;
	v3 =	vor.u32 s26, v1;
	[tilespmem:s23+$0x30] =	vst v2  }
0x23: {  	s26 =	sadd.s32 $0x20, s24;
	v4 =	vor.u32 s30, v1;
	[tilespmem:s23+$0xFFFFFFD0] =	vst v3  }
0x24: {  	s28 =	sadd.s32 $0x30, s24;
	v2 =	vor.u32 s26, v1;
	[tilespmem:s23+$0x10] =	vst v4  }
0x25: {  	s29 =	sadd.s32 $0x40, s24;
	v3 =	vor.u32 s28, v1;
	[tilespmem:s23+$0xFFFFFFE0] =	vst v2  }
0x26: {  	s31 =	sadd.s32 $0x60, s24;
	v2 =	vor.u32 s29, v1;
	[tilespmem:s23+$0xFFFFFFF0] =	vst v3  }
0x27: {  	s25 =	simm.s32 $0x100;
	v3 =	vor.u32 s31, v1;
	[tilespmem:s23+$0x0] =	vst v2;
	v2 =	vor.u32 s24, v1;
	s24 =	sadd.s32 $0x80, s5  }
.LBB2_4:
0x28: {  	p0 =	sne.s32 s25, $0x200;
	v4 =	vor.u32 s24, v1;
	s26 =	sadd.s32 $0x10, s24;
	s28 =	sadd.s32 $0x70, s24;
	[tilespmem:s23+$0x20] =	vst v3  }
0x29: {  	s29 =	sadd.s32 $0x30, s24;
	v3 =	vor.u32 s26, v1;
	s26 =	sadd.s32 $0x20, s24;
	v5 =	vor.u32 s28, v1;
	[tilespmem:s23+$0xFFFFFFC0] =	vst v2;
	s23 =	sadd.s32 $0x80, s23;
	v2 =	vmov v4  }
0x2a: {  	v6 =	vor.u32 s29, v1;
	s28 =	sadd.s32 $0x50, s24;
	v4 =	vor.u32 s26, v1;
	s26 =	sadd.s32 $0x40, s24;
	s24 =	sadd.s32 $0x60, s24;
	[tilespmem:s23+$0x30] =	vst v5  }
.Ltmp1:
0x2b: {  	v7 =	vor.u32 s28, v1;
	[tilespmem:s23+$0xFFFFFFD0] =	vst v3;
	v5 =	vor.u32 s26, v1;
	v3 =	vor.u32 s24, v1;
	(pc) =	sbr.rel @p0 .LBB2_4-.Ltmp1, $4  }
0x2c: {  	[tilespmem:s23+$0xFFFFFFE0] =	vst v4  }
0x2d: {  	[tilespmem:s23+$0xFFFFFFF0] =	vst v6  }
0x2e: {  	[tilespmem:s23+$0x0] =	vst v5  }
0x2f: {  	s24 =	sadd.s32 s25, s5;
	s25 =	sadd.s32 $0x80, s25;
	[tilespmem:s23+$0x10] =	vst v7  }
0x30: {  	s25 =	sadd.s32 $0x70, s24;
	[tilespmem:s23+$0x20] =	vst v3  }
0x31: {  	s26 =	sadd.s32 $0x10, s24;
	[tilespmem:s23+$0xFFFFFFC0] =	vst v2;
	s23 =	sadd.s32 $0x80, s23;
	v3 =	vor.u32 s25, v1  }
0x32: {  	v2 =	vor.u32 s26, v1;
	s26 =	sadd.s32 $0x20, s24;
	[tilespmem:s23+$0x30] =	vst v3  }
0x33: {  	s28 =	sadd.s32 $0x30, s24;
	v3 =	vor.u32 s26, v1;
	[tilespmem:s23+$0xFFFFFFD0] =	vst v2  }
0x34: {  	s29 =	sadd.s32 $0x40, s24;
	v2 =	vor.u32 s28, v1;
	[tilespmem:s23+$0xFFFFFFE0] =	vst v3  }
0x35: {  	s30 =	sadd.s32 $0x50, s24;
	v3 =	vor.u32 s29, v1;
	[tilespmem:s23+$0xFFFFFFF0] =	vst v2  }
0x36: {  	s31 =	sadd.s32 $0x60, s24;
	v2 =	vor.u32 s30, v1;
	[tilespmem:s23+$0x0] =	vst v3  }
0x37: {  	v3 =	vor.u32 s31, v1;
	[tilespmem:s23+$0x10] =	vst v2  }
0x38: {  	v2 =	vor.u32 s24, v1;
	[tilespmem:s23+$0x20] =	vst v3  }
0x39: {  	[tilespmem:s23+$0xFFFFFFC0] =	vst v2  }
0x3a: {  	[spmem:s2] =	stream.indirect.scatter [tilespmem:s13], [sflag:$0x2], $0x80, s12, s11, $0xb8;
	[tilespmem:$0x1FC00] =	vst v63  }
0x3b: {  	_ =	swait.ge [sflag:s14], $0x4000  }
0x3c: {  	[sflag:s14] =	ssyncset.done $0x0  }
0x3d: {  	[sflag:s14] =	ssyncadd.s32 $0xFFFFC000  }
0x3e: {  	[spmem:s2] =	stream.indirect.scatter [tilespmem:s13], [sflag:$0x2], $0x80, s15, s11, $0xb8;
	[tilespmem:$0x1FC00] =	vst v63  }
0x3f: {  	_ =	swait.ge [sflag:s14], $0x4000  }
0x40: {  	[sflag:s14] =	ssyncset.done $0x0  }
0x41: {  	[sflag:s14] =	ssyncadd.s32 $0xFFFFC000  }
0x42: {  	[spmem:s2] =	stream.indirect.scatter [tilespmem:s13], [sflag:$0x2], $0x80, s16, s11, $0xb8;
	[tilespmem:$0x1FC00] =	vst v63  }
0x43: {  	_ =	swait.ge [sflag:s14], $0x4000  }
0x44: {  	[sflag:s14] =	ssyncset.done $0x0  }
0x45: {  	[sflag:s14] =	ssyncadd.s32 $0xFFFFC000  }
0x46: {  	[spmem:s2] =	stream.indirect.scatter [tilespmem:s13], [sflag:$0x2], $0x80, s17, s11, $0xb8;
	[tilespmem:$0x1FC00] =	vst v63  }
0x47: {  	_ =	swait.ge [sflag:s14], $0x4000  }
0x48: {  	[sflag:s14] =	ssyncset.done $0x0  }
0x49: {  	[sflag:s14] =	ssyncadd.s32 $0xFFFFC000  }
0x4a: {  	[spmem:s2] =	stream.indirect.scatter [tilespmem:s13], [sflag:$0x2], $0x80, s18, s11, $0xb8;
	[tilespmem:$0x1FC00] =	vst v63  }
0x4b: {  	_ =	swait.ge [sflag:s14], $0x4000  }
0x4c: {  	[sflag:s14] =	ssyncset.done $0x0  }
0x4d: {  	s23 =	simm.s32 $0x0;
	[sflag:s14] =	ssyncadd.s32 $0xFFFFC000  }
0x4e: {  	[tilespmem:s23], [sflag:$0x2] =	stream.linear.gather [hbm4b:s6+s23], $0x2800, $0x38;
	[tilespmem:$0x1FC00] =	vst v63  }
0x4f: {  	_ =	swait.ge [sflag:s14], $0x2800  }
0x50: {  	[sflag:s14] =	ssyncset.done $0x0  }
0x51: {  	[sflag:s14] =	ssyncadd.s32 $0xFFFFD800  }
0x52: {  	[tilespmem:s19], [sflag:$0x2] =	stream.linear.gather [hbm4b:s7+s23], $0x2800, $0x38;
	[tilespmem:$0x1FC00] =	vst v63  }
0x53: {  	_ =	swait.ge [sflag:s14], $0x2800  }
0x54: {  	[sflag:s14] =	ssyncset.done $0x0  }
0x55: {  	[sflag:s14] =	ssyncadd.s32 $0xFFFFD800  }
0x56: {  	[tilespmem:s20], [sflag:$0x2] =	stream.linear.gather [hbm4b:s8+s23], $0x2800, $0x38;
	[tilespmem:$0x1FC00] =	vst v63  }
0x57: {  	_ =	swait.ge [sflag:s14], $0x2800  }
0x58: {  	[sflag:s14] =	ssyncset.done $0x0  }
0x59: {  	[sflag:s14] =	ssyncadd.s32 $0xFFFFD800  }
0x5a: {  	s24 =	simm.s32 $0x0;
	[bflag:$0x0] =	sbarrier.arrive $0xFFFF  }
.LBB2_6:
0x5b: {  	s25 =	sshll.u32 s24, $0x7  }
0x5c: {  	v3 =	vmov s23;
	[tilespmem:s13], [sflag:$0x1] =	stream.indirect.gather [hbm4b:s4+s11], $0x80, s25, s11, $0xb8;
	[tilespmem:$0x1FC00] =	vst v63  }
0x5d: {  	v2 =	vmov s25;
	v3 =	vand.u32 $0x7E, v3;
	_ =	swait.ge [sflag:s21], $0x4000  }
0x5e: {  	v3 =	vor.u32 v2, v3;
	[sflag:s21] =	ssyncset.done $0x0  }
0x5f: {  	s26 =	simm.s32 $0x7880;
	v3 =	vbroadcast v3, $0x0;
	[sflag:s21] =	ssyncadd.s32 $0xFFFFC000  }
0x60: {  	v8 =	vld [tilespmem:s26+$0x70]  }
0x61: {  	v5 =	vld [tilespmem:s26+$0xFFFFFFD0]  }
0x62: {  	s28 =	simm.s32 $0x1;
	v6 =	vld [tilespmem:s26+$0xFFFFFFF0]  }
0x63: {  	v4 =	vmov s28;
	v7 =	vld [tilespmem:s26+$0xFFFFFFB0]  }
0x64: {  	v4 =	vand.u32 $0x7F, v4;
	v10 =	vld [tilespmem:s26+$0xFFFFFFA0]  }
0x65: {  	v9 =	vld.idx.msk [tilespmem:v3+s20+$0x0], $0xffff;
	v3 =	vor.u32 v2, v4  }
0x66: {  	v4 =	vld [tilespmem:s26+$0xFFFFFF80];
	v3 =	vbroadcast v3, $0x0  }
0x67: {  	v11 =	vld [tilespmem:s26+$0xFFFFFF90]  }
0x68: {  	v12 =	vld [tilespmem:s26+$0xFFFFFFC0]  }
0x69: {  	v13 =	vld [tilespmem:s26+$0xFFFFFFE0]  }
0x6a: {  	v14 =	vld [tilespmem:s26+$0x50]  }
0x6b: {  	v15 =	vmul.f32 v4, v9;
	v16 =	vmul.f32 v6, v9;
	v6 =	vld [tilespmem:s26+$0x10]  }
0x6c: {  	v5 =	vmul.f32 v5, v9;
	v4 =	vld.idx.msk [tilespmem:v3+s20+$0x0], $0xffff  }
0x6d: {  	v7 =	vmul.f32 v7, v9;
	v3 =	vmul.f32 v10, v9;
	v10 =	vld [tilespmem:s26+$0x0];
	[tilespmem:s26+$0xFFFFFF80] =	vst v15  }
0x6e: {  	v15 =	vld [tilespmem:s26+$0x20];
	[tilespmem:s26+$0xFFFFFFD0] =	vst v5  }
0x6f: {  	v12 =	vmul.f32 v12, v9;
	[tilespmem:s26+$0xFFFFFFB0] =	vst v7;
	v7 =	vld [tilespmem:s26+$0x60]  }
0x70: {  	v5 =	vmul.f32 v11, v9;
	v11 =	vmul.f32 v13, v9;
	[tilespmem:s26+$0xFFFFFFF0] =	vst v16;
	v9 =	vld [tilespmem:s26+$0x40]  }
0x71: {  	[tilespmem:s26+$0xFFFFFFA0] =	vst v3;
	v3 =	vld [tilespmem:s26+$0x30]  }
0x72: {  	[tilespmem:s26+$0xFFFFFFC0] =	vst v12;
	v10 =	vmul.f32 v10, v4;
	v12 =	vmul.f32 v8, v4  }
0x73: {  	s29 =	simm.s32 $0x7880;
	s28 =	simm.s32 $0x2;
	[tilespmem:s26+$0xFFFFFFE0] =	vst v11;
	v8 =	vmul.f32 v15, v4;
	v11 =	vmul.f32 v14, v4  }
.LBB2_7:
0x74: {  	p0 =	sne.s32 s28, $0x7E  }
0x75: {  	v13 =	vmov s28;
	[tilespmem:s26+$0xFFFFFF90] =	vst v5;
	v5 =	vmul.f32 v6, v4;
	v6 =	vmul.f32 v7, v4;
	s29 =	sadd.s32 $0x100, s29;
	s30 =	smov.u32 s28;
	s28 =	sadd.s32 $0x2, s28  }
0x76: {  	v3 =	vmul.f32 v3, v4;
	v7 =	vand.u32 $0x7E, v13;
	v4 =	vmul.f32 v9, v4;
	[tilespmem:s26+$0x70] =	vst v12  }
0x77: {  	v7 =	vor.u32 v2, v7;
	[tilespmem:s26+$0x0] =	vst v10  }
0x78: {  	v7 =	vbroadcast v7, $0x0;
	v12 =	vld [tilespmem:s29+$0x70];
	[tilespmem:s26+$0x50] =	vst v11  }
0x79: {  	v9 =	vld [tilespmem:s29+$0xFFFFFFD0];
	[tilespmem:s26+$0x20] =	vst v8  }
0x7a: {  	v8 =	vld [tilespmem:s29+$0xFFFFFFF0];
	[tilespmem:s26+$0x30] =	vst v3  }
0x7b: {  	s30 =	sadd.s32 $0x1, s30;
	v3 =	vld [tilespmem:s29+$0x30];
	[tilespmem:s26+$0x40] =	vst v4  }
0x7c: {  	v4 =	vmov s30;
	v10 =	vld [tilespmem:s29+$0xFFFFFFB0];
	[tilespmem:s26+$0x60] =	vst v6  }
0x7d: {  	v4 =	vand.u32 $0x7F, v4;
	v6 =	vld [tilespmem:s29+$0xFFFFFF90];
	[tilespmem:s26+$0x10] =	vst v5;
	s26 =	smov.u32 s29  }
0x7e: {  	v4 =	vor.u32 v2, v4;
	v7 =	vld.idx.msk [tilespmem:v7+s20+$0x0], $0xffff  }
0x7f: {  	v4 =	vbroadcast v4, $0x0;
	v5 =	vld [tilespmem:s29+$0xFFFFFF80]  }
0x80: {  	v11 =	vld [tilespmem:s29+$0xFFFFFFA0]  }
0x81: {  	v13 =	vld [tilespmem:s29+$0xFFFFFFC0]  }
0x82: {  	v14 =	vld [tilespmem:s29+$0xFFFFFFE0]  }
0x83: {  	v15 =	vld [tilespmem:s29+$0x50]  }
0x84: {  	v16 =	vmul.f32 v5, v7;
	v5 =	vmul.f32 v6, v7;
	v17 =	vld [tilespmem:s29+$0x0]  }
0x85: {  	v10 =	vmul.f32 v10, v7;
	v4 =	vld.idx.msk [tilespmem:v4+s20+$0x0], $0xffff;
	v6 =	vmul.f32 v11, v7  }
0x86: {  	v9 =	vmul.f32 v9, v7;
	[tilespmem:s29+$0xFFFFFF80] =	vst v16;
	v11 =	vmul.f32 v13, v7;
	v13 =	vld [tilespmem:s29+$0x20]  }
0x87: {  	v8 =	vmul.f32 v8, v7;
	[tilespmem:s29+$0xFFFFFFA0] =	vst v6;
	v14 =	vmul.f32 v14, v7;
	v7 =	vld [tilespmem:s29+$0x60]  }
.Ltmp2:
0x88: {  	[tilespmem:s29+$0xFFFFFFD0] =	vst v9;
	v6 =	vld [tilespmem:s29+$0x10];
	(pc) =	sbr.rel @p0 .LBB2_7-.Ltmp2, $4  }
0x89: {  	[tilespmem:s29+$0xFFFFFFB0] =	vst v10;
	v9 =	vld [tilespmem:s29+$0x40]  }
0x8a: {  	[tilespmem:s29+$0xFFFFFFF0] =	vst v8  }
0x8b: {  	v10 =	vmul.f32 v17, v4;
	v12 =	vmul.f32 v12, v4;
	[tilespmem:s29+$0xFFFFFFC0] =	vst v11  }
0x8c: {  	v8 =	vmul.f32 v13, v4;
	v11 =	vmul.f32 v15, v4;
	[tilespmem:s29+$0xFFFFFFE0] =	vst v14  }
0x8d: {  	[tilespmem:s26+$0xFFFFFF90] =	vst v5  }
0x8e: {  	[tilespmem:s26+$0x70] =	vst v12  }
0x8f: {  	[tilespmem:s26+$0x0] =	vst v10  }
0x90: {  	v2 =	vmul.f32 v3, v4;
	[tilespmem:s26+$0x50] =	vst v11  }
0x91: {  	v63 =	vmul.f32 v7, v4;
	[tilespmem:s26+$0x20] =	vst v8  }
0x92: {  	v3 =	vmul.f32 v9, v4;
	[tilespmem:s26+$0x30] =	vst v2  }
0x93: {  	s24 =	sadd.s32 $0x1, s24;
	v2 =	vmul.f32 v6, v4;
	[tilespmem:s26+$0x60] =	vst v63  }
0x94: {  	p0 =	sne.s32 s24, $0x50;
	[tilespmem:s26+$0x40] =	vst v3  }
.Ltmp3:
0x95: {  	s25 =	sadd.s32 $0x2800, s25;
	[tilespmem:s26+$0x10] =	vst v2;
	(pc) =	sbr.rel @p0 .LBB2_6-.Ltmp3, $4  }
0x96: {  	[spmem:s2] =	stream.indirect.scatter.add.f32 [tilespmem:s13], [sflag:$0x2], $0x80, s25, s11, $0xb8;
	[tilespmem:$0x1FC00] =	vst v63  }
0x97: {  	_ =	swait.ge [sflag:s14], $0x4000  }
0x98: {  	[sflag:s14] =	ssyncset.done $0x0  }
0x99: {  	[sflag:s14] =	ssyncadd.s32 $0xFFFFC000  }
0x9a: {  	s3 =	sadd.s32 $0x1, s3  }
0x9b: {  	s23 =	sshll.u32 s1, $0x6;
	p0 =	sne.s32 s3, s10  }
.Ltmp4:
0x9c: {  	[bflag:$0x0] =	sbarrier.arrive $0xFFFF;
	s23 =	sor.u32 $0x1C02, s23;
	(pc) =	sbr.rel @p0 .LBB2_1-.Ltmp4, $4  }
0x9d: {  	[hbm:s9], [sflag:s23] =	dma.local [spmem:s22], $0x2800  }
0x9e: {  	_ =	swait.ge [sflag:s14], $0x2800  }
0x9f: {  	[sflag:s14] =	ssyncset.done $0x0  }
0xa0: {  	[sflag:s14] =	ssyncadd.s32 $0xFFFFD800  }
0xa1: {  	_ =	sfence.sel $0x180000  }
0xa2: {  	[bflag:$0x0] =	sbarrier.arrive $0xFFFF  }
0xa3: {  	p0 =	sne.s32 s1, $0x0;
	_ =	strace $0x90000050  }
0xa4: {  	s0 =	sadd.s32 @!p0 $0x100000, s0;
	[bflag:$0x2] =	sbarrier.arrive $0xFFFF  }
0xa5: {  	[sflag:s0] =	ssyncadd.tile.s32 @!p0 $0x1;
	_ =	shalt  }
.Lfunc_end2:
_tile_overlayer_lowered:
.L_overlay_start_2:
0xa6: {  	(tag) =	ssettag $0x2  }
0xa7: {  	s0 =	rddreg [dreg:$0x0];
	s2 =	stileid.u32  }
0xa8: {  	s1 =	rddreg [dreg:$0x1];
	p0 =	sne.s32 s2, $0x0  }
0xa9: {  	s3 =	rddreg [dreg:$0x2];
	[bflag:$0x3] =	sbarrier.arrive $0xFFFF;
	s2 =	simm.s32 @!p0 $0x1C02  }
0xaa: {  	[timem:s3], [sflag:s2] =	dma.local @!p0 [hbm:s0], s1  }
0xab: {  	s0 =	simm.s32 @!p0 $0x2  }
0xac: {  	_ =	swait.ge @!p0 [sflag:s0], s1  }
0xad: {  	s1 =	ssub.s32 @!p0 $0x0, s1;
	[sflag:s0] =	ssyncset.done @!p0 $0x0  }
0xae: {  	[sflag:s0] =	ssyncadd.s32 @!p0 s1  }
0xaf: {  	[bflag:$0x3] =	sbarrier.arrive $0xFFFF  }
0xb0: {  	_ =	shalt  }

</sc_bundles>
